<compile_context>
chip_gen: v7x
topology: tpu7x:2x2x1
jax: 0.10.2.dev20260603
libtpu: 0.0.44.dev20260713+nightly
codegen_flags: <defaults>
</compile_context>

<pallas_src>
import functools

import jax
import jax.numpy as jnp
from jax import lax
from jax.experimental import pallas as pl
from jax.experimental.pallas import tpu as pltpu
from jax.experimental.pallas import tpu_sc as plsc

N = 10000
E = 320000
D = 128
H = 128
G = 16

NC = 2
NS = 16
NW = NC * NS

CHUNK = 80
EPW = E // NW
NFULL = EPW // CHUNK
NBUF = 3
PH0 = 63
PH1 = NFULL - PH0
NR0 = PH0 // NBUF
NR1 = PH1 // NBUF
NLEFT = PH1 - NR1 * NBUF
ZCHUNK = 80
RCHUNKS = N // ZCHUNK

_SC_MESH = plsc.VectorSubcoreMesh(
    core_axis_name="c", subcore_axis_name="s", num_cores=NC, num_subcores=NS)


def _sc_degree(dstm):
    @functools.partial(
        pl.kernel,
        out_type=jax.ShapeDtypeStruct((NC * N,), jnp.float32),
        mesh=_SC_MESH,
        scratch_types=[
            pltpu.VMEM((NFULL, CHUNK), jnp.int32),
            pltpu.VMEM((CHUNK,), jnp.float32),
            pltpu.VMEM((ZCHUNK,), jnp.float32),
            pltpu.VMEM_SHARED((N,), jnp.float32),
            pltpu.SemaphoreType.DMA,
        ],
    )
    def deg_kernel(dstm_hbm, out_hbm, dstidx, valbuf, zbuf, acc, sem):
        c = lax.axis_index("c")
        s = lax.axis_index("s")
        wid = c * NS + s

        ones16 = jnp.ones((16,), jnp.float32)
        zero16 = jnp.zeros((16,), jnp.float32)

        def fill(i, _):
            valbuf[pl.ds(i * 16, 16)] = ones16
            return 0
        lax.fori_loop(0, CHUNK // 16, fill, 0)

        def zfill(i, _):
            zbuf[pl.ds(i * 16, 16)] = zero16
            return 0
        lax.fori_loop(0, ZCHUNK // 16, zfill, 0)

        pltpu.sync_copy(dstm_hbm.at[wid], dstidx)

        def acc_zero(j, _):
            k = s * 8 + j

            @pl.when(k < RCHUNKS)
            def _():
                pltpu.sync_copy(zbuf, acc.at[pl.ds(k * ZCHUNK, ZCHUNK)])
            return 0
        lax.fori_loop(0, 8, acc_zero, 0)
        plsc.subcore_barrier()

        def fire(g, _):
            pltpu.async_copy(valbuf, acc.at[dstidx.at[g]], sem, add=True)
            return 0
        lax.fori_loop(0, NFULL, fire, 0)

        def drain(g, _):
            pltpu.make_async_copy(valbuf, acc.at[dstidx.at[0]], sem).wait()
            return 0
        lax.fori_loop(0, NFULL, drain, 0)

        plsc.subcore_barrier()

        obase = c * N

        def dump(j, _):
            k = s * 8 + j

            @pl.when(k < RCHUNKS)
            def _():
                pltpu.sync_copy(acc.at[pl.ds(k * ZCHUNK, ZCHUNK)], zbuf)
                pltpu.sync_copy(zbuf, out_hbm.at[pl.ds(obase + k * ZCHUNK, ZCHUNK)])
            return 0
        lax.fori_loop(0, 8, dump, 0)

    return deg_kernel(dstm)


def _sc_scatter(table, srcm, dstmA, dstmB):
    @functools.partial(
        pl.kernel,
        out_type=jax.ShapeDtypeStruct((NC, N, H), jnp.float32),
        mesh=_SC_MESH,
        scratch_types=[
            pltpu.VMEM((EPW,), jnp.int32),
            pltpu.VMEM((PH0, CHUNK), jnp.int32),
            [pltpu.VMEM((CHUNK, H), jnp.float32)] * NBUF,
            pltpu.VMEM_SHARED((N, H), jnp.float32),
            [pltpu.SemaphoreType.DMA] * NBUF,
            [pltpu.SemaphoreType.DMA] * NBUF,
        ],
    )
    def scat_kernel(table_hbm, srcm_hbm, dstmA_hbm, dstmB_hbm,
                    out_hbm, srcidx, dstidx, rows, acc, gsems, ssems):
        c = lax.axis_index("c")
        s = lax.axis_index("s")
        wid = c * NS + s

        zero16 = jnp.zeros((16,), jnp.float32)

        pltpu.sync_copy(srcm_hbm.at[pl.ds(wid * EPW, EPW)], srcidx)
        pltpu.sync_copy(dstmA_hbm.at[wid], dstidx)

        def zrow(r, _):
            def zcol(cc, _):
                rows[0][r, pl.ds(cc * 16, 16)] = zero16
                return 0
            lax.fori_loop(0, H // 16, zcol, 0)
            return 0
        lax.fori_loop(0, ZCHUNK, zrow, 0)

        def acc_zero(j, _):
            k = s * 8 + j

            @pl.when(k < RCHUNKS)
            def _():
                pltpu.sync_copy(rows[0].at[pl.ds(0, ZCHUNK), :],
                                acc.at[pl.ds(k * ZCHUNK, ZCHUNK), :])
            return 0
        lax.fori_loop(0, 8, acc_zero, 0)
        plsc.subcore_barrier()

        def gather(g, b):
            pltpu.async_copy(table_hbm.at[srcidx.at[pl.ds(g * CHUNK, CHUNK)]],
                             rows[b], gsems[b])

        def gather_wait(b):
            pltpu.make_async_copy(
                table_hbm.at[srcidx.at[pl.ds(0, CHUNK)]], rows[b],
                gsems[b]).wait()

        def scatter(g, b):
            pltpu.async_copy(rows[b], acc.at[dstidx.at[g]], ssems[b],
                             add=True)

        def scatter_wait(b):
            pltpu.make_async_copy(rows[b], acc.at[dstidx.at[0]],
                                  ssems[b]).wait()

        for b in range(NBUF):
            gather(b, b)

        def round0(r, _):
            for b in range(NBUF):
                gather_wait(b)
                scatter(NBUF * r + b, b)
            for b in range(NBUF):
                scatter_wait(b)
                g = NBUF * r + NBUF + b
                gather(g, b)
            return 0
        lax.fori_loop(0, NR0, round0, 0)

        pltpu.sync_copy(dstmB_hbm.at[wid], dstidx.at[pl.ds(0, PH1), :])

        def round1(r, _):
            for b in range(NBUF):
                gather_wait(b)
                scatter(NBUF * r + b, b)
            for b in range(NBUF):
                scatter_wait(b)
                g = PH0 + NBUF * r + NBUF + b

                @pl.when(g < NFULL)
                def _():
                    gather(g, b)
            return 0
        lax.fori_loop(0, NR1, round1, 0)

        for i in range(NLEFT):
            gather_wait(i)
            scatter(NR1 * NBUF + i, i)
            scatter_wait(i)
        plsc.subcore_barrier()

        def dump(j, _):
            k = s * 8 + j

            @pl.when(k < RCHUNKS)
            def _():
                pltpu.sync_copy(acc.at[pl.ds(k * ZCHUNK, ZCHUNK), :],
                                rows[0].at[pl.ds(0, ZCHUNK), :])
                pltpu.sync_copy(rows[0].at[pl.ds(0, ZCHUNK), :],
                                out_hbm.at[c, pl.ds(k * ZCHUNK, ZCHUNK), :])
            return 0
        lax.fori_loop(0, 8, dump, 0)

    return scat_kernel(table, srcm, dstmA, dstmB)


_BLK = 1000
_NBLK = N // _BLK


def _tc_prescale(x, W1, degp):
    def body(x_ref, w_ref, dp_ref, hw_ref, dinv_ref):
        deg = 1.0 + dp_ref[0] + dp_ref[1]
        dinv = lax.rsqrt(deg)
        dinv_ref[...] = dinv
        hw_ref[...] = jnp.dot(x_ref[...], w_ref[...],
                              preferred_element_type=jnp.float32) * dinv

    return pl.pallas_call(
        body,
        grid=(_NBLK,),
        in_specs=[
            pl.BlockSpec((_BLK, D), lambda i: (i, 0)),
            pl.BlockSpec((D, H), lambda i: (0, 0)),
            pl.BlockSpec((NC, _BLK, 1), lambda i: (0, i, 0)),
        ],
        out_specs=[
            pl.BlockSpec((_BLK, H), lambda i: (i, 0)),
            pl.BlockSpec((_BLK, 1), lambda i: (i, 0)),
        ],
        out_shape=[
            jax.ShapeDtypeStruct((N, H), jnp.float32),
            jax.ShapeDtypeStruct((N, 1), jnp.float32),
        ],
    )(x, W1, degp)


def _tc_layer_mid(Sp, hwp, dinv, b, W2):
    def body(s_ref, hw_ref, dinv_ref, b_ref, w_ref, out_ref):
        dinv = dinv_ref[...]
        h = s_ref[0] + s_ref[1] + hw_ref[...]
        h = jnp.maximum(dinv * h + b_ref[...], 0.0)
        out_ref[...] = jnp.dot(h, w_ref[...],
                               preferred_element_type=jnp.float32) * dinv

    return pl.pallas_call(
        body,
        grid=(_NBLK,),
        in_specs=[
            pl.BlockSpec((NC, _BLK, H), lambda i: (0, i, 0)),
            pl.BlockSpec((_BLK, H), lambda i: (i, 0)),
            pl.BlockSpec((_BLK, 1), lambda i: (i, 0)),
            pl.BlockSpec((1, H), lambda i: (0, 0)),
            pl.BlockSpec((H, H), lambda i: (0, 0)),
        ],
        out_specs=pl.BlockSpec((_BLK, H), lambda i: (i, 0)),
        out_shape=jax.ShapeDtypeStruct((N, H), jnp.float32),
    )(Sp, hwp, dinv, b, W2)


def _tc_finish_pool(Sp, hwp, dinv, b, batch2d):
    def body(s_ref, hw_ref, dinv_ref, b_ref, bat_ref, out_ref, cnt_ref):
        i = pl.program_id(0)
        dinv = dinv_ref[...]
        h = s_ref[0] + s_ref[1] + hw_ref[...]
        h = jnp.maximum(dinv * h + b_ref[...], 0.0)

        gids = lax.broadcasted_iota(jnp.int32, (_BLK, G), 1)
        onehot = (bat_ref[...] == gids).astype(jnp.float32)
        part = lax.dot_general(onehot, h, (((0,), (0,)), ((), ())),
                               preferred_element_type=jnp.float32)
        pcnt = lax.dot_general(onehot, jnp.ones((_BLK, 1), jnp.float32),
                               (((0,), (0,)), ((), ())),
                               preferred_element_type=jnp.float32)

        @pl.when(i == 0)
        def _():
            out_ref[...] = jnp.zeros_like(out_ref)
            cnt_ref[...] = jnp.zeros_like(cnt_ref)

        out_ref[...] += part
        cnt_ref[...] += pcnt

        @pl.when(i == _NBLK - 1)
        def _():
            out_ref[...] = out_ref[...] / jnp.maximum(cnt_ref[...], 1.0)

    return pl.pallas_call(
        body,
        grid=(_NBLK,),
        in_specs=[
            pl.BlockSpec((NC, _BLK, H), lambda i: (0, i, 0)),
            pl.BlockSpec((_BLK, H), lambda i: (i, 0)),
            pl.BlockSpec((_BLK, 1), lambda i: (i, 0)),
            pl.BlockSpec((1, H), lambda i: (0, 0)),
            pl.BlockSpec((_BLK, 1), lambda i: (i, 0)),
        ],
        out_specs=pl.BlockSpec((G, H), lambda i: (0, 0)),
        out_shape=jax.ShapeDtypeStruct((G, H), jnp.float32),
        scratch_shapes=[pltpu.VMEM((G, 1), jnp.float32)],
    )(Sp, hwp, dinv, b, batch2d)


def kernel(x, edge_index, batch, W1, b1, W2, b2):
    srcf = edge_index[0]
    dstm = edge_index[1].reshape(NW, NFULL, CHUNK)
    dstmA = dstm[:, :PH0, :]
    dstmB = dstm[:, PH0:, :]

    degp = _sc_degree(dstm)
    degp3 = degp.reshape(NC, N, 1)

    hw1p, dinv = _tc_prescale(x, W1, degp3)
    S1 = _sc_scatter(hw1p, srcf, dstmA, dstmB)
    hw2p = _tc_layer_mid(S1, hw1p, dinv, b1.reshape(1, H), W2)
    S2 = _sc_scatter(hw2p, srcf, dstmA, dstmB)
    g = _tc_finish_pool(S2, hw2p, dinv, b2.reshape(1, H),
                        batch.reshape(N, 1))
    return g

# --- scband reference (transcript-rebuilt; emitter-appended) ---
"""Pipeline reference for scband-scene-gnn-4088808866429 (READ-ONLY COPY).

The authoritative reference and input builder live on the scoring server;
editing this copy changes nothing except your own understanding.
"""

import jax, jax.numpy as jnp
import numpy as np

N = 10000
E = 320000
D = 128
H = 128
G = 16


def setup_inputs(seed: int = 0) -> dict:
    key = jax.random.key(seed)
    k1, k2, k3, k4, k5, k6, k7 = jax.random.split(key, 7)
    x = jax.random.normal(k1, (N, D), dtype=jnp.float32)
    edge_index = jax.random.randint(k2, (2, E), 0, N, dtype=jnp.int32)
    batch = jnp.sort(jax.random.randint(k3, (N,), 0, G, dtype=jnp.int32))
    W1 = jax.random.normal(k4, (D, H), dtype=jnp.float32) * 0.05
    b1 = jnp.zeros((H,), dtype=jnp.float32)
    W2 = jax.random.normal(k5, (H, H), dtype=jnp.float32) * 0.05
    b2 = jnp.zeros((H,), dtype=jnp.float32)
    return {"x": x, "edge_index": edge_index, "batch": batch,
            "W1": W1, "b1": b1, "W2": W2, "b2": b2}


def reference(x, edge_index, batch, W1, b1, W2, b2):
    # GCNConv semantics: add self-loops, symmetric normalization
    loop = jnp.arange(N, dtype=edge_index.dtype)
    src = jnp.concatenate([edge_index[0], loop])
    dst = jnp.concatenate([edge_index[1], loop])
    ones = jnp.ones(src.shape[0], dtype=x.dtype)
    deg = jax.ops.segment_sum(ones, dst, num_segments=N)
    dinv = jnp.where(deg > 0, 1.0 / jnp.sqrt(deg), 0.0)
    norm = dinv[src] * dinv[dst]

    def conv(h, W, b):
        h = h @ W
        msgs = h[src] * norm[:, None]
        return jax.ops.segment_sum(msgs, dst, num_segments=N) + b

    h = jax.nn.relu(conv(x, W1, b1))
    h = jax.nn.relu(conv(h, W2, b2))
    # global_mean_pool over batch assignments
    gsum = jax.ops.segment_sum(h, batch, num_segments=G)
    cnt = jax.ops.segment_sum(jnp.ones((N,), dtype=h.dtype), batch, num_segments=G)
    g = gsum / jnp.maximum(cnt, 1.0)[:, None]
    return g

if __name__ == "__main__":
    import jax
    _d = setup_inputs()
    print(jax.jit(kernel)(*tuple(_d.values())))

</pallas_src>

<mosaic_0001>
#map = affine_map<(d0, d1) -> (0, 0)>
#map1 = affine_map<(d0, d1) -> (0)>
#map2 = affine_map<(d0, d1) -> (0, 0, 0)>
module attributes {stable_mosaic.version = 14 : i64} {
  func.func @scat_kernel(%arg0: i32, %arg1: i32, %arg2: memref<10000x128xf32, #tpu.memory_space<hbm>>, %arg3: memref<320000xi32, #tpu.memory_space<hbm>>, %arg4: memref<32x63x80xi32, #tpu.memory_space<hbm>>, %arg5: memref<32x62x80xi32, #tpu.memory_space<hbm>>, %arg6: memref<2x10000x128xf32, #tpu.memory_space<hbm>>, %arg7: memref<10000xi32, #tpu.memory_space<vmem>>, %arg8: memref<63x80xi32, #tpu.memory_space<vmem>>, %arg9: memref<80x128xf32, #tpu.memory_space<vmem>>, %arg10: memref<80x128xf32, #tpu.memory_space<vmem>>, %arg11: memref<80x128xf32, #tpu.memory_space<vmem>>, %arg12: memref<10000x128xf32, #tpu.memory_space<vmem_shared>>, %arg13: memref<!tpu.dma_semaphore, #tpu.memory_space<semaphore_mem>>, %arg14: memref<!tpu.dma_semaphore, #tpu.memory_space<semaphore_mem>>, %arg15: memref<!tpu.dma_semaphore, #tpu.memory_space<semaphore_mem>>, %arg16: memref<!tpu.dma_semaphore, #tpu.memory_space<semaphore_mem>>, %arg17: memref<!tpu.dma_semaphore, #tpu.memory_space<semaphore_mem>>, %arg18: memref<!tpu.dma_semaphore, #tpu.memory_space<semaphore_mem>>) attributes {dimension_semantics = [#tpu.dimension_semantics<core_parallel>, #tpu.dimension_semantics<subcore_parallel>], iteration_bounds = array<i64: 2, 16>, scalar_prefetch = 0 : i64, scratch_operands = 12 : i64, tpu.core_type = #tpu.core_type<sc_vector_subcore>, window_params = [{transform_indices = #map}, {transform_indices = #map1}, {transform_indices = #map2}, {transform_indices = #map2}, {transform_indices = #map2}]} {
    %mul3A = arith.constant 16 : i32
    %mul3A_0 = arith.muli %arg0, %mul3A : i32
    %add3A = arith.addi %mul3A_0, %arg1 : i32
    %broadcast_in_dim3A = arith.constant 0.000000e+00 : f32
    %broadcast_in_dim3A_1 = vector.broadcast %broadcast_in_dim3A : f32 to vector<16xf32>
    %mul3A_2 = arith.constant 10000 : i32
    %mul3A_3 = arith.muli %add3A, %mul3A_2 : i32
    "tpu.region"() ({
      %run_scoped3A = tpu.sem_alloc : memref<!tpu.dma_semaphore, #tpu.memory_space<semaphore_mem>>
      %dma_start3A_90 = tpu.memref_slice %arg3[%mul3A_3] : memref<320000xi32, #tpu.memory_space<hbm>> -> memref<10000xi32, #tpu.memory_space<hbm>>
      %dma_start3A_91 = tpu.memref_slice %arg3[%mul3A_3] : memref<320000xi32, #tpu.memory_space<hbm>> -> memref<10000xi32, #tpu.memory_space<hbm>>
      tpu.enqueue_dma source(%dma_start3A_91 : memref<10000xi32, #tpu.memory_space<hbm>>) target(%arg7 : memref<10000xi32, #tpu.memory_space<vmem>>) target_semaphore(%run_scoped3A : memref<!tpu.dma_semaphore, #tpu.memory_space<semaphore_mem>>)
      %dma_wait3A_92 = tpu.memref_slice %arg3[%mul3A_3] : memref<320000xi32, #tpu.memory_space<hbm>> -> memref<10000xi32, #tpu.memory_space<hbm>>
      %dma_wait3A_93 = tpu.memref_slice %arg3[%mul3A_3] : memref<320000xi32, #tpu.memory_space<hbm>> -> memref<10000xi32, #tpu.memory_space<hbm>>
      tpu.wait_dma2 semaphore(%run_scoped3A : memref<!tpu.dma_semaphore, #tpu.memory_space<semaphore_mem>>) src(%dma_wait3A_93 : memref<10000xi32, #tpu.memory_space<hbm>>) dst(%arg7 : memref<10000xi32, #tpu.memory_space<vmem>>)
      tpu.yield
    }) : () -> ()
    "tpu.region"() ({
      %run_scoped3A = tpu.sem_alloc : memref<!tpu.dma_semaphore, #tpu.memory_space<semaphore_mem>>
      %dma_start3A_90 = arith.constant 0 : i32
      %dma_start3A_91 = arith.constant 0 : i32
      %dma_start3A_92 = tpu.memref_slice %arg4[%add3A, %dma_start3A_90, %dma_start3A_91] : memref<32x63x80xi32, #tpu.memory_space<hbm>> -> memref<1x63x80xi32, #tpu.memory_space<hbm>>
      %dma_start3A_93 = tpu.memref_squeeze %dma_start3A_92 : memref<1x63x80xi32, #tpu.memory_space<hbm>> -> memref<63x80xi32, #tpu.memory_space<hbm>>
      %dma_start3A_94 = arith.constant 0 : i32
      %dma_start3A_95 = arith.constant 0 : i32
      %dma_start3A_96 = tpu.memref_slice %arg4[%add3A, %dma_start3A_94, %dma_start3A_95] : memref<32x63x80xi32, #tpu.memory_space<hbm>> -> memref<1x63x80xi32, #tpu.memory_space<hbm>>
      %dma_start3A_97 = tpu.memref_squeeze %dma_start3A_96 : memref<1x63x80xi32, #tpu.memory_space<hbm>> -> memref<63x80xi32, #tpu.memory_space<hbm>>
      tpu.enqueue_dma source(%dma_start3A_97 : memref<63x80xi32, #tpu.memory_space<hbm>>) target(%arg8 : memref<63x80xi32, #tpu.memory_space<vmem>>) target_semaphore(%run_scoped3A : memref<!tpu.dma_semaphore, #tpu.memory_space<semaphore_mem>>)
      %dma_wait3A_98 = arith.constant 0 : i32
      %dma_wait3A_99 = arith.constant 0 : i32
      %dma_wait3A_100 = tpu.memref_slice %arg4[%add3A, %dma_wait3A_98, %dma_wait3A_99] : memref<32x63x80xi32, #tpu.memory_space<hbm>> -> memref<1x63x80xi32, #tpu.memory_space<hbm>>
      %dma_wait3A_101 = tpu.memref_squeeze %dma_wait3A_100 : memref<1x63x80xi32, #tpu.memory_space<hbm>> -> memref<63x80xi32, #tpu.memory_space<hbm>>
      %dma_wait3A_102 = arith.constant 0 : i32
      %dma_wait3A_103 = arith.constant 0 : i32
      %dma_wait3A_104 = tpu.memref_slice %arg4[%add3A, %dma_wait3A_102, %dma_wait3A_103] : memref<32x63x80xi32, #tpu.memory_space<hbm>> -> memref<1x63x80xi32, #tpu.memory_space<hbm>>
      %dma_wait3A_105 = tpu.memref_squeeze %dma_wait3A_104 : memref<1x63x80xi32, #tpu.memory_space<hbm>> -> memref<63x80xi32, #tpu.memory_space<hbm>>
      tpu.wait_dma2 semaphore(%run_scoped3A : memref<!tpu.dma_semaphore, #tpu.memory_space<semaphore_mem>>) src(%dma_wait3A_105 : memref<63x80xi32, #tpu.memory_space<hbm>>) dst(%arg8 : memref<63x80xi32, #tpu.memory_space<vmem>>)
      tpu.yield
    }) : () -> ()
    %scan3A = arith.constant 0 : i32
    %scan3A_4 = arith.constant 0 : i32
    %scan3A_5 = arith.constant 80 : i32
    %scan3A_6 = arith.addi %scan3A_4, %scan3A_5 : i32
    %scan3A_7 = arith.constant 1 : i32
    %scan3A_8 = scf.for %scan3A_90 = %scan3A_4 to %scan3A_6 step %scan3A_7 iter_args(%scan3A_91 = %scan3A) -> (i32)  : i32 {
      %scan3A_92 = arith.constant 0 : i32
      %scan3A_93 = arith.constant 0 : i32
      %scan3A_94 = arith.constant 8 : i32
      %scan3A_95 = arith.addi %scan3A_93, %scan3A_94 : i32
      %scan3A_96 = arith.constant 1 : i32
      %scan3A_97 = scf.for %scan3A_100 = %scan3A_93 to %scan3A_95 step %scan3A_96 iter_args(%scan3A_101 = %scan3A_92) -> (i32)  : i32 {
        %mul3A_102 = arith.constant 16 : i32
        %mul3A_103 = arith.muli %scan3A_100, %mul3A_102 : i32
        %swap3A = arith.index_cast %scan3A_90 : i32 to index
        %swap3A_104 = arith.index_cast %mul3A_103 : i32 to index
        %swap3A_105 = tpu.vector_load %arg9[%swap3A, %swap3A_104] {strides = array<i32>} : memref<80x128xf32, #tpu.memory_space<vmem>>, vector<1x16xf32>,
        %swap3A_106 = vector.shape_cast %swap3A_105 : vector<1x16xf32> to vector<16xf32>
        %swap3A_107 = vector.shape_cast %broadcast_in_dim3A_1 : vector<16xf32> to vector<1x16xf32>
        tpu.vector_store %arg9[%swap3A, %swap3A_104], %swap3A_107 {strides = array<i32>} : memref<80x128xf32, #tpu.memory_space<vmem>>, vector<1x16xf32>,
        %scan3A_108 = arith.constant 0 : i32
        scf.yield %scan3A_108 : i32
      }
      %scan3A_98 = arith.constant 8 : i32
      %scan3A_99 = arith.constant 0 : i32
      scf.yield %scan3A_99 : i32
    }
    %scan3A_9 = arith.constant 80 : i32
    %scan3A_10 = arith.constant 0 : i32
    %scan3A_11 = arith.constant 0 : i32
    %scan3A_12 = arith.constant 8 : i32
    %scan3A_13 = arith.addi %scan3A_11, %scan3A_12 : i32
    %scan3A_14 = arith.constant 1 : i32
    %scan3A_15 = scf.for %scan3A_90 = %scan3A_11 to %scan3A_13 step %scan3A_14 iter_args(%scan3A_91 = %scan3A_10) -> (i32)  : i32 {
      %mul3A_92 = arith.constant 8 : i32
      %mul3A_93 = arith.muli %arg1, %mul3A_92 : i32
      %add3A_94 = arith.addi %mul3A_93, %scan3A_90 : i32
      %lt3A = arith.constant 125 : i32
      %lt3A_95 = arith.cmpi slt, %add3A_94, %lt3A : i32
      %convert_element_type3A = arith.extui %lt3A_95 : i1 to i32
      %cond3A = arith.constant 0 : i32
      %cond3A_96 = arith.cmpi ne, %convert_element_type3A, %cond3A : i32
      scf.if %cond3A_96 {
        %mul3A_98 = arith.constant 80 : i32
        %mul3A_99 = arith.muli %add3A_94, %mul3A_98 : i32
        "tpu.region"() ({
          %run_scoped3A = tpu.sem_alloc : memref<!tpu.dma_semaphore, #tpu.memory_space<semaphore_mem>>
          %dma_start3A_100 = arith.constant 0 : i32
          %dma_start3A_101 = arith.constant 0 : i32
          %dma_start3A_102 = tpu.memref_slice %arg9[%dma_start3A_100, %dma_start3A_101] : memref<80x128xf32, #tpu.memory_space<vmem>> -> memref<80x128xf32, #tpu.memory_space<vmem>>
          %dma_start3A_103 = arith.constant 0 : i32
          %dma_start3A_104 = tpu.memref_slice %arg12[%mul3A_99, %dma_start3A_103] : memref<10000x128xf32, #tpu.memory_space<vmem_shared>> -> memref<80x128xf32, #tpu.memory_space<vmem_shared>>
          %dma_start3A_105 = arith.constant 0 : i32
          %dma_start3A_106 = tpu.memref_slice %arg12[%mul3A_99, %dma_start3A_105] : memref<10000x128xf32, #tpu.memory_space<vmem_shared>> -> memref<80x128xf32, #tpu.memory_space<vmem_shared>>
          %dma_start3A_107 = arith.constant 0 : i32
          %dma_start3A_108 = arith.constant 0 : i32
          %dma_start3A_109 = tpu.memref_slice %arg9[%dma_start3A_107, %dma_start3A_108] : memref<80x128xf32, #tpu.memory_space<vmem>> -> memref<80x128xf32, #tpu.memory_space<vmem>>
          tpu.enqueue_dma source(%dma_start3A_109 : memref<80x128xf32, #tpu.memory_space<vmem>>) target(%dma_start3A_106 : memref<80x128xf32, #tpu.memory_space<vmem_shared>>) target_semaphore(%run_scoped3A : memref<!tpu.dma_semaphore, #tpu.memory_space<semaphore_mem>>)
          %dma_wait3A_110 = arith.constant 0 : i32
          %dma_wait3A_111 = arith.constant 0 : i32
          %dma_wait3A_112 = tpu.memref_slice %arg9[%dma_wait3A_110, %dma_wait3A_111] : memref<80x128xf32, #tpu.memory_space<vmem>> -> memref<80x128xf32, #tpu.memory_space<vmem>>
          %dma_wait3A_113 = arith.constant 0 : i32
          %dma_wait3A_114 = tpu.memref_slice %arg12[%mul3A_99, %dma_wait3A_113] : memref<10000x128xf32, #tpu.memory_space<vmem_shared>> -> memref<80x128xf32, #tpu.memory_space<vmem_shared>>
          %dma_wait3A_115 = arith.constant 0 : i32
          %dma_wait3A_116 = tpu.memref_slice %arg12[%mul3A_99, %dma_wait3A_115] : memref<10000x128xf32, #tpu.memory_space<vmem_shared>> -> memref<80x128xf32, #tpu.memory_space<vmem_shared>>
          %dma_wait3A_117 = arith.constant 0 : i32
          %dma_wait3A_118 = arith.constant 0 : i32
          %dma_wait3A_119 = tpu.memref_slice %arg9[%dma_wait3A_117, %dma_wait3A_118] : memref<80x128xf32, #tpu.memory_space<vmem>> -> memref<80x128xf32, #tpu.memory_space<vmem>>
          tpu.wait_dma2 semaphore(%run_scoped3A : memref<!tpu.dma_semaphore, #tpu.memory_space<semaphore_mem>>) src(%dma_wait3A_119 : memref<80x128xf32, #tpu.memory_space<vmem>>) dst(%dma_wait3A_116 : memref<80x128xf32, #tpu.memory_space<vmem_shared>>)
          tpu.yield
        }) : () -> ()
      } else {
      }
      %scan3A_97 = arith.constant 0 : i32
      scf.yield %scan3A_97 : i32
    }
    %scan3A_16 = arith.constant 8 : i32
    %barrier3A = arith.constant 0 : index
    tpu.barrier barrier_id(%barrier3A)
    %dma_start3A = arith.constant 0 : i32
    %dma_start3A_17 = tpu.memref_slice %arg7[%dma_start3A] : memref<10000xi32, #tpu.memory_space<vmem>> -> memref<80xi32, #tpu.memory_space<vmem>>
    %dma_start3A_18 = arith.constant 0 : i32
    %dma_start3A_19 = arith.constant 0 : i32
    %dma_start3A_20 = tpu.memref_slice %arg2[%dma_start3A_18, %dma_start3A_19] : memref<10000x128xf32, #tpu.memory_space<hbm>> -> memref<10000x128xf32, #tpu.memory_space<hbm>>
    tpu.enqueue_indirect_dma source(%dma_start3A_20 : memref<10000x128xf32, #tpu.memory_space<hbm>>) target(%arg9 : memref<80x128xf32, #tpu.memory_space<vmem>>) offsets(%dma_start3A_17 : memref<80xi32, #tpu.memory_space<vmem>>) semaphore(%arg13 : memref<!tpu.dma_semaphore, #tpu.memory_space<semaphore_mem>>)
    %dma_start3A_21 = arith.constant 80 : i32
    %dma_start3A_22 = tpu.memref_slice %arg7[%dma_start3A_21] : memref<10000xi32, #tpu.memory_space<vmem>> -> memref<80xi32, #tpu.memory_space<vmem>>
    %dma_start3A_23 = arith.constant 0 : i32
    %dma_start3A_24 = arith.constant 0 : i32
    %dma_start3A_25 = tpu.memref_slice %arg2[%dma_start3A_23, %dma_start3A_24] : memref<10000x128xf32, #tpu.memory_space<hbm>> -> memref<10000x128xf32, #tpu.memory_space<hbm>>
    tpu.enqueue_indirect_dma source(%dma_start3A_25 : memref<10000x128xf32, #tpu.memory_space<hbm>>) target(%arg10 : memref<80x128xf32, #tpu.memory_space<vmem>>) offsets(%dma_start3A_22 : memref<80xi32, #tpu.memory_space<vmem>>) semaphore(%arg14 : memref<!tpu.dma_semaphore, #tpu.memory_space<semaphore_mem>>)
    %dma_start3A_26 = arith.constant 160 : i32
    %dma_start3A_27 = tpu.memref_slice %arg7[%dma_start3A_26] : memref<10000xi32, #tpu.memory_space<vmem>> -> memref<80xi32, #tpu.memory_space<vmem>>
    %dma_start3A_28 = arith.constant 0 : i32
    %dma_start3A_29 = arith.constant 0 : i32
    %dma_start3A_30 = tpu.memref_slice %arg2[%dma_start3A_28, %dma_start3A_29] : memref<10000x128xf32, #tpu.memory_space<hbm>> -> memref<10000x128xf32, #tpu.memory_space<hbm>>
    tpu.enqueue_indirect_dma source(%dma_start3A_30 : memref<10000x128xf32, #tpu.memory_space<hbm>>) target(%arg11 : memref<80x128xf32, #tpu.memory_space<vmem>>) offsets(%dma_start3A_27 : memref<80xi32, #tpu.memory_space<vmem>>) semaphore(%arg15 : memref<!tpu.dma_semaphore, #tpu.memory_space<semaphore_mem>>)
    %scan3A_31 = arith.constant 0 : i32
    %scan3A_32 = arith.constant 0 : i32
    %scan3A_33 = arith.constant 21 : i32
    %scan3A_34 = arith.addi %scan3A_32, %scan3A_33 : i32
    %scan3A_35 = arith.constant 1 : i32
    %scan3A_36 = scf.for %scan3A_90 = %scan3A_32 to %scan3A_34 step %scan3A_35 iter_args(%scan3A_91 = %scan3A_31) -> (i32)  : i32 {
      %dma_wait3A_92 = arith.constant 0 : i32
      %dma_wait3A_93 = tpu.memref_slice %arg7[%dma_wait3A_92] : memref<10000xi32, #tpu.memory_space<vmem>> -> memref<80xi32, #tpu.memory_space<vmem>>
      %dma_wait3A_94 = arith.constant 0 : i32
      %dma_wait3A_95 = arith.constant 0 : i32
      %dma_wait3A_96 = tpu.memref_slice %arg2[%dma_wait3A_94, %dma_wait3A_95] : memref<10000x128xf32, #tpu.memory_space<hbm>> -> memref<10000x128xf32, #tpu.memory_space<hbm>>
      tpu.wait_indirect_dma semaphore(%arg13 : memref<!tpu.dma_semaphore, #tpu.memory_space<semaphore_mem>>) src(%dma_wait3A_96 : memref<10000x128xf32, #tpu.memory_space<hbm>>) dst(%arg9 : memref<80x128xf32, #tpu.memory_space<vmem>>)
      %mul3A_97 = arith.constant 3 : i32
      %mul3A_98 = arith.muli %mul3A_97, %scan3A_90 : i32
      %add3A_99 = arith.constant 0 : i32
      %add3A_100 = arith.addi %mul3A_98, %add3A_99 : i32
      %dma_start3A_101 = arith.constant 0 : i32
      %dma_start3A_102 = tpu.memref_slice %arg8[%add3A_100, %dma_start3A_101] : memref<63x80xi32, #tpu.memory_space<vmem>> -> memref<1x80xi32, #tpu.memory_space<vmem>>
      %dma_start3A_103 = tpu.memref_squeeze %dma_start3A_102 : memref<1x80xi32, #tpu.memory_space<vmem>> -> memref<80xi32, #tpu.memory_space<vmem>>
      %dma_start3A_104 = arith.constant 0 : i32
      %dma_start3A_105 = arith.constant 0 : i32
      %dma_start3A_106 = tpu.memref_slice %arg12[%dma_start3A_104, %dma_start3A_105] : memref<10000x128xf32, #tpu.memory_space<vmem_shared>> -> memref<10000x128xf32, #tpu.memory_space<vmem_shared>>
      tpu.enqueue_indirect_dma source(%arg9 : memref<80x128xf32, #tpu.memory_space<vmem>>) target(%dma_start3A_106 : memref<10000x128xf32, #tpu.memory_space<vmem_shared>>) offsets(%dma_start3A_103 : memref<80xi32, #tpu.memory_space<vmem>>) semaphore(%arg16 : memref<!tpu.dma_semaphore, #tpu.memory_space<semaphore_mem>>) {add = true}
      %dma_wait3A_107 = arith.constant 0 : i32
      %dma_wait3A_108 = tpu.memref_slice %arg7[%dma_wait3A_107] : memref<10000xi32, #tpu.memory_space<vmem>> -> memref<80xi32, #tpu.memory_space<vmem>>
      %dma_wait3A_109 = arith.constant 0 : i32
      %dma_wait3A_110 = arith.constant 0 : i32
      %dma_wait3A_111 = tpu.memref_slice %arg2[%dma_wait3A_109, %dma_wait3A_110] : memref<10000x128xf32, #tpu.memory_space<hbm>> -> memref<10000x128xf32, #tpu.memory_space<hbm>>
      tpu.wait_indirect_dma semaphore(%arg14 : memref<!tpu.dma_semaphore, #tpu.memory_space<semaphore_mem>>) src(%dma_wait3A_111 : memref<10000x128xf32, #tpu.memory_space<hbm>>) dst(%arg10 : memref<80x128xf32, #tpu.memory_space<vmem>>)
      %mul3A_112 = arith.constant 3 : i32
      %mul3A_113 = arith.muli %mul3A_112, %scan3A_90 : i32
      %add3A_114 = arith.constant 1 : i32
      %add3A_115 = arith.addi %mul3A_113, %add3A_114 : i32
      %dma_start3A_116 = arith.constant 0 : i32
      %dma_start3A_117 = tpu.memref_slice %arg8[%add3A_115, %dma_start3A_116] : memref<63x80xi32, #tpu.memory_space<vmem>> -> memref<1x80xi32, #tpu.memory_space<vmem>>
      %dma_start3A_118 = tpu.memref_squeeze %dma_start3A_117 : memref<1x80xi32, #tpu.memory_space<vmem>> -> memref<80xi32, #tpu.memory_space<vmem>>
      %dma_start3A_119 = arith.constant 0 : i32
      %dma_start3A_120 = arith.constant 0 : i32
      %dma_start3A_121 = tpu.memref_slice %arg12[%dma_start3A_119, %dma_start3A_120] : memref<10000x128xf32, #tpu.memory_space<vmem_shared>> -> memref<10000x128xf32, #tpu.memory_space<vmem_shared>>
      tpu.enqueue_indirect_dma source(%arg10 : memref<80x128xf32, #tpu.memory_space<vmem>>) target(%dma_start3A_121 : memref<10000x128xf32, #tpu.memory_space<vmem_shared>>) offsets(%dma_start3A_118 : memref<80xi32, #tpu.memory_space<vmem>>) semaphore(%arg17 : memref<!tpu.dma_semaphore, #tpu.memory_space<semaphore_mem>>) {add = true}
      %dma_wait3A_122 = arith.constant 0 : i32
      %dma_wait3A_123 = tpu.memref_slice %arg7[%dma_wait3A_122] : memref<10000xi32, #tpu.memory_space<vmem>> -> memref<80xi32, #tpu.memory_space<vmem>>
      %dma_wait3A_124 = arith.constant 0 : i32
      %dma_wait3A_125 = arith.constant 0 : i32
      %dma_wait3A_126 = tpu.memref_slice %arg2[%dma_wait3A_124, %dma_wait3A_125] : memref<10000x128xf32, #tpu.memory_space<hbm>> -> memref<10000x128xf32, #tpu.memory_space<hbm>>
      tpu.wait_indirect_dma semaphore(%arg15 : memref<!tpu.dma_semaphore, #tpu.memory_space<semaphore_mem>>) src(%dma_wait3A_126 : memref<10000x128xf32, #tpu.memory_space<hbm>>) dst(%arg11 : memref<80x128xf32, #tpu.memory_space<vmem>>)
      %mul3A_127 = arith.constant 3 : i32
      %mul3A_128 = arith.muli %mul3A_127, %scan3A_90 : i32
      %add3A_129 = arith.constant 2 : i32
      %add3A_130 = arith.addi %mul3A_128, %add3A_129 : i32
      %dma_start3A_131 = arith.constant 0 : i32
      %dma_start3A_132 = tpu.memref_slice %arg8[%add3A_130, %dma_start3A_131] : memref<63x80xi32, #tpu.memory_space<vmem>> -> memref<1x80xi32, #tpu.memory_space<vmem>>
      %dma_start3A_133 = tpu.memref_squeeze %dma_start3A_132 : memref<1x80xi32, #tpu.memory_space<vmem>> -> memref<80xi32, #tpu.memory_space<vmem>>
      %dma_start3A_134 = arith.constant 0 : i32
      %dma_start3A_135 = arith.constant 0 : i32
      %dma_start3A_136 = tpu.memref_slice %arg12[%dma_start3A_134, %dma_start3A_135] : memref<10000x128xf32, #tpu.memory_space<vmem_shared>> -> memref<10000x128xf32, #tpu.memory_space<vmem_shared>>
      tpu.enqueue_indirect_dma source(%arg11 : memref<80x128xf32, #tpu.memory_space<vmem>>) target(%dma_start3A_136 : memref<10000x128xf32, #tpu.memory_space<vmem_shared>>) offsets(%dma_start3A_133 : memref<80xi32, #tpu.memory_space<vmem>>) semaphore(%arg18 : memref<!tpu.dma_semaphore, #tpu.memory_space<semaphore_mem>>) {add = true}
      %dma_wait3A_137 = arith.constant 0 : i32
      %dma_wait3A_138 = arith.constant 0 : i32
      %dma_wait3A_139 = tpu.memref_slice %arg8[%dma_wait3A_137, %dma_wait3A_138] : memref<63x80xi32, #tpu.memory_space<vmem>> -> memref<1x80xi32, #tpu.memory_space<vmem>>
      %dma_wait3A_140 = tpu.memref_squeeze %dma_wait3A_139 : memref<1x80xi32, #tpu.memory_space<vmem>> -> memref<80xi32, #tpu.memory_space<vmem>>
      %dma_wait3A_141 = arith.constant 0 : i32
      %dma_wait3A_142 = arith.constant 0 : i32
      %dma_wait3A_143 = tpu.memref_slice %arg12[%dma_wait3A_141, %dma_wait3A_142] : memref<10000x128xf32, #tpu.memory_space<vmem_shared>> -> memref<10000x128xf32, #tpu.memory_space<vmem_shared>>
      tpu.wait_indirect_dma semaphore(%arg16 : memref<!tpu.dma_semaphore, #tpu.memory_space<semaphore_mem>>) src(%arg9 : memref<80x128xf32, #tpu.memory_space<vmem>>) dst(%dma_wait3A_143 : memref<10000x128xf32, #tpu.memory_space<vmem_shared>>)
      %mul3A_144 = arith.constant 3 : i32
      %mul3A_145 = arith.muli %mul3A_144, %scan3A_90 : i32
      %add3A_146 = arith.constant 3 : i32
      %add3A_147 = arith.addi %mul3A_145, %add3A_146 : i32
      %add3A_148 = arith.constant 0 : i32
      %add3A_149 = arith.addi %add3A_147, %add3A_148 : i32
      %mul3A_150 = arith.constant 80 : i32
      %mul3A_151 = arith.muli %add3A_149, %mul3A_150 : i32
      %dma_start3A_152 = tpu.memref_slice %arg7[%mul3A_151] : memref<10000xi32, #tpu.memory_space<vmem>> -> memref<80xi32, #tpu.memory_space<vmem>>
      %dma_start3A_153 = arith.constant 0 : i32
      %dma_start3A_154 = arith.constant 0 : i32
      %dma_start3A_155 = tpu.memref_slice %arg2[%dma_start3A_153, %dma_start3A_154] : memref<10000x128xf32, #tpu.memory_space<hbm>> -> memref<10000x128xf32, #tpu.memory_space<hbm>>
      tpu.enqueue_indirect_dma source(%dma_start3A_155 : memref<10000x128xf32, #tpu.memory_space<hbm>>) target(%arg9 : memref<80x128xf32, #tpu.memory_space<vmem>>) offsets(%dma_start3A_152 : memref<80xi32, #tpu.memory_space<vmem>>) semaphore(%arg13 : memref<!tpu.dma_semaphore, #tpu.memory_space<semaphore_mem>>)
      %dma_wait3A_156 = arith.constant 0 : i32
      %dma_wait3A_157 = arith.constant 0 : i32
      %dma_wait3A_158 = tpu.memref_slice %arg8[%dma_wait3A_156, %dma_wait3A_157] : memref<63x80xi32, #tpu.memory_space<vmem>> -> memref<1x80xi32, #tpu.memory_space<vmem>>
      %dma_wait3A_159 = tpu.memref_squeeze %dma_wait3A_158 : memref<1x80xi32, #tpu.memory_space<vmem>> -> memref<80xi32, #tpu.memory_space<vmem>>
      %dma_wait3A_160 = arith.constant 0 : i32
      %dma_wait3A_161 = arith.constant 0 : i32
      %dma_wait3A_162 = tpu.memref_slice %arg12[%dma_wait3A_160, %dma_wait3A_161] : memref<10000x128xf32, #tpu.memory_space<vmem_shared>> -> memref<10000x128xf32, #tpu.memory_space<vmem_shared>>
      tpu.wait_indirect_dma semaphore(%arg17 : memref<!tpu.dma_semaphore, #tpu.memory_space<semaphore_mem>>) src(%arg10 : memref<80x128xf32, #tpu.memory_space<vmem>>) dst(%dma_wait3A_162 : memref<10000x128xf32, #tpu.memory_space<vmem_shared>>)
      %mul3A_163 = arith.constant 3 : i32
      %mul3A_164 = arith.muli %mul3A_163, %scan3A_90 : i32
      %add3A_165 = arith.constant 3 : i32
      %add3A_166 = arith.addi %mul3A_164, %add3A_165 : i32
      %add3A_167 = arith.constant 1 : i32
      %add3A_168 = arith.addi %add3A_166, %add3A_167 : i32
      %mul3A_169 = arith.constant 80 : i32
      %mul3A_170 = arith.muli %add3A_168, %mul3A_169 : i32
      %dma_start3A_171 = tpu.memref_slice %arg7[%mul3A_170] : memref<10000xi32, #tpu.memory_space<vmem>> -> memref<80xi32, #tpu.memory_space<vmem>>
      %dma_start3A_172 = arith.constant 0 : i32
      %dma_start3A_173 = arith.constant 0 : i32
      %dma_start3A_174 = tpu.memref_slice %arg2[%dma_start3A_172, %dma_start3A_173] : memref<10000x128xf32, #tpu.memory_space<hbm>> -> memref<10000x128xf32, #tpu.memory_space<hbm>>
      tpu.enqueue_indirect_dma source(%dma_start3A_174 : memref<10000x128xf32, #tpu.memory_space<hbm>>) target(%arg10 : memref<80x128xf32, #tpu.memory_space<vmem>>) offsets(%dma_start3A_171 : memref<80xi32, #tpu.memory_space<vmem>>) semaphore(%arg14 : memref<!tpu.dma_semaphore, #tpu.memory_space<semaphore_mem>>)
      %dma_wait3A_175 = arith.constant 0 : i32
      %dma_wait3A_176 = arith.constant 0 : i32
      %dma_wait3A_177 = tpu.memref_slice %arg8[%dma_wait3A_175, %dma_wait3A_176] : memref<63x80xi32, #tpu.memory_space<vmem>> -> memref<1x80xi32, #tpu.memory_space<vmem>>
      %dma_wait3A_178 = tpu.memref_squeeze %dma_wait3A_177 : memref<1x80xi32, #tpu.memory_space<vmem>> -> memref<80xi32, #tpu.memory_space<vmem>>
      %dma_wait3A_179 = arith.constant 0 : i32
      %dma_wait3A_180 = arith.constant 0 : i32
      %dma_wait3A_181 = tpu.memref_slice %arg12[%dma_wait3A_179, %dma_wait3A_180] : memref<10000x128xf32, #tpu.memory_space<vmem_shared>> -> memref<10000x128xf32, #tpu.memory_space<vmem_shared>>
      tpu.wait_indirect_dma semaphore(%arg18 : memref<!tpu.dma_semaphore, #tpu.memory_space<semaphore_mem>>) src(%arg11 : memref<80x128xf32, #tpu.memory_space<vmem>>) dst(%dma_wait3A_181 : memref<10000x128xf32, #tpu.memory_space<vmem_shared>>)
      %mul3A_182 = arith.constant 3 : i32
      %mul3A_183 = arith.muli %mul3A_182, %scan3A_90 : i32
      %add3A_184 = arith.constant 3 : i32
      %add3A_185 = arith.addi %mul3A_183, %add3A_184 : i32
      %add3A_186 = arith.constant 2 : i32
      %add3A_187 = arith.addi %add3A_185, %add3A_186 : i32
      %mul3A_188 = arith.constant 80 : i32
      %mul3A_189 = arith.muli %add3A_187, %mul3A_188 : i32
      %dma_start3A_190 = tpu.memref_slice %arg7[%mul3A_189] : memref<10000xi32, #tpu.memory_space<vmem>> -> memref<80xi32, #tpu.memory_space<vmem>>
      %dma_start3A_191 = arith.constant 0 : i32
      %dma_start3A_192 = arith.constant 0 : i32
      %dma_start3A_193 = tpu.memref_slice %arg2[%dma_start3A_191, %dma_start3A_192] : memref<10000x128xf32, #tpu.memory_space<hbm>> -> memref<10000x128xf32, #tpu.memory_space<hbm>>
      tpu.enqueue_indirect_dma source(%dma_start3A_193 : memref<10000x128xf32, #tpu.memory_space<hbm>>) target(%arg11 : memref<80x128xf32, #tpu.memory_space<vmem>>) offsets(%dma_start3A_190 : memref<80xi32, #tpu.memory_space<vmem>>) semaphore(%arg15 : memref<!tpu.dma_semaphore, #tpu.memory_space<semaphore_mem>>)
      %scan3A_194 = arith.constant 0 : i32
      scf.yield %scan3A_194 : i32
    }
    %scan3A_37 = arith.constant 21 : i32
    "tpu.region"() ({
      %run_scoped3A = tpu.sem_alloc : memref<!tpu.dma_semaphore, #tpu.memory_space<semaphore_mem>>
      %dma_start3A_90 = arith.constant 0 : i32
      %dma_start3A_91 = arith.constant 0 : i32
      %dma_start3A_92 = tpu.memref_slice %arg8[%dma_start3A_90, %dma_start3A_91] : memref<63x80xi32, #tpu.memory_space<vmem>> -> memref<62x80xi32, #tpu.memory_space<vmem>>
      %dma_start3A_93 = arith.constant 0 : i32
      %dma_start3A_94 = arith.constant 0 : i32
      %dma_start3A_95 = tpu.memref_slice %arg5[%add3A, %dma_start3A_93, %dma_start3A_94] : memref<32x62x80xi32, #tpu.memory_space<hbm>> -> memref<1x62x80xi32, #tpu.memory_space<hbm>>
      %dma_start3A_96 = tpu.memref_squeeze %dma_start3A_95 : memref<1x62x80xi32, #tpu.memory_space<hbm>> -> memref<62x80xi32, #tpu.memory_space<hbm>>
      %dma_start3A_97 = arith.constant 0 : i32
      %dma_start3A_98 = arith.constant 0 : i32
      %dma_start3A_99 = tpu.memref_slice %arg8[%dma_start3A_97, %dma_start3A_98] : memref<63x80xi32, #tpu.memory_space<vmem>> -> memref<62x80xi32, #tpu.memory_space<vmem>>
      %dma_start3A_100 = arith.constant 0 : i32
      %dma_start3A_101 = arith.constant 0 : i32
      %dma_start3A_102 = tpu.memref_slice %arg5[%add3A, %dma_start3A_100, %dma_start3A_101] : memref<32x62x80xi32, #tpu.memory_space<hbm>> -> memref<1x62x80xi32, #tpu.memory_space<hbm>>
      %dma_start3A_103 = tpu.memref_squeeze %dma_start3A_102 : memref<1x62x80xi32, #tpu.memory_space<hbm>> -> memref<62x80xi32, #tpu.memory_space<hbm>>
      tpu.enqueue_dma source(%dma_start3A_103 : memref<62x80xi32, #tpu.memory_space<hbm>>) target(%dma_start3A_99 : memref<62x80xi32, #tpu.memory_space<vmem>>) target_semaphore(%run_scoped3A : memref<!tpu.dma_semaphore, #tpu.memory_space<semaphore_mem>>)
      %dma_wait3A_104 = arith.constant 0 : i32
      %dma_wait3A_105 = arith.constant 0 : i32
      %dma_wait3A_106 = tpu.memref_slice %arg8[%dma_wait3A_104, %dma_wait3A_105] : memref<63x80xi32, #tpu.memory_space<vmem>> -> memref<62x80xi32, #tpu.memory_space<vmem>>
      %dma_wait3A_107 = arith.constant 0 : i32
      %dma_wait3A_108 = arith.constant 0 : i32
      %dma_wait3A_109 = tpu.memref_slice %arg5[%add3A, %dma_wait3A_107, %dma_wait3A_108] : memref<32x62x80xi32, #tpu.memory_space<hbm>> -> memref<1x62x80xi32, #tpu.memory_space<hbm>>
      %dma_wait3A_110 = tpu.memref_squeeze %dma_wait3A_109 : memref<1x62x80xi32, #tpu.memory_space<hbm>> -> memref<62x80xi32, #tpu.memory_space<hbm>>
      %dma_wait3A_111 = arith.constant 0 : i32
      %dma_wait3A_112 = arith.constant 0 : i32
      %dma_wait3A_113 = tpu.memref_slice %arg8[%dma_wait3A_111, %dma_wait3A_112] : memref<63x80xi32, #tpu.memory_space<vmem>> -> memref<62x80xi32, #tpu.memory_space<vmem>>
      %dma_wait3A_114 = arith.constant 0 : i32
      %dma_wait3A_115 = arith.constant 0 : i32
      %dma_wait3A_116 = tpu.memref_slice %arg5[%add3A, %dma_wait3A_114, %dma_wait3A_115] : memref<32x62x80xi32, #tpu.memory_space<hbm>> -> memref<1x62x80xi32, #tpu.memory_space<hbm>>
      %dma_wait3A_117 = tpu.memref_squeeze %dma_wait3A_116 : memref<1x62x80xi32, #tpu.memory_space<hbm>> -> memref<62x80xi32, #tpu.memory_space<hbm>>
      tpu.wait_dma2 semaphore(%run_scoped3A : memref<!tpu.dma_semaphore, #tpu.memory_space<semaphore_mem>>) src(%dma_wait3A_117 : memref<62x80xi32, #tpu.memory_space<hbm>>) dst(%dma_wait3A_113 : memref<62x80xi32, #tpu.memory_space<vmem>>)
      tpu.yield
    }) : () -> ()
    %scan3A_38 = arith.constant 0 : i32
    %scan3A_39 = arith.constant 0 : i32
    %scan3A_40 = arith.constant 20 : i32
    %scan3A_41 = arith.addi %scan3A_39, %scan3A_40 : i32
    %scan3A_42 = arith.constant 1 : i32
    %scan3A_43 = scf.for %scan3A_90 = %scan3A_39 to %scan3A_41 step %scan3A_42 iter_args(%scan3A_91 = %scan3A_38) -> (i32)  : i32 {
      %dma_wait3A_92 = arith.constant 0 : i32
      %dma_wait3A_93 = tpu.memref_slice %arg7[%dma_wait3A_92] : memref<10000xi32, #tpu.memory_space<vmem>> -> memref<80xi32, #tpu.memory_space<vmem>>
      %dma_wait3A_94 = arith.constant 0 : i32
      %dma_wait3A_95 = arith.constant 0 : i32
      %dma_wait3A_96 = tpu.memref_slice %arg2[%dma_wait3A_94, %dma_wait3A_95] : memref<10000x128xf32, #tpu.memory_space<hbm>> -> memref<10000x128xf32, #tpu.memory_space<hbm>>
      tpu.wait_indirect_dma semaphore(%arg13 : memref<!tpu.dma_semaphore, #tpu.memory_space<semaphore_mem>>) src(%dma_wait3A_96 : memref<10000x128xf32, #tpu.memory_space<hbm>>) dst(%arg9 : memref<80x128xf32, #tpu.memory_space<vmem>>)
      %mul3A_97 = arith.constant 3 : i32
      %mul3A_98 = arith.muli %mul3A_97, %scan3A_90 : i32
      %add3A_99 = arith.constant 0 : i32
      %add3A_100 = arith.addi %mul3A_98, %add3A_99 : i32
      %dma_start3A_101 = arith.constant 0 : i32
      %dma_start3A_102 = tpu.memref_slice %arg8[%add3A_100, %dma_start3A_101] : memref<63x80xi32, #tpu.memory_space<vmem>> -> memref<1x80xi32, #tpu.memory_space<vmem>>
      %dma_start3A_103 = tpu.memref_squeeze %dma_start3A_102 : memref<1x80xi32, #tpu.memory_space<vmem>> -> memref<80xi32, #tpu.memory_space<vmem>>
      %dma_start3A_104 = arith.constant 0 : i32
      %dma_start3A_105 = arith.constant 0 : i32
      %dma_start3A_106 = tpu.memref_slice %arg12[%dma_start3A_104, %dma_start3A_105] : memref<10000x128xf32, #tpu.memory_space<vmem_shared>> -> memref<10000x128xf32, #tpu.memory_space<vmem_shared>>
      tpu.enqueue_indirect_dma source(%arg9 : memref<80x128xf32, #tpu.memory_space<vmem>>) target(%dma_start3A_106 : memref<10000x128xf32, #tpu.memory_space<vmem_shared>>) offsets(%dma_start3A_103 : memref<80xi32, #tpu.memory_space<vmem>>) semaphore(%arg16 : memref<!tpu.dma_semaphore, #tpu.memory_space<semaphore_mem>>) {add = true}
      %dma_wait3A_107 = arith.constant 0 : i32
      %dma_wait3A_108 = tpu.memref_slice %arg7[%dma_wait3A_107] : memref<10000xi32, #tpu.memory_space<vmem>> -> memref<80xi32, #tpu.memory_space<vmem>>
      %dma_wait3A_109 = arith.constant 0 : i32
      %dma_wait3A_110 = arith.constant 0 : i32
      %dma_wait3A_111 = tpu.memref_slice %arg2[%dma_wait3A_109, %dma_wait3A_110] : memref<10000x128xf32, #tpu.memory_space<hbm>> -> memref<10000x128xf32, #tpu.memory_space<hbm>>
      tpu.wait_indirect_dma semaphore(%arg14 : memref<!tpu.dma_semaphore, #tpu.memory_space<semaphore_mem>>) src(%dma_wait3A_111 : memref<10000x128xf32, #tpu.memory_space<hbm>>) dst(%arg10 : memref<80x128xf32, #tpu.memory_space<vmem>>)
      %mul3A_112 = arith.constant 3 : i32
      %mul3A_113 = arith.muli %mul3A_112, %scan3A_90 : i32
      %add3A_114 = arith.constant 1 : i32
      %add3A_115 = arith.addi %mul3A_113, %add3A_114 : i32
      %dma_start3A_116 = arith.constant 0 : i32
      %dma_start3A_117 = tpu.memref_slice %arg8[%add3A_115, %dma_start3A_116] : memref<63x80xi32, #tpu.memory_space<vmem>> -> memref<1x80xi32, #tpu.memory_space<vmem>>
      %dma_start3A_118 = tpu.memref_squeeze %dma_start3A_117 : memref<1x80xi32, #tpu.memory_space<vmem>> -> memref<80xi32, #tpu.memory_space<vmem>>
      %dma_start3A_119 = arith.constant 0 : i32
      %dma_start3A_120 = arith.constant 0 : i32
      %dma_start3A_121 = tpu.memref_slice %arg12[%dma_start3A_119, %dma_start3A_120] : memref<10000x128xf32, #tpu.memory_space<vmem_shared>> -> memref<10000x128xf32, #tpu.memory_space<vmem_shared>>
      tpu.enqueue_indirect_dma source(%arg10 : memref<80x128xf32, #tpu.memory_space<vmem>>) target(%dma_start3A_121 : memref<10000x128xf32, #tpu.memory_space<vmem_shared>>) offsets(%dma_start3A_118 : memref<80xi32, #tpu.memory_space<vmem>>) semaphore(%arg17 : memref<!tpu.dma_semaphore, #tpu.memory_space<semaphore_mem>>) {add = true}
      %dma_wait3A_122 = arith.constant 0 : i32
      %dma_wait3A_123 = tpu.memref_slice %arg7[%dma_wait3A_122] : memref<10000xi32, #tpu.memory_space<vmem>> -> memref<80xi32, #tpu.memory_space<vmem>>
      %dma_wait3A_124 = arith.constant 0 : i32
      %dma_wait3A_125 = arith.constant 0 : i32
      %dma_wait3A_126 = tpu.memref_slice %arg2[%dma_wait3A_124, %dma_wait3A_125] : memref<10000x128xf32, #tpu.memory_space<hbm>> -> memref<10000x128xf32, #tpu.memory_space<hbm>>
      tpu.wait_indirect_dma semaphore(%arg15 : memref<!tpu.dma_semaphore, #tpu.memory_space<semaphore_mem>>) src(%dma_wait3A_126 : memref<10000x128xf32, #tpu.memory_space<hbm>>) dst(%arg11 : memref<80x128xf32, #tpu.memory_space<vmem>>)
      %mul3A_127 = arith.constant 3 : i32
      %mul3A_128 = arith.muli %mul3A_127, %scan3A_90 : i32
      %add3A_129 = arith.constant 2 : i32
      %add3A_130 = arith.addi %mul3A_128, %add3A_129 : i32
      %dma_start3A_131 = arith.constant 0 : i32
      %dma_start3A_132 = tpu.memref_slice %arg8[%add3A_130, %dma_start3A_131] : memref<63x80xi32, #tpu.memory_space<vmem>> -> memref<1x80xi32, #tpu.memory_space<vmem>>
      %dma_start3A_133 = tpu.memref_squeeze %dma_start3A_132 : memref<1x80xi32, #tpu.memory_space<vmem>> -> memref<80xi32, #tpu.memory_space<vmem>>
      %dma_start3A_134 = arith.constant 0 : i32
      %dma_start3A_135 = arith.constant 0 : i32
      %dma_start3A_136 = tpu.memref_slice %arg12[%dma_start3A_134, %dma_start3A_135] : memref<10000x128xf32, #tpu.memory_space<vmem_shared>> -> memref<10000x128xf32, #tpu.memory_space<vmem_shared>>
      tpu.enqueue_indirect_dma source(%arg11 : memref<80x128xf32, #tpu.memory_space<vmem>>) target(%dma_start3A_136 : memref<10000x128xf32, #tpu.memory_space<vmem_shared>>) offsets(%dma_start3A_133 : memref<80xi32, #tpu.memory_space<vmem>>) semaphore(%arg18 : memref<!tpu.dma_semaphore, #tpu.memory_space<semaphore_mem>>) {add = true}
      %dma_wait3A_137 = arith.constant 0 : i32
      %dma_wait3A_138 = arith.constant 0 : i32
      %dma_wait3A_139 = tpu.memref_slice %arg8[%dma_wait3A_137, %dma_wait3A_138] : memref<63x80xi32, #tpu.memory_space<vmem>> -> memref<1x80xi32, #tpu.memory_space<vmem>>
      %dma_wait3A_140 = tpu.memref_squeeze %dma_wait3A_139 : memref<1x80xi32, #tpu.memory_space<vmem>> -> memref<80xi32, #tpu.memory_space<vmem>>
      %dma_wait3A_141 = arith.constant 0 : i32
      %dma_wait3A_142 = arith.constant 0 : i32
      %dma_wait3A_143 = tpu.memref_slice %arg12[%dma_wait3A_141, %dma_wait3A_142] : memref<10000x128xf32, #tpu.memory_space<vmem_shared>> -> memref<10000x128xf32, #tpu.memory_space<vmem_shared>>
      tpu.wait_indirect_dma semaphore(%arg16 : memref<!tpu.dma_semaphore, #tpu.memory_space<semaphore_mem>>) src(%arg9 : memref<80x128xf32, #tpu.memory_space<vmem>>) dst(%dma_wait3A_143 : memref<10000x128xf32, #tpu.memory_space<vmem_shared>>)
      %mul3A_144 = arith.constant 3 : i32
      %mul3A_145 = arith.muli %mul3A_144, %scan3A_90 : i32
      %add3A_146 = arith.constant 63 : i32
      %add3A_147 = arith.addi %add3A_146, %mul3A_145 : i32
      %add3A_148 = arith.constant 3 : i32
      %add3A_149 = arith.addi %add3A_147, %add3A_148 : i32
      %add3A_150 = arith.constant 0 : i32
      %add3A_151 = arith.addi %add3A_149, %add3A_150 : i32
      %lt3A = arith.constant 125 : i32
      %lt3A_152 = arith.cmpi slt, %add3A_151, %lt3A : i32
      %convert_element_type3A = arith.extui %lt3A_152 : i1 to i32
      %cond3A = arith.constant 0 : i32
      %cond3A_153 = arith.cmpi ne, %convert_element_type3A, %cond3A : i32
      scf.if %cond3A_153 {
        %mul3A_195 = arith.constant 80 : i32
        %mul3A_196 = arith.muli %add3A_151, %mul3A_195 : i32
        %dma_start3A_197 = tpu.memref_slice %arg7[%mul3A_196] : memref<10000xi32, #tpu.memory_space<vmem>> -> memref<80xi32, #tpu.memory_space<vmem>>
        %dma_start3A_198 = arith.constant 0 : i32
        %dma_start3A_199 = arith.constant 0 : i32
        %dma_start3A_200 = tpu.memref_slice %arg2[%dma_start3A_198, %dma_start3A_199] : memref<10000x128xf32, #tpu.memory_space<hbm>> -> memref<10000x128xf32, #tpu.memory_space<hbm>>
        tpu.enqueue_indirect_dma source(%dma_start3A_200 : memref<10000x128xf32, #tpu.memory_space<hbm>>) target(%arg9 : memref<80x128xf32, #tpu.memory_space<vmem>>) offsets(%dma_start3A_197 : memref<80xi32, #tpu.memory_space<vmem>>) semaphore(%arg13 : memref<!tpu.dma_semaphore, #tpu.memory_space<semaphore_mem>>)
      } else {
      }
      %dma_wait3A_154 = arith.constant 0 : i32
      %dma_wait3A_155 = arith.constant 0 : i32
      %dma_wait3A_156 = tpu.memref_slice %arg8[%dma_wait3A_154, %dma_wait3A_155] : memref<63x80xi32, #tpu.memory_space<vmem>> -> memref<1x80xi32, #tpu.memory_space<vmem>>
      %dma_wait3A_157 = tpu.memref_squeeze %dma_wait3A_156 : memref<1x80xi32, #tpu.memory_space<vmem>> -> memref<80xi32, #tpu.memory_space<vmem>>
      %dma_wait3A_158 = arith.constant 0 : i32
      %dma_wait3A_159 = arith.constant 0 : i32
      %dma_wait3A_160 = tpu.memref_slice %arg12[%dma_wait3A_158, %dma_wait3A_159] : memref<10000x128xf32, #tpu.memory_space<vmem_shared>> -> memref<10000x128xf32, #tpu.memory_space<vmem_shared>>
      tpu.wait_indirect_dma semaphore(%arg17 : memref<!tpu.dma_semaphore, #tpu.memory_space<semaphore_mem>>) src(%arg10 : memref<80x128xf32, #tpu.memory_space<vmem>>) dst(%dma_wait3A_160 : memref<10000x128xf32, #tpu.memory_space<vmem_shared>>)
      %mul3A_161 = arith.constant 3 : i32
      %mul3A_162 = arith.muli %mul3A_161, %scan3A_90 : i32
      %add3A_163 = arith.constant 63 : i32
      %add3A_164 = arith.addi %add3A_163, %mul3A_162 : i32
      %add3A_165 = arith.constant 3 : i32
      %add3A_166 = arith.addi %add3A_164, %add3A_165 : i32
      %add3A_167 = arith.constant 1 : i32
      %add3A_168 = arith.addi %add3A_166, %add3A_167 : i32
      %lt3A_169 = arith.constant 125 : i32
      %lt3A_170 = arith.cmpi slt, %add3A_168, %lt3A_169 : i32
      %convert_element_type3A_171 = arith.extui %lt3A_170 : i1 to i32
      %cond3A_172 = arith.constant 0 : i32
      %cond3A_173 = arith.cmpi ne, %convert_element_type3A_171, %cond3A_172 : i32
      scf.if %cond3A_173 {
        %mul3A_195 = arith.constant 80 : i32
        %mul3A_196 = arith.muli %add3A_168, %mul3A_195 : i32
        %dma_start3A_197 = tpu.memref_slice %arg7[%mul3A_196] : memref<10000xi32, #tpu.memory_space<vmem>> -> memref<80xi32, #tpu.memory_space<vmem>>
        %dma_start3A_198 = arith.constant 0 : i32
        %dma_start3A_199 = arith.constant 0 : i32
        %dma_start3A_200 = tpu.memref_slice %arg2[%dma_start3A_198, %dma_start3A_199] : memref<10000x128xf32, #tpu.memory_space<hbm>> -> memref<10000x128xf32, #tpu.memory_space<hbm>>
        tpu.enqueue_indirect_dma source(%dma_start3A_200 : memref<10000x128xf32, #tpu.memory_space<hbm>>) target(%arg10 : memref<80x128xf32, #tpu.memory_space<vmem>>) offsets(%dma_start3A_197 : memref<80xi32, #tpu.memory_space<vmem>>) semaphore(%arg14 : memref<!tpu.dma_semaphore, #tpu.memory_space<semaphore_mem>>)
      } else {
      }
      %dma_wait3A_174 = arith.constant 0 : i32
      %dma_wait3A_175 = arith.constant 0 : i32
      %dma_wait3A_176 = tpu.memref_slice %arg8[%dma_wait3A_174, %dma_wait3A_175] : memref<63x80xi32, #tpu.memory_space<vmem>> -> memref<1x80xi32, #tpu.memory_space<vmem>>
      %dma_wait3A_177 = tpu.memref_squeeze %dma_wait3A_176 : memref<1x80xi32, #tpu.memory_space<vmem>> -> memref<80xi32, #tpu.memory_space<vmem>>
      %dma_wait3A_178 = arith.constant 0 : i32
      %dma_wait3A_179 = arith.constant 0 : i32
      %dma_wait3A_180 = tpu.memref_slice %arg12[%dma_wait3A_178, %dma_wait3A_179] : memref<10000x128xf32, #tpu.memory_space<vmem_shared>> -> memref<10000x128xf32, #tpu.memory_space<vmem_shared>>
      tpu.wait_indirect_dma semaphore(%arg18 : memref<!tpu.dma_semaphore, #tpu.memory_space<semaphore_mem>>) src(%arg11 : memref<80x128xf32, #tpu.memory_space<vmem>>) dst(%dma_wait3A_180 : memref<10000x128xf32, #tpu.memory_space<vmem_shared>>)
      %mul3A_181 = arith.constant 3 : i32
      %mul3A_182 = arith.muli %mul3A_181, %scan3A_90 : i32
      %add3A_183 = arith.constant 63 : i32
      %add3A_184 = arith.addi %add3A_183, %mul3A_182 : i32
      %add3A_185 = arith.constant 3 : i32
      %add3A_186 = arith.addi %add3A_184, %add3A_185 : i32
      %add3A_187 = arith.constant 2 : i32
      %add3A_188 = arith.addi %add3A_186, %add3A_187 : i32
      %lt3A_189 = arith.constant 125 : i32
      %lt3A_190 = arith.cmpi slt, %add3A_188, %lt3A_189 : i32
      %convert_element_type3A_191 = arith.extui %lt3A_190 : i1 to i32
      %cond3A_192 = arith.constant 0 : i32
      %cond3A_193 = arith.cmpi ne, %convert_element_type3A_191, %cond3A_192 : i32
      scf.if %cond3A_193 {
        %mul3A_195 = arith.constant 80 : i32
        %mul3A_196 = arith.muli %add3A_188, %mul3A_195 : i32
        %dma_start3A_197 = tpu.memref_slice %arg7[%mul3A_196] : memref<10000xi32, #tpu.memory_space<vmem>> -> memref<80xi32, #tpu.memory_space<vmem>>
        %dma_start3A_198 = arith.constant 0 : i32
        %dma_start3A_199 = arith.constant 0 : i32
        %dma_start3A_200 = tpu.memref_slice %arg2[%dma_start3A_198, %dma_start3A_199] : memref<10000x128xf32, #tpu.memory_space<hbm>> -> memref<10000x128xf32, #tpu.memory_space<hbm>>
        tpu.enqueue_indirect_dma source(%dma_start3A_200 : memref<10000x128xf32, #tpu.memory_space<hbm>>) target(%arg11 : memref<80x128xf32, #tpu.memory_space<vmem>>) offsets(%dma_start3A_197 : memref<80xi32, #tpu.memory_space<vmem>>) semaphore(%arg15 : memref<!tpu.dma_semaphore, #tpu.memory_space<semaphore_mem>>)
      } else {
      }
      %scan3A_194 = arith.constant 0 : i32
      scf.yield %scan3A_194 : i32
    }
    %scan3A_44 = arith.constant 20 : i32
    %dma_wait3A = arith.constant 0 : i32
    %dma_wait3A_45 = tpu.memref_slice %arg7[%dma_wait3A] : memref<10000xi32, #tpu.memory_space<vmem>> -> memref<80xi32, #tpu.memory_space<vmem>>
    %dma_wait3A_46 = arith.constant 0 : i32
    %dma_wait3A_47 = arith.constant 0 : i32
    %dma_wait3A_48 = tpu.memref_slice %arg2[%dma_wait3A_46, %dma_wait3A_47] : memref<10000x128xf32, #tpu.memory_space<hbm>> -> memref<10000x128xf32, #tpu.memory_space<hbm>>
    tpu.wait_indirect_dma semaphore(%arg13 : memref<!tpu.dma_semaphore, #tpu.memory_space<semaphore_mem>>) src(%dma_wait3A_48 : memref<10000x128xf32, #tpu.memory_space<hbm>>) dst(%arg9 : memref<80x128xf32, #tpu.memory_space<vmem>>)
    %dma_start3A_49 = arith.constant 60 : i32
    %dma_start3A_50 = arith.constant 0 : i32
    %dma_start3A_51 = tpu.memref_slice %arg8[%dma_start3A_49, %dma_start3A_50] : memref<63x80xi32, #tpu.memory_space<vmem>> -> memref<1x80xi32, #tpu.memory_space<vmem>>
    %dma_start3A_52 = tpu.memref_squeeze %dma_start3A_51 : memref<1x80xi32, #tpu.memory_space<vmem>> -> memref<80xi32, #tpu.memory_space<vmem>>
    %dma_start3A_53 = arith.constant 0 : i32
    %dma_start3A_54 = arith.constant 0 : i32
    %dma_start3A_55 = tpu.memref_slice %arg12[%dma_start3A_53, %dma_start3A_54] : memref<10000x128xf32, #tpu.memory_space<vmem_shared>> -> memref<10000x128xf32, #tpu.memory_space<vmem_shared>>
    tpu.enqueue_indirect_dma source(%arg9 : memref<80x128xf32, #tpu.memory_space<vmem>>) target(%dma_start3A_55 : memref<10000x128xf32, #tpu.memory_space<vmem_shared>>) offsets(%dma_start3A_52 : memref<80xi32, #tpu.memory_space<vmem>>) semaphore(%arg16 : memref<!tpu.dma_semaphore, #tpu.memory_space<semaphore_mem>>) {add = true}
    %dma_wait3A_56 = arith.constant 0 : i32
    %dma_wait3A_57 = arith.constant 0 : i32
    %dma_wait3A_58 = tpu.memref_slice %arg8[%dma_wait3A_56, %dma_wait3A_57] : memref<63x80xi32, #tpu.memory_space<vmem>> -> memref<1x80xi32, #tpu.memory_space<vmem>>
    %dma_wait3A_59 = tpu.memref_squeeze %dma_wait3A_58 : memref<1x80xi32, #tpu.memory_space<vmem>> -> memref<80xi32, #tpu.memory_space<vmem>>
    %dma_wait3A_60 = arith.constant 0 : i32
    %dma_wait3A_61 = arith.constant 0 : i32
    %dma_wait3A_62 = tpu.memref_slice %arg12[%dma_wait3A_60, %dma_wait3A_61] : memref<10000x128xf32, #tpu.memory_space<vmem_shared>> -> memref<10000x128xf32, #tpu.memory_space<vmem_shared>>
    tpu.wait_indirect_dma semaphore(%arg16 : memref<!tpu.dma_semaphore, #tpu.memory_space<semaphore_mem>>) src(%arg9 : memref<80x128xf32, #tpu.memory_space<vmem>>) dst(%dma_wait3A_62 : memref<10000x128xf32, #tpu.memory_space<vmem_shared>>)
    %dma_wait3A_63 = arith.constant 0 : i32
    %dma_wait3A_64 = tpu.memref_slice %arg7[%dma_wait3A_63] : memref<10000xi32, #tpu.memory_space<vmem>> -> memref<80xi32, #tpu.memory_space<vmem>>
    %dma_wait3A_65 = arith.constant 0 : i32
    %dma_wait3A_66 = arith.constant 0 : i32
    %dma_wait3A_67 = tpu.memref_slice %arg2[%dma_wait3A_65, %dma_wait3A_66] : memref<10000x128xf32, #tpu.memory_space<hbm>> -> memref<10000x128xf32, #tpu.memory_space<hbm>>
    tpu.wait_indirect_dma semaphore(%arg14 : memref<!tpu.dma_semaphore, #tpu.memory_space<semaphore_mem>>) src(%dma_wait3A_67 : memref<10000x128xf32, #tpu.memory_space<hbm>>) dst(%arg10 : memref<80x128xf32, #tpu.memory_space<vmem>>)
    %dma_start3A_68 = arith.constant 61 : i32
    %dma_start3A_69 = arith.constant 0 : i32
    %dma_start3A_70 = tpu.memref_slice %arg8[%dma_start3A_68, %dma_start3A_69] : memref<63x80xi32, #tpu.memory_space<vmem>> -> memref<1x80xi32, #tpu.memory_space<vmem>>
    %dma_start3A_71 = tpu.memref_squeeze %dma_start3A_70 : memref<1x80xi32, #tpu.memory_space<vmem>> -> memref<80xi32, #tpu.memory_space<vmem>>
    %dma_start3A_72 = arith.constant 0 : i32
    %dma_start3A_73 = arith.constant 0 : i32
    %dma_start3A_74 = tpu.memref_slice %arg12[%dma_start3A_72, %dma_start3A_73] : memref<10000x128xf32, #tpu.memory_space<vmem_shared>> -> memref<10000x128xf32, #tpu.memory_space<vmem_shared>>
    tpu.enqueue_indirect_dma source(%arg10 : memref<80x128xf32, #tpu.memory_space<vmem>>) target(%dma_start3A_74 : memref<10000x128xf32, #tpu.memory_space<vmem_shared>>) offsets(%dma_start3A_71 : memref<80xi32, #tpu.memory_space<vmem>>) semaphore(%arg17 : memref<!tpu.dma_semaphore, #tpu.memory_space<semaphore_mem>>) {add = true}
    %dma_wait3A_75 = arith.constant 0 : i32
    %dma_wait3A_76 = arith.constant 0 : i32
    %dma_wait3A_77 = tpu.memref_slice %arg8[%dma_wait3A_75, %dma_wait3A_76] : memref<63x80xi32, #tpu.memory_space<vmem>> -> memref<1x80xi32, #tpu.memory_space<vmem>>
    %dma_wait3A_78 = tpu.memref_squeeze %dma_wait3A_77 : memref<1x80xi32, #tpu.memory_space<vmem>> -> memref<80xi32, #tpu.memory_space<vmem>>
    %dma_wait3A_79 = arith.constant 0 : i32
    %dma_wait3A_80 = arith.constant 0 : i32
    %dma_wait3A_81 = tpu.memref_slice %arg12[%dma_wait3A_79, %dma_wait3A_80] : memref<10000x128xf32, #tpu.memory_space<vmem_shared>> -> memref<10000x128xf32, #tpu.memory_space<vmem_shared>>
    tpu.wait_indirect_dma semaphore(%arg17 : memref<!tpu.dma_semaphore, #tpu.memory_space<semaphore_mem>>) src(%arg10 : memref<80x128xf32, #tpu.memory_space<vmem>>) dst(%dma_wait3A_81 : memref<10000x128xf32, #tpu.memory_space<vmem_shared>>)
    %barrier3A_82 = arith.constant 0 : index
    tpu.barrier barrier_id(%barrier3A_82)
    %scan3A_83 = arith.constant 0 : i32
    %scan3A_84 = arith.constant 0 : i32
    %scan3A_85 = arith.constant 8 : i32
    %scan3A_86 = arith.addi %scan3A_84, %scan3A_85 : i32
    %scan3A_87 = arith.constant 1 : i32
    %scan3A_88 = scf.for %scan3A_90 = %scan3A_84 to %scan3A_86 step %scan3A_87 iter_args(%scan3A_91 = %scan3A_83) -> (i32)  : i32 {
      %mul3A_92 = arith.constant 8 : i32
      %mul3A_93 = arith.muli %arg1, %mul3A_92 : i32
      %add3A_94 = arith.addi %mul3A_93, %scan3A_90 : i32
      %lt3A = arith.constant 125 : i32
      %lt3A_95 = arith.cmpi slt, %add3A_94, %lt3A : i32
      %convert_element_type3A = arith.extui %lt3A_95 : i1 to i32
      %cond3A = arith.constant 0 : i32
      %cond3A_96 = arith.cmpi ne, %convert_element_type3A, %cond3A : i32
      scf.if %cond3A_96 {
        %mul3A_98 = arith.constant 80 : i32
        %mul3A_99 = arith.muli %add3A_94, %mul3A_98 : i32
        "tpu.region"() ({
          %run_scoped3A = tpu.sem_alloc : memref<!tpu.dma_semaphore, #tpu.memory_space<semaphore_mem>>
          %dma_start3A_102 = arith.constant 0 : i32
          %dma_start3A_103 = arith.constant 0 : i32
          %dma_start3A_104 = tpu.memref_slice %arg9[%dma_start3A_102, %dma_start3A_103] : memref<80x128xf32, #tpu.memory_space<vmem>> -> memref<80x128xf32, #tpu.memory_space<vmem>>
          %dma_start3A_105 = arith.constant 0 : i32
          %dma_start3A_106 = tpu.memref_slice %arg12[%mul3A_99, %dma_start3A_105] : memref<10000x128xf32, #tpu.memory_space<vmem_shared>> -> memref<80x128xf32, #tpu.memory_space<vmem_shared>>
          %dma_start3A_107 = arith.constant 0 : i32
          %dma_start3A_108 = arith.constant 0 : i32
          %dma_start3A_109 = tpu.memref_slice %arg9[%dma_start3A_107, %dma_start3A_108] : memref<80x128xf32, #tpu.memory_space<vmem>> -> memref<80x128xf32, #tpu.memory_space<vmem>>
          %dma_start3A_110 = arith.constant 0 : i32
          %dma_start3A_111 = tpu.memref_slice %arg12[%mul3A_99, %dma_start3A_110] : memref<10000x128xf32, #tpu.memory_space<vmem_shared>> -> memref<80x128xf32, #tpu.memory_space<vmem_shared>>
          tpu.enqueue_dma source(%dma_start3A_111 : memref<80x128xf32, #tpu.memory_space<vmem_shared>>) target(%dma_start3A_109 : memref<80x128xf32, #tpu.memory_space<vmem>>) target_semaphore(%run_scoped3A : memref<!tpu.dma_semaphore, #tpu.memory_space<semaphore_mem>>)
          %dma_wait3A_112 = arith.constant 0 : i32
          %dma_wait3A_113 = arith.constant 0 : i32
          %dma_wait3A_114 = tpu.memref_slice %arg9[%dma_wait3A_112, %dma_wait3A_113] : memref<80x128xf32, #tpu.memory_space<vmem>> -> memref<80x128xf32, #tpu.memory_space<vmem>>
          %dma_wait3A_115 = arith.constant 0 : i32
          %dma_wait3A_116 = tpu.memref_slice %arg12[%mul3A_99, %dma_wait3A_115] : memref<10000x128xf32, #tpu.memory_space<vmem_shared>> -> memref<80x128xf32, #tpu.memory_space<vmem_shared>>
          %dma_wait3A_117 = arith.constant 0 : i32
          %dma_wait3A_118 = arith.constant 0 : i32
          %dma_wait3A_119 = tpu.memref_slice %arg9[%dma_wait3A_117, %dma_wait3A_118] : memref<80x128xf32, #tpu.memory_space<vmem>> -> memref<80x128xf32, #tpu.memory_space<vmem>>
          %dma_wait3A_120 = arith.constant 0 : i32
          %dma_wait3A_121 = tpu.memref_slice %arg12[%mul3A_99, %dma_wait3A_120] : memref<10000x128xf32, #tpu.memory_space<vmem_shared>> -> memref<80x128xf32, #tpu.memory_space<vmem_shared>>
          tpu.wait_dma2 semaphore(%run_scoped3A : memref<!tpu.dma_semaphore, #tpu.memory_space<semaphore_mem>>) src(%dma_wait3A_121 : memref<80x128xf32, #tpu.memory_space<vmem_shared>>) dst(%dma_wait3A_119 : memref<80x128xf32, #tpu.memory_space<vmem>>)
          tpu.yield
        }) : () -> ()
        %mul3A_100 = arith.constant 80 : i32
        %mul3A_101 = arith.muli %add3A_94, %mul3A_100 : i32
        "tpu.region"() ({
          %run_scoped3A = tpu.sem_alloc : memref<!tpu.dma_semaphore, #tpu.memory_space<semaphore_mem>>
          %dma_start3A_102 = arith.constant 0 : i32
          %dma_start3A_103 = arith.constant 0 : i32
          %dma_start3A_104 = tpu.memref_slice %arg9[%dma_start3A_102, %dma_start3A_103] : memref<80x128xf32, #tpu.memory_space<vmem>> -> memref<80x128xf32, #tpu.memory_space<vmem>>
          %dma_start3A_105 = arith.constant 0 : i32
          %dma_start3A_106 = tpu.memref_slice %arg6[%arg0, %mul3A_101, %dma_start3A_105] : memref<2x10000x128xf32, #tpu.memory_space<hbm>> -> memref<1x80x128xf32, #tpu.memory_space<hbm>>
          %dma_start3A_107 = tpu.memref_squeeze %dma_start3A_106 : memref<1x80x128xf32, #tpu.memory_space<hbm>> -> memref<80x128xf32, #tpu.memory_space<hbm>>
          %dma_start3A_108 = arith.constant 0 : i32
          %dma_start3A_109 = tpu.memref_slice %arg6[%arg0, %mul3A_101, %dma_start3A_108] : memref<2x10000x128xf32, #tpu.memory_space<hbm>> -> memref<1x80x128xf32, #tpu.memory_space<hbm>>
          %dma_start3A_110 = tpu.memref_squeeze %dma_start3A_109 : memref<1x80x128xf32, #tpu.memory_space<hbm>> -> memref<80x128xf32, #tpu.memory_space<hbm>>
          %dma_start3A_111 = arith.constant 0 : i32
          %dma_start3A_112 = arith.constant 0 : i32
          %dma_start3A_113 = tpu.memref_slice %arg9[%dma_start3A_111, %dma_start3A_112] : memref<80x128xf32, #tpu.memory_space<vmem>> -> memref<80x128xf32, #tpu.memory_space<vmem>>
          tpu.enqueue_dma source(%dma_start3A_113 : memref<80x128xf32, #tpu.memory_space<vmem>>) target(%dma_start3A_110 : memref<80x128xf32, #tpu.memory_space<hbm>>) target_semaphore(%run_scoped3A : memref<!tpu.dma_semaphore, #tpu.memory_space<semaphore_mem>>)
          %dma_wait3A_114 = arith.constant 0 : i32
          %dma_wait3A_115 = arith.constant 0 : i32
          %dma_wait3A_116 = tpu.memref_slice %arg9[%dma_wait3A_114, %dma_wait3A_115] : memref<80x128xf32, #tpu.memory_space<vmem>> -> memref<80x128xf32, #tpu.memory_space<vmem>>
          %dma_wait3A_117 = arith.constant 0 : i32
          %dma_wait3A_118 = tpu.memref_slice %arg6[%arg0, %mul3A_101, %dma_wait3A_117] : memref<2x10000x128xf32, #tpu.memory_space<hbm>> -> memref<1x80x128xf32, #tpu.memory_space<hbm>>
          %dma_wait3A_119 = tpu.memref_squeeze %dma_wait3A_118 : memref<1x80x128xf32, #tpu.memory_space<hbm>> -> memref<80x128xf32, #tpu.memory_space<hbm>>
          %dma_wait3A_120 = arith.constant 0 : i32
          %dma_wait3A_121 = tpu.memref_slice %arg6[%arg0, %mul3A_101, %dma_wait3A_120] : memref<2x10000x128xf32, #tpu.memory_space<hbm>> -> memref<1x80x128xf32, #tpu.memory_space<hbm>>
          %dma_wait3A_122 = tpu.memref_squeeze %dma_wait3A_121 : memref<1x80x128xf32, #tpu.memory_space<hbm>> -> memref<80x128xf32, #tpu.memory_space<hbm>>
          %dma_wait3A_123 = arith.constant 0 : i32
          %dma_wait3A_124 = arith.constant 0 : i32
          %dma_wait3A_125 = tpu.memref_slice %arg9[%dma_wait3A_123, %dma_wait3A_124] : memref<80x128xf32, #tpu.memory_space<vmem>> -> memref<80x128xf32, #tpu.memory_space<vmem>>
          tpu.wait_dma2 semaphore(%run_scoped3A : memref<!tpu.dma_semaphore, #tpu.memory_space<semaphore_mem>>) src(%dma_wait3A_125 : memref<80x128xf32, #tpu.memory_space<vmem>>) dst(%dma_wait3A_122 : memref<80x128xf32, #tpu.memory_space<hbm>>)
          tpu.yield
        }) : () -> ()
      } else {
      }
      %scan3A_97 = arith.constant 0 : i32
      scf.yield %scan3A_97 : i32
    }
    %scan3A_89 = arith.constant 8 : i32
    return
  }
}

#map = affine_map<(d0, d1) -> (0, 0, 0)>
#map1 = affine_map<(d0, d1) -> (0)>
module attributes {stable_mosaic.version = 14 : i64} {
  func.func @deg_kernel(%arg0: i32, %arg1: i32, %arg2: memref<32x125x80xi32, #tpu.memory_space<hbm>>, %arg3: memref<20000xf32, #tpu.memory_space<hbm>>, %arg4: memref<125x80xi32, #tpu.memory_space<vmem>>, %arg5: memref<80xf32, #tpu.memory_space<vmem>>, %arg6: memref<80xf32, #tpu.memory_space<vmem>>, %arg7: memref<10000xf32, #tpu.memory_space<vmem_shared>>, %arg8: memref<!tpu.dma_semaphore, #tpu.memory_space<semaphore_mem>>) attributes {dimension_semantics = [#tpu.dimension_semantics<core_parallel>, #tpu.dimension_semantics<subcore_parallel>], iteration_bounds = array<i64: 2, 16>, scalar_prefetch = 0 : i64, scratch_operands = 5 : i64, tpu.core_type = #tpu.core_type<sc_vector_subcore>, window_params = [{transform_indices = #map}, {transform_indices = #map1}]} {
    %mul3A = arith.constant 16 : i32
    %mul3A_0 = arith.muli %arg0, %mul3A : i32
    %add3A = arith.addi %mul3A_0, %arg1 : i32
    %broadcast_in_dim3A = arith.constant 1.000000e+00 : f32
    %broadcast_in_dim3A_1 = vector.broadcast %broadcast_in_dim3A : f32 to vector<16xf32>
    %broadcast_in_dim3A_2 = arith.constant 0.000000e+00 : f32
    %broadcast_in_dim3A_3 = vector.broadcast %broadcast_in_dim3A_2 : f32 to vector<16xf32>
    %scan3A = arith.constant 0 : i32
    %scan3A_4 = arith.constant 0 : i32
    %scan3A_5 = arith.constant 5 : i32
    %scan3A_6 = arith.addi %scan3A_4, %scan3A_5 : i32
    %scan3A_7 = arith.constant 1 : i32
    %scan3A_8 = scf.for %scan3A_48 = %scan3A_4 to %scan3A_6 step %scan3A_7 iter_args(%scan3A_49 = %scan3A) -> (i32)  : i32 {
      %mul3A_50 = arith.constant 16 : i32
      %mul3A_51 = arith.muli %scan3A_48, %mul3A_50 : i32
      %swap3A = arith.index_cast %mul3A_51 : i32 to index
      %swap3A_52 = tpu.vector_load %arg5[%swap3A] {strides = array<i32>} : memref<80xf32, #tpu.memory_space<vmem>>, vector<16xf32>,
      %swap3A_53 = vector.shape_cast %swap3A_52 : vector<16xf32> to vector<16xf32>
      %swap3A_54 = vector.shape_cast %broadcast_in_dim3A_1 : vector<16xf32> to vector<16xf32>
      tpu.vector_store %arg5[%swap3A], %swap3A_54 {strides = array<i32>} : memref<80xf32, #tpu.memory_space<vmem>>, vector<16xf32>,
      %scan3A_55 = arith.constant 0 : i32
      scf.yield %scan3A_55 : i32
    }
    %scan3A_9 = arith.constant 5 : i32
    %scan3A_10 = arith.constant 0 : i32
    %scan3A_11 = arith.constant 0 : i32
    %scan3A_12 = arith.constant 5 : i32
    %scan3A_13 = arith.addi %scan3A_11, %scan3A_12 : i32
    %scan3A_14 = arith.constant 1 : i32
    %scan3A_15 = scf.for %scan3A_48 = %scan3A_11 to %scan3A_13 step %scan3A_14 iter_args(%scan3A_49 = %scan3A_10) -> (i32)  : i32 {
      %mul3A_50 = arith.constant 16 : i32
      %mul3A_51 = arith.muli %scan3A_48, %mul3A_50 : i32
      %swap3A = arith.index_cast %mul3A_51 : i32 to index
      %swap3A_52 = tpu.vector_load %arg6[%swap3A] {strides = array<i32>} : memref<80xf32, #tpu.memory_space<vmem>>, vector<16xf32>,
      %swap3A_53 = vector.shape_cast %swap3A_52 : vector<16xf32> to vector<16xf32>
      %swap3A_54 = vector.shape_cast %broadcast_in_dim3A_3 : vector<16xf32> to vector<16xf32>
      tpu.vector_store %arg6[%swap3A], %swap3A_54 {strides = array<i32>} : memref<80xf32, #tpu.memory_space<vmem>>, vector<16xf32>,
      %scan3A_55 = arith.constant 0 : i32
      scf.yield %scan3A_55 : i32
    }
    %scan3A_16 = arith.constant 5 : i32
    "tpu.region"() ({
      %run_scoped3A = tpu.sem_alloc : memref<!tpu.dma_semaphore, #tpu.memory_space<semaphore_mem>>
      %dma_start3A = arith.constant 0 : i32
      %dma_start3A_48 = arith.constant 0 : i32
      %dma_start3A_49 = tpu.memref_slice %arg2[%add3A, %dma_start3A, %dma_start3A_48] : memref<32x125x80xi32, #tpu.memory_space<hbm>> -> memref<1x125x80xi32, #tpu.memory_space<hbm>>
      %dma_start3A_50 = tpu.memref_squeeze %dma_start3A_49 : memref<1x125x80xi32, #tpu.memory_space<hbm>> -> memref<125x80xi32, #tpu.memory_space<hbm>>
      %dma_start3A_51 = arith.constant 0 : i32
      %dma_start3A_52 = arith.constant 0 : i32
      %dma_start3A_53 = tpu.memref_slice %arg2[%add3A, %dma_start3A_51, %dma_start3A_52] : memref<32x125x80xi32, #tpu.memory_space<hbm>> -> memref<1x125x80xi32, #tpu.memory_space<hbm>>
      %dma_start3A_54 = tpu.memref_squeeze %dma_start3A_53 : memref<1x125x80xi32, #tpu.memory_space<hbm>> -> memref<125x80xi32, #tpu.memory_space<hbm>>
      tpu.enqueue_dma source(%dma_start3A_54 : memref<125x80xi32, #tpu.memory_space<hbm>>) target(%arg4 : memref<125x80xi32, #tpu.memory_space<vmem>>) target_semaphore(%run_scoped3A : memref<!tpu.dma_semaphore, #tpu.memory_space<semaphore_mem>>)
      %dma_wait3A = arith.constant 0 : i32
      %dma_wait3A_55 = arith.constant 0 : i32
      %dma_wait3A_56 = tpu.memref_slice %arg2[%add3A, %dma_wait3A, %dma_wait3A_55] : memref<32x125x80xi32, #tpu.memory_space<hbm>> -> memref<1x125x80xi32, #tpu.memory_space<hbm>>
      %dma_wait3A_57 = tpu.memref_squeeze %dma_wait3A_56 : memref<1x125x80xi32, #tpu.memory_space<hbm>> -> memref<125x80xi32, #tpu.memory_space<hbm>>
      %dma_wait3A_58 = arith.constant 0 : i32
      %dma_wait3A_59 = arith.constant 0 : i32
      %dma_wait3A_60 = tpu.memref_slice %arg2[%add3A, %dma_wait3A_58, %dma_wait3A_59] : memref<32x125x80xi32, #tpu.memory_space<hbm>> -> memref<1x125x80xi32, #tpu.memory_space<hbm>>
      %dma_wait3A_61 = tpu.memref_squeeze %dma_wait3A_60 : memref<1x125x80xi32, #tpu.memory_space<hbm>> -> memref<125x80xi32, #tpu.memory_space<hbm>>
      tpu.wait_dma2 semaphore(%run_scoped3A : memref<!tpu.dma_semaphore, #tpu.memory_space<semaphore_mem>>) src(%dma_wait3A_61 : memref<125x80xi32, #tpu.memory_space<hbm>>) dst(%arg4 : memref<125x80xi32, #tpu.memory_space<vmem>>)
      tpu.yield
    }) : () -> ()
    %scan3A_17 = arith.constant 0 : i32
    %scan3A_18 = arith.constant 0 : i32
    %scan3A_19 = arith.constant 8 : i32
    %scan3A_20 = arith.addi %scan3A_18, %scan3A_19 : i32
    %scan3A_21 = arith.constant 1 : i32
    %scan3A_22 = scf.for %scan3A_48 = %scan3A_18 to %scan3A_20 step %scan3A_21 iter_args(%scan3A_49 = %scan3A_17) -> (i32)  : i32 {
      %mul3A_50 = arith.constant 8 : i32
      %mul3A_51 = arith.muli %arg1, %mul3A_50 : i32
      %add3A_52 = arith.addi %mul3A_51, %scan3A_48 : i32
      %lt3A = arith.constant 125 : i32
      %lt3A_53 = arith.cmpi slt, %add3A_52, %lt3A : i32
      %convert_element_type3A = arith.extui %lt3A_53 : i1 to i32
      %cond3A = arith.constant 0 : i32
      %cond3A_54 = arith.cmpi ne, %convert_element_type3A, %cond3A : i32
      scf.if %cond3A_54 {
        %mul3A_56 = arith.constant 80 : i32
        %mul3A_57 = arith.muli %add3A_52, %mul3A_56 : i32
        "tpu.region"() ({
          %run_scoped3A = tpu.sem_alloc : memref<!tpu.dma_semaphore, #tpu.memory_space<semaphore_mem>>
          %dma_start3A = tpu.memref_slice %arg7[%mul3A_57] : memref<10000xf32, #tpu.memory_space<vmem_shared>> -> memref<80xf32, #tpu.memory_space<vmem_shared>>
          %dma_start3A_58 = tpu.memref_slice %arg7[%mul3A_57] : memref<10000xf32, #tpu.memory_space<vmem_shared>> -> memref<80xf32, #tpu.memory_space<vmem_shared>>
          tpu.enqueue_dma source(%arg6 : memref<80xf32, #tpu.memory_space<vmem>>) target(%dma_start3A_58 : memref<80xf32, #tpu.memory_space<vmem_shared>>) target_semaphore(%run_scoped3A : memref<!tpu.dma_semaphore, #tpu.memory_space<semaphore_mem>>)
          %dma_wait3A = tpu.memref_slice %arg7[%mul3A_57] : memref<10000xf32, #tpu.memory_space<vmem_shared>> -> memref<80xf32, #tpu.memory_space<vmem_shared>>
          %dma_wait3A_59 = tpu.memref_slice %arg7[%mul3A_57] : memref<10000xf32, #tpu.memory_space<vmem_shared>> -> memref<80xf32, #tpu.memory_space<vmem_shared>>
          tpu.wait_dma2 semaphore(%run_scoped3A : memref<!tpu.dma_semaphore, #tpu.memory_space<semaphore_mem>>) src(%arg6 : memref<80xf32, #tpu.memory_space<vmem>>) dst(%dma_wait3A_59 : memref<80xf32, #tpu.memory_space<vmem_shared>>)
          tpu.yield
        }) : () -> ()
      } else {
      }
      %scan3A_55 = arith.constant 0 : i32
      scf.yield %scan3A_55 : i32
    }
    %scan3A_23 = arith.constant 8 : i32
    %barrier3A = arith.constant 0 : index
    tpu.barrier barrier_id(%barrier3A)
    %scan3A_24 = arith.constant 0 : i32
    %scan3A_25 = arith.constant 0 : i32
    %scan3A_26 = arith.constant 125 : i32
    %scan3A_27 = arith.addi %scan3A_25, %scan3A_26 : i32
    %scan3A_28 = arith.constant 1 : i32
    %scan3A_29 = scf.for %scan3A_48 = %scan3A_25 to %scan3A_27 step %scan3A_28 iter_args(%scan3A_49 = %scan3A_24) -> (i32)  : i32 {
      %dma_start3A = arith.constant 0 : i32
      %dma_start3A_50 = tpu.memref_slice %arg4[%scan3A_48, %dma_start3A] : memref<125x80xi32, #tpu.memory_space<vmem>> -> memref<1x80xi32, #tpu.memory_space<vmem>>
      %dma_start3A_51 = tpu.memref_squeeze %dma_start3A_50 : memref<1x80xi32, #tpu.memory_space<vmem>> -> memref<80xi32, #tpu.memory_space<vmem>>
      %dma_start3A_52 = arith.constant 0 : i32
      %dma_start3A_53 = tpu.memref_slice %arg7[%dma_start3A_52] : memref<10000xf32, #tpu.memory_space<vmem_shared>> -> memref<10000xf32, #tpu.memory_space<vmem_shared>>
      tpu.enqueue_indirect_dma source(%arg5 : memref<80xf32, #tpu.memory_space<vmem>>) target(%dma_start3A_53 : memref<10000xf32, #tpu.memory_space<vmem_shared>>) offsets(%dma_start3A_51 : memref<80xi32, #tpu.memory_space<vmem>>) semaphore(%arg8 : memref<!tpu.dma_semaphore, #tpu.memory_space<semaphore_mem>>) {add = true}
      %scan3A_54 = arith.constant 0 : i32
      scf.yield %scan3A_54 : i32
    }
    %scan3A_30 = arith.constant 125 : i32
    %scan3A_31 = arith.constant 0 : i32
    %scan3A_32 = arith.constant 0 : i32
    %scan3A_33 = arith.constant 125 : i32
    %scan3A_34 = arith.addi %scan3A_32, %scan3A_33 : i32
    %scan3A_35 = arith.constant 1 : i32
    %scan3A_36 = scf.for %scan3A_48 = %scan3A_32 to %scan3A_34 step %scan3A_35 iter_args(%scan3A_49 = %scan3A_31) -> (i32)  : i32 {
      %dma_wait3A = arith.constant 0 : i32
      %dma_wait3A_50 = arith.constant 0 : i32
      %dma_wait3A_51 = tpu.memref_slice %arg4[%dma_wait3A, %dma_wait3A_50] : memref<125x80xi32, #tpu.memory_space<vmem>> -> memref<1x80xi32, #tpu.memory_space<vmem>>
      %dma_wait3A_52 = tpu.memref_squeeze %dma_wait3A_51 : memref<1x80xi32, #tpu.memory_space<vmem>> -> memref<80xi32, #tpu.memory_space<vmem>>
      %dma_wait3A_53 = arith.constant 0 : i32
      %dma_wait3A_54 = tpu.memref_slice %arg7[%dma_wait3A_53] : memref<10000xf32, #tpu.memory_space<vmem_shared>> -> memref<10000xf32, #tpu.memory_space<vmem_shared>>
      tpu.wait_indirect_dma semaphore(%arg8 : memref<!tpu.dma_semaphore, #tpu.memory_space<semaphore_mem>>) src(%arg5 : memref<80xf32, #tpu.memory_space<vmem>>) dst(%dma_wait3A_54 : memref<10000xf32, #tpu.memory_space<vmem_shared>>)
      %scan3A_55 = arith.constant 0 : i32
      scf.yield %scan3A_55 : i32
    }
    %scan3A_37 = arith.constant 125 : i32
    %barrier3A_38 = arith.constant 0 : index
    tpu.barrier barrier_id(%barrier3A_38)
    %mul3A_39 = arith.constant 10000 : i32
    %mul3A_40 = arith.muli %arg0, %mul3A_39 : i32
    %scan3A_41 = arith.constant 0 : i32
    %scan3A_42 = arith.constant 0 : i32
    %scan3A_43 = arith.constant 8 : i32
    %scan3A_44 = arith.addi %scan3A_42, %scan3A_43 : i32
    %scan3A_45 = arith.constant 1 : i32
    %scan3A_46 = scf.for %scan3A_48 = %scan3A_42 to %scan3A_44 step %scan3A_45 iter_args(%scan3A_49 = %scan3A_41) -> (i32)  : i32 {
      %mul3A_50 = arith.constant 8 : i32
      %mul3A_51 = arith.muli %arg1, %mul3A_50 : i32
      %add3A_52 = arith.addi %mul3A_51, %scan3A_48 : i32
      %lt3A = arith.constant 125 : i32
      %lt3A_53 = arith.cmpi slt, %add3A_52, %lt3A : i32
      %convert_element_type3A = arith.extui %lt3A_53 : i1 to i32
      %cond3A = arith.constant 0 : i32
      %cond3A_54 = arith.cmpi ne, %convert_element_type3A, %cond3A : i32
      scf.if %cond3A_54 {
        %mul3A_56 = arith.constant 80 : i32
        %mul3A_57 = arith.muli %add3A_52, %mul3A_56 : i32
        "tpu.region"() ({
          %run_scoped3A = tpu.sem_alloc : memref<!tpu.dma_semaphore, #tpu.memory_space<semaphore_mem>>
          %dma_start3A = tpu.memref_slice %arg7[%mul3A_57] : memref<10000xf32, #tpu.memory_space<vmem_shared>> -> memref<80xf32, #tpu.memory_space<vmem_shared>>
          %dma_start3A_61 = tpu.memref_slice %arg7[%mul3A_57] : memref<10000xf32, #tpu.memory_space<vmem_shared>> -> memref<80xf32, #tpu.memory_space<vmem_shared>>
          tpu.enqueue_dma source(%dma_start3A_61 : memref<80xf32, #tpu.memory_space<vmem_shared>>) target(%arg6 : memref<80xf32, #tpu.memory_space<vmem>>) target_semaphore(%run_scoped3A : memref<!tpu.dma_semaphore, #tpu.memory_space<semaphore_mem>>)
          %dma_wait3A = tpu.memref_slice %arg7[%mul3A_57] : memref<10000xf32, #tpu.memory_space<vmem_shared>> -> memref<80xf32, #tpu.memory_space<vmem_shared>>
          %dma_wait3A_62 = tpu.memref_slice %arg7[%mul3A_57] : memref<10000xf32, #tpu.memory_space<vmem_shared>> -> memref<80xf32, #tpu.memory_space<vmem_shared>>
          tpu.wait_dma2 semaphore(%run_scoped3A : memref<!tpu.dma_semaphore, #tpu.memory_space<semaphore_mem>>) src(%dma_wait3A_62 : memref<80xf32, #tpu.memory_space<vmem_shared>>) dst(%arg6 : memref<80xf32, #tpu.memory_space<vmem>>)
          tpu.yield
        }) : () -> ()
        %mul3A_58 = arith.constant 80 : i32
        %mul3A_59 = arith.muli %add3A_52, %mul3A_58 : i32
        %add3A_60 = arith.addi %mul3A_40, %mul3A_59 : i32
        "tpu.region"() ({
          %run_scoped3A = tpu.sem_alloc : memref<!tpu.dma_semaphore, #tpu.memory_space<semaphore_mem>>
          %dma_start3A = tpu.memref_slice %arg3[%add3A_60] : memref<20000xf32, #tpu.memory_space<hbm>> -> memref<80xf32, #tpu.memory_space<hbm>>
          %dma_start3A_61 = tpu.memref_slice %arg3[%add3A_60] : memref<20000xf32, #tpu.memory_space<hbm>> -> memref<80xf32, #tpu.memory_space<hbm>>
          tpu.enqueue_dma source(%arg6 : memref<80xf32, #tpu.memory_space<vmem>>) target(%dma_start3A_61 : memref<80xf32, #tpu.memory_space<hbm>>) target_semaphore(%run_scoped3A : memref<!tpu.dma_semaphore, #tpu.memory_space<semaphore_mem>>)
          %dma_wait3A = tpu.memref_slice %arg3[%add3A_60] : memref<20000xf32, #tpu.memory_space<hbm>> -> memref<80xf32, #tpu.memory_space<hbm>>
          %dma_wait3A_62 = tpu.memref_slice %arg3[%add3A_60] : memref<20000xf32, #tpu.memory_space<hbm>> -> memref<80xf32, #tpu.memory_space<hbm>>
          tpu.wait_dma2 semaphore(%run_scoped3A : memref<!tpu.dma_semaphore, #tpu.memory_space<semaphore_mem>>) src(%arg6 : memref<80xf32, #tpu.memory_space<vmem>>) dst(%dma_wait3A_62 : memref<80xf32, #tpu.memory_space<hbm>>)
          tpu.yield
        }) : () -> ()
      } else {
      }
      %scan3A_55 = arith.constant 0 : i32
      scf.yield %scan3A_55 : i32
    }
    %scan3A_47 = arith.constant 8 : i32
    return
  }
}

#map = affine_map<(d0, d1) -> (0, 0)>
#map1 = affine_map<(d0, d1) -> (0)>
#map2 = affine_map<(d0, d1) -> (0, 0, 0)>
module attributes {stable_mosaic.version = 14 : i64} {
  func.func @scat_kernel(%arg0: i32, %arg1: i32, %arg2: memref<10000x128xf32, #tpu.memory_space<hbm>>, %arg3: memref<320000xi32, #tpu.memory_space<hbm>>, %arg4: memref<32x63x80xi32, #tpu.memory_space<hbm>>, %arg5: memref<32x62x80xi32, #tpu.memory_space<hbm>>, %arg6: memref<2x10000x128xf32, #tpu.memory_space<hbm>>, %arg7: memref<10000xi32, #tpu.memory_space<vmem>>, %arg8: memref<63x80xi32, #tpu.memory_space<vmem>>, %arg9: memref<80x128xf32, #tpu.memory_space<vmem>>, %arg10: memref<80x128xf32, #tpu.memory_space<vmem>>, %arg11: memref<80x128xf32, #tpu.memory_space<vmem>>, %arg12: memref<10000x128xf32, #tpu.memory_space<vmem_shared>>, %arg13: memref<!tpu.dma_semaphore, #tpu.memory_space<semaphore_mem>>, %arg14: memref<!tpu.dma_semaphore, #tpu.memory_space<semaphore_mem>>, %arg15: memref<!tpu.dma_semaphore, #tpu.memory_space<semaphore_mem>>, %arg16: memref<!tpu.dma_semaphore, #tpu.memory_space<semaphore_mem>>, %arg17: memref<!tpu.dma_semaphore, #tpu.memory_space<semaphore_mem>>, %arg18: memref<!tpu.dma_semaphore, #tpu.memory_space<semaphore_mem>>) attributes {dimension_semantics = [#tpu.dimension_semantics<core_parallel>, #tpu.dimension_semantics<subcore_parallel>], iteration_bounds = array<i64: 2, 16>, scalar_prefetch = 0 : i64, scratch_operands = 12 : i64, tpu.core_type = #tpu.core_type<sc_vector_subcore>, window_params = [{transform_indices = #map}, {transform_indices = #map1}, {transform_indices = #map2}, {transform_indices = #map2}, {transform_indices = #map2}]} {
    %mul3A = arith.constant 16 : i32
    %mul3A_0 = arith.muli %arg0, %mul3A : i32
    %add3A = arith.addi %mul3A_0, %arg1 : i32
    %broadcast_in_dim3A = arith.constant 0.000000e+00 : f32
    %broadcast_in_dim3A_1 = vector.broadcast %broadcast_in_dim3A : f32 to vector<16xf32>
    %mul3A_2 = arith.constant 10000 : i32
    %mul3A_3 = arith.muli %add3A, %mul3A_2 : i32
    "tpu.region"() ({
      %run_scoped3A = tpu.sem_alloc : memref<!tpu.dma_semaphore, #tpu.memory_space<semaphore_mem>>
      %dma_start3A_90 = tpu.memref_slice %arg3[%mul3A_3] : memref<320000xi32, #tpu.memory_space<hbm>> -> memref<10000xi32, #tpu.memory_space<hbm>>
      %dma_start3A_91 = tpu.memref_slice %arg3[%mul3A_3] : memref<320000xi32, #tpu.memory_space<hbm>> -> memref<10000xi32, #tpu.memory_space<hbm>>
      tpu.enqueue_dma source(%dma_start3A_91 : memref<10000xi32, #tpu.memory_space<hbm>>) target(%arg7 : memref<10000xi32, #tpu.memory_space<vmem>>) target_semaphore(%run_scoped3A : memref<!tpu.dma_semaphore, #tpu.memory_space<semaphore_mem>>)
      %dma_wait3A_92 = tpu.memref_slice %arg3[%mul3A_3] : memref<320000xi32, #tpu.memory_space<hbm>> -> memref<10000xi32, #tpu.memory_space<hbm>>
      %dma_wait3A_93 = tpu.memref_slice %arg3[%mul3A_3] : memref<320000xi32, #tpu.memory_space<hbm>> -> memref<10000xi32, #tpu.memory_space<hbm>>
      tpu.wait_dma2 semaphore(%run_scoped3A : memref<!tpu.dma_semaphore, #tpu.memory_space<semaphore_mem>>) src(%dma_wait3A_93 : memref<10000xi32, #tpu.memory_space<hbm>>) dst(%arg7 : memref<10000xi32, #tpu.memory_space<vmem>>)
      tpu.yield
    }) : () -> ()
    "tpu.region"() ({
      %run_scoped3A = tpu.sem_alloc : memref<!tpu.dma_semaphore, #tpu.memory_space<semaphore_mem>>
      %dma_start3A_90 = arith.constant 0 : i32
      %dma_start3A_91 = arith.constant 0 : i32
      %dma_start3A_92 = tpu.memref_slice %arg4[%add3A, %dma_start3A_90, %dma_start3A_91] : memref<32x63x80xi32, #tpu.memory_space<hbm>> -> memref<1x63x80xi32, #tpu.memory_space<hbm>>
      %dma_start3A_93 = tpu.memref_squeeze %dma_start3A_92 : memref<1x63x80xi32, #tpu.memory_space<hbm>> -> memref<63x80xi32, #tpu.memory_space<hbm>>
      %dma_start3A_94 = arith.constant 0 : i32
      %dma_start3A_95 = arith.constant 0 : i32
      %dma_start3A_96 = tpu.memref_slice %arg4[%add3A, %dma_start3A_94, %dma_start3A_95] : memref<32x63x80xi32, #tpu.memory_space<hbm>> -> memref<1x63x80xi32, #tpu.memory_space<hbm>>
      %dma_start3A_97 = tpu.memref_squeeze %dma_start3A_96 : memref<1x63x80xi32, #tpu.memory_space<hbm>> -> memref<63x80xi32, #tpu.memory_space<hbm>>
      tpu.enqueue_dma source(%dma_start3A_97 : memref<63x80xi32, #tpu.memory_space<hbm>>) target(%arg8 : memref<63x80xi32, #tpu.memory_space<vmem>>) target_semaphore(%run_scoped3A : memref<!tpu.dma_semaphore, #tpu.memory_space<semaphore_mem>>)
      %dma_wait3A_98 = arith.constant 0 : i32
      %dma_wait3A_99 = arith.constant 0 : i32
      %dma_wait3A_100 = tpu.memref_slice %arg4[%add3A, %dma_wait3A_98, %dma_wait3A_99] : memref<32x63x80xi32, #tpu.memory_space<hbm>> -> memref<1x63x80xi32, #tpu.memory_space<hbm>>
      %dma_wait3A_101 = tpu.memref_squeeze %dma_wait3A_100 : memref<1x63x80xi32, #tpu.memory_space<hbm>> -> memref<63x80xi32, #tpu.memory_space<hbm>>
      %dma_wait3A_102 = arith.constant 0 : i32
      %dma_wait3A_103 = arith.constant 0 : i32
      %dma_wait3A_104 = tpu.memref_slice %arg4[%add3A, %dma_wait3A_102, %dma_wait3A_103] : memref<32x63x80xi32, #tpu.memory_space<hbm>> -> memref<1x63x80xi32, #tpu.memory_space<hbm>>
      %dma_wait3A_105 = tpu.memref_squeeze %dma_wait3A_104 : memref<1x63x80xi32, #tpu.memory_space<hbm>> -> memref<63x80xi32, #tpu.memory_space<hbm>>
      tpu.wait_dma2 semaphore(%run_scoped3A : memref<!tpu.dma_semaphore, #tpu.memory_space<semaphore_mem>>) src(%dma_wait3A_105 : memref<63x80xi32, #tpu.memory_space<hbm>>) dst(%arg8 : memref<63x80xi32, #tpu.memory_space<vmem>>)
      tpu.yield
    }) : () -> ()
    %scan3A = arith.constant 0 : i32
    %scan3A_4 = arith.constant 0 : i32
    %scan3A_5 = arith.constant 80 : i32
    %scan3A_6 = arith.addi %scan3A_4, %scan3A_5 : i32
    %scan3A_7 = arith.constant 1 : i32
    %scan3A_8 = scf.for %scan3A_90 = %scan3A_4 to %scan3A_6 step %scan3A_7 iter_args(%scan3A_91 = %scan3A) -> (i32)  : i32 {
      %scan3A_92 = arith.constant 0 : i32
      %scan3A_93 = arith.constant 0 : i32
      %scan3A_94 = arith.constant 8 : i32
      %scan3A_95 = arith.addi %scan3A_93, %scan3A_94 : i32
      %scan3A_96 = arith.constant 1 : i32
      %scan3A_97 = scf.for %scan3A_100 = %scan3A_93 to %scan3A_95 step %scan3A_96 iter_args(%scan3A_101 = %scan3A_92) -> (i32)  : i32 {
        %mul3A_102 = arith.constant 16 : i32
        %mul3A_103 = arith.muli %scan3A_100, %mul3A_102 : i32
        %swap3A = arith.index_cast %scan3A_90 : i32 to index
        %swap3A_104 = arith.index_cast %mul3A_103 : i32 to index
        %swap3A_105 = tpu.vector_load %arg9[%swap3A, %swap3A_104] {strides = array<i32>} : memref<80x128xf32, #tpu.memory_space<vmem>>, vector<1x16xf32>,
        %swap3A_106 = vector.shape_cast %swap3A_105 : vector<1x16xf32> to vector<16xf32>
        %swap3A_107 = vector.shape_cast %broadcast_in_dim3A_1 : vector<16xf32> to vector<1x16xf32>
        tpu.vector_store %arg9[%swap3A, %swap3A_104], %swap3A_107 {strides = array<i32>} : memref<80x128xf32, #tpu.memory_space<vmem>>, vector<1x16xf32>,
        %scan3A_108 = arith.constant 0 : i32
        scf.yield %scan3A_108 : i32
      }
      %scan3A_98 = arith.constant 8 : i32
      %scan3A_99 = arith.constant 0 : i32
      scf.yield %scan3A_99 : i32
    }
    %scan3A_9 = arith.constant 80 : i32
    %scan3A_10 = arith.constant 0 : i32
    %scan3A_11 = arith.constant 0 : i32
    %scan3A_12 = arith.constant 8 : i32
    %scan3A_13 = arith.addi %scan3A_11, %scan3A_12 : i32
    %scan3A_14 = arith.constant 1 : i32
    %scan3A_15 = scf.for %scan3A_90 = %scan3A_11 to %scan3A_13 step %scan3A_14 iter_args(%scan3A_91 = %scan3A_10) -> (i32)  : i32 {
      %mul3A_92 = arith.constant 8 : i32
      %mul3A_93 = arith.muli %arg1, %mul3A_92 : i32
      %add3A_94 = arith.addi %mul3A_93, %scan3A_90 : i32
      %lt3A = arith.constant 125 : i32
      %lt3A_95 = arith.cmpi slt, %add3A_94, %lt3A : i32
      %convert_element_type3A = arith.extui %lt3A_95 : i1 to i32
      %cond3A = arith.constant 0 : i32
      %cond3A_96 = arith.cmpi ne, %convert_element_type3A, %cond3A : i32
      scf.if %cond3A_96 {
        %mul3A_98 = arith.constant 80 : i32
        %mul3A_99 = arith.muli %add3A_94, %mul3A_98 : i32
        "tpu.region"() ({
          %run_scoped3A = tpu.sem_alloc : memref<!tpu.dma_semaphore, #tpu.memory_space<semaphore_mem>>
          %dma_start3A_100 = arith.constant 0 : i32
          %dma_start3A_101 = arith.constant 0 : i32
          %dma_start3A_102 = tpu.memref_slice %arg9[%dma_start3A_100, %dma_start3A_101] : memref<80x128xf32, #tpu.memory_space<vmem>> -> memref<80x128xf32, #tpu.memory_space<vmem>>
          %dma_start3A_103 = arith.constant 0 : i32
          %dma_start3A_104 = tpu.memref_slice %arg12[%mul3A_99, %dma_start3A_103] : memref<10000x128xf32, #tpu.memory_space<vmem_shared>> -> memref<80x128xf32, #tpu.memory_space<vmem_shared>>
          %dma_start3A_105 = arith.constant 0 : i32
          %dma_start3A_106 = tpu.memref_slice %arg12[%mul3A_99, %dma_start3A_105] : memref<10000x128xf32, #tpu.memory_space<vmem_shared>> -> memref<80x128xf32, #tpu.memory_space<vmem_shared>>
          %dma_start3A_107 = arith.constant 0 : i32
          %dma_start3A_108 = arith.constant 0 : i32
          %dma_start3A_109 = tpu.memref_slice %arg9[%dma_start3A_107, %dma_start3A_108] : memref<80x128xf32, #tpu.memory_space<vmem>> -> memref<80x128xf32, #tpu.memory_space<vmem>>
          tpu.enqueue_dma source(%dma_start3A_109 : memref<80x128xf32, #tpu.memory_space<vmem>>) target(%dma_start3A_106 : memref<80x128xf32, #tpu.memory_space<vmem_shared>>) target_semaphore(%run_scoped3A : memref<!tpu.dma_semaphore, #tpu.memory_space<semaphore_mem>>)
          %dma_wait3A_110 = arith.constant 0 : i32
          %dma_wait3A_111 = arith.constant 0 : i32
          %dma_wait3A_112 = tpu.memref_slice %arg9[%dma_wait3A_110, %dma_wait3A_111] : memref<80x128xf32, #tpu.memory_space<vmem>> -> memref<80x128xf32, #tpu.memory_space<vmem>>
          %dma_wait3A_113 = arith.constant 0 : i32
          %dma_wait3A_114 = tpu.memref_slice %arg12[%mul3A_99, %dma_wait3A_113] : memref<10000x128xf32, #tpu.memory_space<vmem_shared>> -> memref<80x128xf32, #tpu.memory_space<vmem_shared>>
          %dma_wait3A_115 = arith.constant 0 : i32
          %dma_wait3A_116 = tpu.memref_slice %arg12[%mul3A_99, %dma_wait3A_115] : memref<10000x128xf32, #tpu.memory_space<vmem_shared>> -> memref<80x128xf32, #tpu.memory_space<vmem_shared>>
          %dma_wait3A_117 = arith.constant 0 : i32
          %dma_wait3A_118 = arith.constant 0 : i32
          %dma_wait3A_119 = tpu.memref_slice %arg9[%dma_wait3A_117, %dma_wait3A_118] : memref<80x128xf32, #tpu.memory_space<vmem>> -> memref<80x128xf32, #tpu.memory_space<vmem>>
          tpu.wait_dma2 semaphore(%run_scoped3A : memref<!tpu.dma_semaphore, #tpu.memory_space<semaphore_mem>>) src(%dma_wait3A_119 : memref<80x128xf32, #tpu.memory_space<vmem>>) dst(%dma_wait3A_116 : memref<80x128xf32, #tpu.memory_space<vmem_shared>>)
          tpu.yield
        }) : () -> ()
      } else {
      }
      %scan3A_97 = arith.constant 0 : i32
      scf.yield %scan3A_97 : i32
    }
    %scan3A_16 = arith.constant 8 : i32
    %barrier3A = arith.constant 0 : index
    tpu.barrier barrier_id(%barrier3A)
    %dma_start3A = arith.constant 0 : i32
    %dma_start3A_17 = tpu.memref_slice %arg7[%dma_start3A] : memref<10000xi32, #tpu.memory_space<vmem>> -> memref<80xi32, #tpu.memory_space<vmem>>
    %dma_start3A_18 = arith.constant 0 : i32
    %dma_start3A_19 = arith.constant 0 : i32
    %dma_start3A_20 = tpu.memref_slice %arg2[%dma_start3A_18, %dma_start3A_19] : memref<10000x128xf32, #tpu.memory_space<hbm>> -> memref<10000x128xf32, #tpu.memory_space<hbm>>
    tpu.enqueue_indirect_dma source(%dma_start3A_20 : memref<10000x128xf32, #tpu.memory_space<hbm>>) target(%arg9 : memref<80x128xf32, #tpu.memory_space<vmem>>) offsets(%dma_start3A_17 : memref<80xi32, #tpu.memory_space<vmem>>) semaphore(%arg13 : memref<!tpu.dma_semaphore, #tpu.memory_space<semaphore_mem>>)
    %dma_start3A_21 = arith.constant 80 : i32
    %dma_start3A_22 = tpu.memref_slice %arg7[%dma_start3A_21] : memref<10000xi32, #tpu.memory_space<vmem>> -> memref<80xi32, #tpu.memory_space<vmem>>
    %dma_start3A_23 = arith.constant 0 : i32
    %dma_start3A_24 = arith.constant 0 : i32
    %dma_start3A_25 = tpu.memref_slice %arg2[%dma_start3A_23, %dma_start3A_24] : memref<10000x128xf32, #tpu.memory_space<hbm>> -> memref<10000x128xf32, #tpu.memory_space<hbm>>
    tpu.enqueue_indirect_dma source(%dma_start3A_25 : memref<10000x128xf32, #tpu.memory_space<hbm>>) target(%arg10 : memref<80x128xf32, #tpu.memory_space<vmem>>) offsets(%dma_start3A_22 : memref<80xi32, #tpu.memory_space<vmem>>) semaphore(%arg14 : memref<!tpu.dma_semaphore, #tpu.memory_space<semaphore_mem>>)
    %dma_start3A_26 = arith.constant 160 : i32
    %dma_start3A_27 = tpu.memref_slice %arg7[%dma_start3A_26] : memref<10000xi32, #tpu.memory_space<vmem>> -> memref<80xi32, #tpu.memory_space<vmem>>
    %dma_start3A_28 = arith.constant 0 : i32
    %dma_start3A_29 = arith.constant 0 : i32
    %dma_start3A_30 = tpu.memref_slice %arg2[%dma_start3A_28, %dma_start3A_29] : memref<10000x128xf32, #tpu.memory_space<hbm>> -> memref<10000x128xf32, #tpu.memory_space<hbm>>
    tpu.enqueue_indirect_dma source(%dma_start3A_30 : memref<10000x128xf32, #tpu.memory_space<hbm>>) target(%arg11 : memref<80x128xf32, #tpu.memory_space<vmem>>) offsets(%dma_start3A_27 : memref<80xi32, #tpu.memory_space<vmem>>) semaphore(%arg15 : memref<!tpu.dma_semaphore, #tpu.memory_space<semaphore_mem>>)
    %scan3A_31 = arith.constant 0 : i32
    %scan3A_32 = arith.constant 0 : i32
    %scan3A_33 = arith.constant 21 : i32
    %scan3A_34 = arith.addi %scan3A_32, %scan3A_33 : i32
    %scan3A_35 = arith.constant 1 : i32
    %scan3A_36 = scf.for %scan3A_90 = %scan3A_32 to %scan3A_34 step %scan3A_35 iter_args(%scan3A_91 = %scan3A_31) -> (i32)  : i32 {
      %dma_wait3A_92 = arith.constant 0 : i32
      %dma_wait3A_93 = tpu.memref_slice %arg7[%dma_wait3A_92] : memref<10000xi32, #tpu.memory_space<vmem>> -> memref<80xi32, #tpu.memory_space<vmem>>
      %dma_wait3A_94 = arith.constant 0 : i32
      %dma_wait3A_95 = arith.constant 0 : i32
      %dma_wait3A_96 = tpu.memref_slice %arg2[%dma_wait3A_94, %dma_wait3A_95] : memref<10000x128xf32, #tpu.memory_space<hbm>> -> memref<10000x128xf32, #tpu.memory_space<hbm>>
      tpu.wait_indirect_dma semaphore(%arg13 : memref<!tpu.dma_semaphore, #tpu.memory_space<semaphore_mem>>) src(%dma_wait3A_96 : memref<10000x128xf32, #tpu.memory_space<hbm>>) dst(%arg9 : memref<80x128xf32, #tpu.memory_space<vmem>>)
      %mul3A_97 = arith.constant 3 : i32
      %mul3A_98 = arith.muli %mul3A_97, %scan3A_90 : i32
      %add3A_99 = arith.constant 0 : i32
      %add3A_100 = arith.addi %mul3A_98, %add3A_99 : i32
      %dma_start3A_101 = arith.constant 0 : i32
      %dma_start3A_102 = tpu.memref_slice %arg8[%add3A_100, %dma_start3A_101] : memref<63x80xi32, #tpu.memory_space<vmem>> -> memref<1x80xi32, #tpu.memory_space<vmem>>
      %dma_start3A_103 = tpu.memref_squeeze %dma_start3A_102 : memref<1x80xi32, #tpu.memory_space<vmem>> -> memref<80xi32, #tpu.memory_space<vmem>>
      %dma_start3A_104 = arith.constant 0 : i32
      %dma_start3A_105 = arith.constant 0 : i32
      %dma_start3A_106 = tpu.memref_slice %arg12[%dma_start3A_104, %dma_start3A_105] : memref<10000x128xf32, #tpu.memory_space<vmem_shared>> -> memref<10000x128xf32, #tpu.memory_space<vmem_shared>>
      tpu.enqueue_indirect_dma source(%arg9 : memref<80x128xf32, #tpu.memory_space<vmem>>) target(%dma_start3A_106 : memref<10000x128xf32, #tpu.memory_space<vmem_shared>>) offsets(%dma_start3A_103 : memref<80xi32, #tpu.memory_space<vmem>>) semaphore(%arg16 : memref<!tpu.dma_semaphore, #tpu.memory_space<semaphore_mem>>) {add = true}
      %dma_wait3A_107 = arith.constant 0 : i32
      %dma_wait3A_108 = tpu.memref_slice %arg7[%dma_wait3A_107] : memref<10000xi32, #tpu.memory_space<vmem>> -> memref<80xi32, #tpu.memory_space<vmem>>
      %dma_wait3A_109 = arith.constant 0 : i32
      %dma_wait3A_110 = arith.constant 0 : i32
      %dma_wait3A_111 = tpu.memref_slice %arg2[%dma_wait3A_109, %dma_wait3A_110] : memref<10000x128xf32, #tpu.memory_space<hbm>> -> memref<10000x128xf32, #tpu.memory_space<hbm>>
      tpu.wait_indirect_dma semaphore(%arg14 : memref<!tpu.dma_semaphore, #tpu.memory_space<semaphore_mem>>) src(%dma_wait3A_111 : memref<10000x128xf32, #tpu.memory_space<hbm>>) dst(%arg10 : memref<80x128xf32, #tpu.memory_space<vmem>>)
      %mul3A_112 = arith.constant 3 : i32
      %mul3A_113 = arith.muli %mul3A_112, %scan3A_90 : i32
      %add3A_114 = arith.constant 1 : i32
      %add3A_115 = arith.addi %mul3A_113, %add3A_114 : i32
      %dma_start3A_116 = arith.constant 0 : i32
      %dma_start3A_117 = tpu.memref_slice %arg8[%add3A_115, %dma_start3A_116] : memref<63x80xi32, #tpu.memory_space<vmem>> -> memref<1x80xi32, #tpu.memory_space<vmem>>
      %dma_start3A_118 = tpu.memref_squeeze %dma_start3A_117 : memref<1x80xi32, #tpu.memory_space<vmem>> -> memref<80xi32, #tpu.memory_space<vmem>>
      %dma_start3A_119 = arith.constant 0 : i32
      %dma_start3A_120 = arith.constant 0 : i32
      %dma_start3A_121 = tpu.memref_slice %arg12[%dma_start3A_119, %dma_start3A_120] : memref<10000x128xf32, #tpu.memory_space<vmem_shared>> -> memref<10000x128xf32, #tpu.memory_space<vmem_shared>>
      tpu.enqueue_indirect_dma source(%arg10 : memref<80x128xf32, #tpu.memory_space<vmem>>) target(%dma_start3A_121 : memref<10000x128xf32, #tpu.memory_space<vmem_shared>>) offsets(%dma_start3A_118 : memref<80xi32, #tpu.memory_space<vmem>>) semaphore(%arg17 : memref<!tpu.dma_semaphore, #tpu.memory_space<semaphore_mem>>) {add = true}
      %dma_wait3A_122 = arith.constant 0 : i32
      %dma_wait3A_123 = tpu.memref_slice %arg7[%dma_wait3A_122] : memref<10000xi32, #tpu.memory_space<vmem>> -> memref<80xi32, #tpu.memory_space<vmem>>
      %dma_wait3A_124 = arith.constant 0 : i32
      %dma_wait3A_125 = arith.constant 0 : i32
      %dma_wait3A_126 = tpu.memref_slice %arg2[%dma_wait3A_124, %dma_wait3A_125] : memref<10000x128xf32, #tpu.memory_space<hbm>> -> memref<10000x128xf32, #tpu.memory_space<hbm>>
      tpu.wait_indirect_dma semaphore(%arg15 : memref<!tpu.dma_semaphore, #tpu.memory_space<semaphore_mem>>) src(%dma_wait3A_126 : memref<10000x128xf32, #tpu.memory_space<hbm>>) dst(%arg11 : memref<80x128xf32, #tpu.memory_space<vmem>>)
      %mul3A_127 = arith.constant 3 : i32
      %mul3A_128 = arith.muli %mul3A_127, %scan3A_90 : i32
      %add3A_129 = arith.constant 2 : i32
      %add3A_130 = arith.addi %mul3A_128, %add3A_129 : i32
      %dma_start3A_131 = arith.constant 0 : i32
      %dma_start3A_132 = tpu.memref_slice %arg8[%add3A_130, %dma_start3A_131] : memref<63x80xi32, #tpu.memory_space<vmem>> -> memref<1x80xi32, #tpu.memory_space<vmem>>
      %dma_start3A_133 = tpu.memref_squeeze %dma_start3A_132 : memref<1x80xi32, #tpu.memory_space<vmem>> -> memref<80xi32, #tpu.memory_space<vmem>>
      %dma_start3A_134 = arith.constant 0 : i32
      %dma_start3A_135 = arith.constant 0 : i32
      %dma_start3A_136 = tpu.memref_slice %arg12[%dma_start3A_134, %dma_start3A_135] : memref<10000x128xf32, #tpu.memory_space<vmem_shared>> -> memref<10000x128xf32, #tpu.memory_space<vmem_shared>>
      tpu.enqueue_indirect_dma source(%arg11 : memref<80x128xf32, #tpu.memory_space<vmem>>) target(%dma_start3A_136 : memref<10000x128xf32, #tpu.memory_space<vmem_shared>>) offsets(%dma_start3A_133 : memref<80xi32, #tpu.memory_space<vmem>>) semaphore(%arg18 : memref<!tpu.dma_semaphore, #tpu.memory_space<semaphore_mem>>) {add = true}
      %dma_wait3A_137 = arith.constant 0 : i32
      %dma_wait3A_138 = arith.constant 0 : i32
      %dma_wait3A_139 = tpu.memref_slice %arg8[%dma_wait3A_137, %dma_wait3A_138] : memref<63x80xi32, #tpu.memory_space<vmem>> -> memref<1x80xi32, #tpu.memory_space<vmem>>
      %dma_wait3A_140 = tpu.memref_squeeze %dma_wait3A_139 : memref<1x80xi32, #tpu.memory_space<vmem>> -> memref<80xi32, #tpu.memory_space<vmem>>
      %dma_wait3A_141 = arith.constant 0 : i32
      %dma_wait3A_142 = arith.constant 0 : i32
      %dma_wait3A_143 = tpu.memref_slice %arg12[%dma_wait3A_141, %dma_wait3A_142] : memref<10000x128xf32, #tpu.memory_space<vmem_shared>> -> memref<10000x128xf32, #tpu.memory_space<vmem_shared>>
      tpu.wait_indirect_dma semaphore(%arg16 : memref<!tpu.dma_semaphore, #tpu.memory_space<semaphore_mem>>) src(%arg9 : memref<80x128xf32, #tpu.memory_space<vmem>>) dst(%dma_wait3A_143 : memref<10000x128xf32, #tpu.memory_space<vmem_shared>>)
      %mul3A_144 = arith.constant 3 : i32
      %mul3A_145 = arith.muli %mul3A_144, %scan3A_90 : i32
      %add3A_146 = arith.constant 3 : i32
      %add3A_147 = arith.addi %mul3A_145, %add3A_146 : i32
      %add3A_148 = arith.constant 0 : i32
      %add3A_149 = arith.addi %add3A_147, %add3A_148 : i32
      %mul3A_150 = arith.constant 80 : i32
      %mul3A_151 = arith.muli %add3A_149, %mul3A_150 : i32
      %dma_start3A_152 = tpu.memref_slice %arg7[%mul3A_151] : memref<10000xi32, #tpu.memory_space<vmem>> -> memref<80xi32, #tpu.memory_space<vmem>>
      %dma_start3A_153 = arith.constant 0 : i32
      %dma_start3A_154 = arith.constant 0 : i32
      %dma_start3A_155 = tpu.memref_slice %arg2[%dma_start3A_153, %dma_start3A_154] : memref<10000x128xf32, #tpu.memory_space<hbm>> -> memref<10000x128xf32, #tpu.memory_space<hbm>>
      tpu.enqueue_indirect_dma source(%dma_start3A_155 : memref<10000x128xf32, #tpu.memory_space<hbm>>) target(%arg9 : memref<80x128xf32, #tpu.memory_space<vmem>>) offsets(%dma_start3A_152 : memref<80xi32, #tpu.memory_space<vmem>>) semaphore(%arg13 : memref<!tpu.dma_semaphore, #tpu.memory_space<semaphore_mem>>)
      %dma_wait3A_156 = arith.constant 0 : i32
      %dma_wait3A_157 = arith.constant 0 : i32
      %dma_wait3A_158 = tpu.memref_slice %arg8[%dma_wait3A_156, %dma_wait3A_157] : memref<63x80xi32, #tpu.memory_space<vmem>> -> memref<1x80xi32, #tpu.memory_space<vmem>>
      %dma_wait3A_159 = tpu.memref_squeeze %dma_wait3A_158 : memref<1x80xi32, #tpu.memory_space<vmem>> -> memref<80xi32, #tpu.memory_space<vmem>>
      %dma_wait3A_160 = arith.constant 0 : i32
      %dma_wait3A_161 = arith.constant 0 : i32
      %dma_wait3A_162 = tpu.memref_slice %arg12[%dma_wait3A_160, %dma_wait3A_161] : memref<10000x128xf32, #tpu.memory_space<vmem_shared>> -> memref<10000x128xf32, #tpu.memory_space<vmem_shared>>
      tpu.wait_indirect_dma semaphore(%arg17 : memref<!tpu.dma_semaphore, #tpu.memory_space<semaphore_mem>>) src(%arg10 : memref<80x128xf32, #tpu.memory_space<vmem>>) dst(%dma_wait3A_162 : memref<10000x128xf32, #tpu.memory_space<vmem_shared>>)
      %mul3A_163 = arith.constant 3 : i32
      %mul3A_164 = arith.muli %mul3A_163, %scan3A_90 : i32
      %add3A_165 = arith.constant 3 : i32
      %add3A_166 = arith.addi %mul3A_164, %add3A_165 : i32
      %add3A_167 = arith.constant 1 : i32
      %add3A_168 = arith.addi %add3A_166, %add3A_167 : i32
      %mul3A_169 = arith.constant 80 : i32
      %mul3A_170 = arith.muli %add3A_168, %mul3A_169 : i32
      %dma_start3A_171 = tpu.memref_slice %arg7[%mul3A_170] : memref<10000xi32, #tpu.memory_space<vmem>> -> memref<80xi32, #tpu.memory_space<vmem>>
      %dma_start3A_172 = arith.constant 0 : i32
      %dma_start3A_173 = arith.constant 0 : i32
      %dma_start3A_174 = tpu.memref_slice %arg2[%dma_start3A_172, %dma_start3A_173] : memref<10000x128xf32, #tpu.memory_space<hbm>> -> memref<10000x128xf32, #tpu.memory_space<hbm>>
      tpu.enqueue_indirect_dma source(%dma_start3A_174 : memref<10000x128xf32, #tpu.memory_space<hbm>>) target(%arg10 : memref<80x128xf32, #tpu.memory_space<vmem>>) offsets(%dma_start3A_171 : memref<80xi32, #tpu.memory_space<vmem>>) semaphore(%arg14 : memref<!tpu.dma_semaphore, #tpu.memory_space<semaphore_mem>>)
      %dma_wait3A_175 = arith.constant 0 : i32
      %dma_wait3A_176 = arith.constant 0 : i32
      %dma_wait3A_177 = tpu.memref_slice %arg8[%dma_wait3A_175, %dma_wait3A_176] : memref<63x80xi32, #tpu.memory_space<vmem>> -> memref<1x80xi32, #tpu.memory_space<vmem>>
      %dma_wait3A_178 = tpu.memref_squeeze %dma_wait3A_177 : memref<1x80xi32, #tpu.memory_space<vmem>> -> memref<80xi32, #tpu.memory_space<vmem>>
      %dma_wait3A_179 = arith.constant 0 : i32
      %dma_wait3A_180 = arith.constant 0 : i32
      %dma_wait3A_181 = tpu.memref_slice %arg12[%dma_wait3A_179, %dma_wait3A_180] : memref<10000x128xf32, #tpu.memory_space<vmem_shared>> -> memref<10000x128xf32, #tpu.memory_space<vmem_shared>>
      tpu.wait_indirect_dma semaphore(%arg18 : memref<!tpu.dma_semaphore, #tpu.memory_space<semaphore_mem>>) src(%arg11 : memref<80x128xf32, #tpu.memory_space<vmem>>) dst(%dma_wait3A_181 : memref<10000x128xf32, #tpu.memory_space<vmem_shared>>)
      %mul3A_182 = arith.constant 3 : i32
      %mul3A_183 = arith.muli %mul3A_182, %scan3A_90 : i32
      %add3A_184 = arith.constant 3 : i32
      %add3A_185 = arith.addi %mul3A_183, %add3A_184 : i32
      %add3A_186 = arith.constant 2 : i32
      %add3A_187 = arith.addi %add3A_185, %add3A_186 : i32
      %mul3A_188 = arith.constant 80 : i32
      %mul3A_189 = arith.muli %add3A_187, %mul3A_188 : i32
      %dma_start3A_190 = tpu.memref_slice %arg7[%mul3A_189] : memref<10000xi32, #tpu.memory_space<vmem>> -> memref<80xi32, #tpu.memory_space<vmem>>
      %dma_start3A_191 = arith.constant 0 : i32
      %dma_start3A_192 = arith.constant 0 : i32
      %dma_start3A_193 = tpu.memref_slice %arg2[%dma_start3A_191, %dma_start3A_192] : memref<10000x128xf32, #tpu.memory_space<hbm>> -> memref<10000x128xf32, #tpu.memory_space<hbm>>
      tpu.enqueue_indirect_dma source(%dma_start3A_193 : memref<10000x128xf32, #tpu.memory_space<hbm>>) target(%arg11 : memref<80x128xf32, #tpu.memory_space<vmem>>) offsets(%dma_start3A_190 : memref<80xi32, #tpu.memory_space<vmem>>) semaphore(%arg15 : memref<!tpu.dma_semaphore, #tpu.memory_space<semaphore_mem>>)
      %scan3A_194 = arith.constant 0 : i32
      scf.yield %scan3A_194 : i32
    }
    %scan3A_37 = arith.constant 21 : i32
    "tpu.region"() ({
      %run_scoped3A = tpu.sem_alloc : memref<!tpu.dma_semaphore, #tpu.memory_space<semaphore_mem>>
      %dma_start3A_90 = arith.constant 0 : i32
      %dma_start3A_91 = arith.constant 0 : i32
      %dma_start3A_92 = tpu.memref_slice %arg8[%dma_start3A_90, %dma_start3A_91] : memref<63x80xi32, #tpu.memory_space<vmem>> -> memref<62x80xi32, #tpu.memory_space<vmem>>
      %dma_start3A_93 = arith.constant 0 : i32
      %dma_start3A_94 = arith.constant 0 : i32
      %dma_start3A_95 = tpu.memref_slice %arg5[%add3A, %dma_start3A_93, %dma_start3A_94] : memref<32x62x80xi32, #tpu.memory_space<hbm>> -> memref<1x62x80xi32, #tpu.memory_space<hbm>>
      %dma_start3A_96 = tpu.memref_squeeze %dma_start3A_95 : memref<1x62x80xi32, #tpu.memory_space<hbm>> -> memref<62x80xi32, #tpu.memory_space<hbm>>
      %dma_start3A_97 = arith.constant 0 : i32
      %dma_start3A_98 = arith.constant 0 : i32
      %dma_start3A_99 = tpu.memref_slice %arg8[%dma_start3A_97, %dma_start3A_98] : memref<63x80xi32, #tpu.memory_space<vmem>> -> memref<62x80xi32, #tpu.memory_space<vmem>>
      %dma_start3A_100 = arith.constant 0 : i32
      %dma_start3A_101 = arith.constant 0 : i32
      %dma_start3A_102 = tpu.memref_slice %arg5[%add3A, %dma_start3A_100, %dma_start3A_101] : memref<32x62x80xi32, #tpu.memory_space<hbm>> -> memref<1x62x80xi32, #tpu.memory_space<hbm>>
      %dma_start3A_103 = tpu.memref_squeeze %dma_start3A_102 : memref<1x62x80xi32, #tpu.memory_space<hbm>> -> memref<62x80xi32, #tpu.memory_space<hbm>>
      tpu.enqueue_dma source(%dma_start3A_103 : memref<62x80xi32, #tpu.memory_space<hbm>>) target(%dma_start3A_99 : memref<62x80xi32, #tpu.memory_space<vmem>>) target_semaphore(%run_scoped3A : memref<!tpu.dma_semaphore, #tpu.memory_space<semaphore_mem>>)
      %dma_wait3A_104 = arith.constant 0 : i32
      %dma_wait3A_105 = arith.constant 0 : i32
      %dma_wait3A_106 = tpu.memref_slice %arg8[%dma_wait3A_104, %dma_wait3A_105] : memref<63x80xi32, #tpu.memory_space<vmem>> -> memref<62x80xi32, #tpu.memory_space<vmem>>
      %dma_wait3A_107 = arith.constant 0 : i32
      %dma_wait3A_108 = arith.constant 0 : i32
      %dma_wait3A_109 = tpu.memref_slice %arg5[%add3A, %dma_wait3A_107, %dma_wait3A_108] : memref<32x62x80xi32, #tpu.memory_space<hbm>> -> memref<1x62x80xi32, #tpu.memory_space<hbm>>
      %dma_wait3A_110 = tpu.memref_squeeze %dma_wait3A_109 : memref<1x62x80xi32, #tpu.memory_space<hbm>> -> memref<62x80xi32, #tpu.memory_space<hbm>>
      %dma_wait3A_111 = arith.constant 0 : i32
      %dma_wait3A_112 = arith.constant 0 : i32
      %dma_wait3A_113 = tpu.memref_slice %arg8[%dma_wait3A_111, %dma_wait3A_112] : memref<63x80xi32, #tpu.memory_space<vmem>> -> memref<62x80xi32, #tpu.memory_space<vmem>>
      %dma_wait3A_114 = arith.constant 0 : i32
      %dma_wait3A_115 = arith.constant 0 : i32
      %dma_wait3A_116 = tpu.memref_slice %arg5[%add3A, %dma_wait3A_114, %dma_wait3A_115] : memref<32x62x80xi32, #tpu.memory_space<hbm>> -> memref<1x62x80xi32, #tpu.memory_space<hbm>>
      %dma_wait3A_117 = tpu.memref_squeeze %dma_wait3A_116 : memref<1x62x80xi32, #tpu.memory_space<hbm>> -> memref<62x80xi32, #tpu.memory_space<hbm>>
      tpu.wait_dma2 semaphore(%run_scoped3A : memref<!tpu.dma_semaphore, #tpu.memory_space<semaphore_mem>>) src(%dma_wait3A_117 : memref<62x80xi32, #tpu.memory_space<hbm>>) dst(%dma_wait3A_113 : memref<62x80xi32, #tpu.memory_space<vmem>>)
      tpu.yield
    }) : () -> ()
    %scan3A_38 = arith.constant 0 : i32
    %scan3A_39 = arith.constant 0 : i32
    %scan3A_40 = arith.constant 20 : i32
    %scan3A_41 = arith.addi %scan3A_39, %scan3A_40 : i32
    %scan3A_42 = arith.constant 1 : i32
    %scan3A_43 = scf.for %scan3A_90 = %scan3A_39 to %scan3A_41 step %scan3A_42 iter_args(%scan3A_91 = %scan3A_38) -> (i32)  : i32 {
      %dma_wait3A_92 = arith.constant 0 : i32
      %dma_wait3A_93 = tpu.memref_slice %arg7[%dma_wait3A_92] : memref<10000xi32, #tpu.memory_space<vmem>> -> memref<80xi32, #tpu.memory_space<vmem>>
      %dma_wait3A_94 = arith.constant 0 : i32
      %dma_wait3A_95 = arith.constant 0 : i32
      %dma_wait3A_96 = tpu.memref_slice %arg2[%dma_wait3A_94, %dma_wait3A_95] : memref<10000x128xf32, #tpu.memory_space<hbm>> -> memref<10000x128xf32, #tpu.memory_space<hbm>>
      tpu.wait_indirect_dma semaphore(%arg13 : memref<!tpu.dma_semaphore, #tpu.memory_space<semaphore_mem>>) src(%dma_wait3A_96 : memref<10000x128xf32, #tpu.memory_space<hbm>>) dst(%arg9 : memref<80x128xf32, #tpu.memory_space<vmem>>)
      %mul3A_97 = arith.constant 3 : i32
      %mul3A_98 = arith.muli %mul3A_97, %scan3A_90 : i32
      %add3A_99 = arith.constant 0 : i32
      %add3A_100 = arith.addi %mul3A_98, %add3A_99 : i32
      %dma_start3A_101 = arith.constant 0 : i32
      %dma_start3A_102 = tpu.memref_slice %arg8[%add3A_100, %dma_start3A_101] : memref<63x80xi32, #tpu.memory_space<vmem>> -> memref<1x80xi32, #tpu.memory_space<vmem>>
      %dma_start3A_103 = tpu.memref_squeeze %dma_start3A_102 : memref<1x80xi32, #tpu.memory_space<vmem>> -> memref<80xi32, #tpu.memory_space<vmem>>
      %dma_start3A_104 = arith.constant 0 : i32
      %dma_start3A_105 = arith.constant 0 : i32
      %dma_start3A_106 = tpu.memref_slice %arg12[%dma_start3A_104, %dma_start3A_105] : memref<10000x128xf32, #tpu.memory_space<vmem_shared>> -> memref<10000x128xf32, #tpu.memory_space<vmem_shared>>
      tpu.enqueue_indirect_dma source(%arg9 : memref<80x128xf32, #tpu.memory_space<vmem>>) target(%dma_start3A_106 : memref<10000x128xf32, #tpu.memory_space<vmem_shared>>) offsets(%dma_start3A_103 : memref<80xi32, #tpu.memory_space<vmem>>) semaphore(%arg16 : memref<!tpu.dma_semaphore, #tpu.memory_space<semaphore_mem>>) {add = true}
      %dma_wait3A_107 = arith.constant 0 : i32
      %dma_wait3A_108 = tpu.memref_slice %arg7[%dma_wait3A_107] : memref<10000xi32, #tpu.memory_space<vmem>> -> memref<80xi32, #tpu.memory_space<vmem>>
      %dma_wait3A_109 = arith.constant 0 : i32
      %dma_wait3A_110 = arith.constant 0 : i32
      %dma_wait3A_111 = tpu.memref_slice %arg2[%dma_wait3A_109, %dma_wait3A_110] : memref<10000x128xf32, #tpu.memory_space<hbm>> -> memref<10000x128xf32, #tpu.memory_space<hbm>>
      tpu.wait_indirect_dma semaphore(%arg14 : memref<!tpu.dma_semaphore, #tpu.memory_space<semaphore_mem>>) src(%dma_wait3A_111 : memref<10000x128xf32, #tpu.memory_space<hbm>>) dst(%arg10 : memref<80x128xf32, #tpu.memory_space<vmem>>)
      %mul3A_112 = arith.constant 3 : i32
      %mul3A_113 = arith.muli %mul3A_112, %scan3A_90 : i32
      %add3A_114 = arith.constant 1 : i32
      %add3A_115 = arith.addi %mul3A_113, %add3A_114 : i32
      %dma_start3A_116 = arith.constant 0 : i32
      %dma_start3A_117 = tpu.memref_slice %arg8[%add3A_115, %dma_start3A_116] : memref<63x80xi32, #tpu.memory_space<vmem>> -> memref<1x80xi32, #tpu.memory_space<vmem>>
      %dma_start3A_118 = tpu.memref_squeeze %dma_start3A_117 : memref<1x80xi32, #tpu.memory_space<vmem>> -> memref<80xi32, #tpu.memory_space<vmem>>
      %dma_start3A_119 = arith.constant 0 : i32
      %dma_start3A_120 = arith.constant 0 : i32
      %dma_start3A_121 = tpu.memref_slice %arg12[%dma_start3A_119, %dma_start3A_120] : memref<10000x128xf32, #tpu.memory_space<vmem_shared>> -> memref<10000x128xf32, #tpu.memory_space<vmem_shared>>
      tpu.enqueue_indirect_dma source(%arg10 : memref<80x128xf32, #tpu.memory_space<vmem>>) target(%dma_start3A_121 : memref<10000x128xf32, #tpu.memory_space<vmem_shared>>) offsets(%dma_start3A_118 : memref<80xi32, #tpu.memory_space<vmem>>) semaphore(%arg17 : memref<!tpu.dma_semaphore, #tpu.memory_space<semaphore_mem>>) {add = true}
      %dma_wait3A_122 = arith.constant 0 : i32
      %dma_wait3A_123 = tpu.memref_slice %arg7[%dma_wait3A_122] : memref<10000xi32, #tpu.memory_space<vmem>> -> memref<80xi32, #tpu.memory_space<vmem>>
      %dma_wait3A_124 = arith.constant 0 : i32
      %dma_wait3A_125 = arith.constant 0 : i32
      %dma_wait3A_126 = tpu.memref_slice %arg2[%dma_wait3A_124, %dma_wait3A_125] : memref<10000x128xf32, #tpu.memory_space<hbm>> -> memref<10000x128xf32, #tpu.memory_space<hbm>>
      tpu.wait_indirect_dma semaphore(%arg15 : memref<!tpu.dma_semaphore, #tpu.memory_space<semaphore_mem>>) src(%dma_wait3A_126 : memref<10000x128xf32, #tpu.memory_space<hbm>>) dst(%arg11 : memref<80x128xf32, #tpu.memory_space<vmem>>)
      %mul3A_127 = arith.constant 3 : i32
      %mul3A_128 = arith.muli %mul3A_127, %scan3A_90 : i32
      %add3A_129 = arith.constant 2 : i32
      %add3A_130 = arith.addi %mul3A_128, %add3A_129 : i32
      %dma_start3A_131 = arith.constant 0 : i32
      %dma_start3A_132 = tpu.memref_slice %arg8[%add3A_130, %dma_start3A_131] : memref<63x80xi32, #tpu.memory_space<vmem>> -> memref<1x80xi32, #tpu.memory_space<vmem>>
      %dma_start3A_133 = tpu.memref_squeeze %dma_start3A_132 : memref<1x80xi32, #tpu.memory_space<vmem>> -> memref<80xi32, #tpu.memory_space<vmem>>
      %dma_start3A_134 = arith.constant 0 : i32
      %dma_start3A_135 = arith.constant 0 : i32
      %dma_start3A_136 = tpu.memref_slice %arg12[%dma_start3A_134, %dma_start3A_135] : memref<10000x128xf32, #tpu.memory_space<vmem_shared>> -> memref<10000x128xf32, #tpu.memory_space<vmem_shared>>
      tpu.enqueue_indirect_dma source(%arg11 : memref<80x128xf32, #tpu.memory_space<vmem>>) target(%dma_start3A_136 : memref<10000x128xf32, #tpu.memory_space<vmem_shared>>) offsets(%dma_start3A_133 : memref<80xi32, #tpu.memory_space<vmem>>) semaphore(%arg18 : memref<!tpu.dma_semaphore, #tpu.memory_space<semaphore_mem>>) {add = true}
      %dma_wait3A_137 = arith.constant 0 : i32
      %dma_wait3A_138 = arith.constant 0 : i32
      %dma_wait3A_139 = tpu.memref_slice %arg8[%dma_wait3A_137, %dma_wait3A_138] : memref<63x80xi32, #tpu.memory_space<vmem>> -> memref<1x80xi32, #tpu.memory_space<vmem>>
      %dma_wait3A_140 = tpu.memref_squeeze %dma_wait3A_139 : memref<1x80xi32, #tpu.memory_space<vmem>> -> memref<80xi32, #tpu.memory_space<vmem>>
      %dma_wait3A_141 = arith.constant 0 : i32
      %dma_wait3A_142 = arith.constant 0 : i32
      %dma_wait3A_143 = tpu.memref_slice %arg12[%dma_wait3A_141, %dma_wait3A_142] : memref<10000x128xf32, #tpu.memory_space<vmem_shared>> -> memref<10000x128xf32, #tpu.memory_space<vmem_shared>>
      tpu.wait_indirect_dma semaphore(%arg16 : memref<!tpu.dma_semaphore, #tpu.memory_space<semaphore_mem>>) src(%arg9 : memref<80x128xf32, #tpu.memory_space<vmem>>) dst(%dma_wait3A_143 : memref<10000x128xf32, #tpu.memory_space<vmem_shared>>)
      %mul3A_144 = arith.constant 3 : i32
      %mul3A_145 = arith.muli %mul3A_144, %scan3A_90 : i32
      %add3A_146 = arith.constant 63 : i32
      %add3A_147 = arith.addi %add3A_146, %mul3A_145 : i32
      %add3A_148 = arith.constant 3 : i32
      %add3A_149 = arith.addi %add3A_147, %add3A_148 : i32
      %add3A_150 = arith.constant 0 : i32
      %add3A_151 = arith.addi %add3A_149, %add3A_150 : i32
      %lt3A = arith.constant 125 : i32
      %lt3A_152 = arith.cmpi slt, %add3A_151, %lt3A : i32
      %convert_element_type3A = arith.extui %lt3A_152 : i1 to i32
      %cond3A = arith.constant 0 : i32
      %cond3A_153 = arith.cmpi ne, %convert_element_type3A, %cond3A : i32
      scf.if %cond3A_153 {
        %mul3A_195 = arith.constant 80 : i32
        %mul3A_196 = arith.muli %add3A_151, %mul3A_195 : i32
        %dma_start3A_197 = tpu.memref_slice %arg7[%mul3A_196] : memref<10000xi32, #tpu.memory_space<vmem>> -> memref<80xi32, #tpu.memory_space<vmem>>
        %dma_start3A_198 = arith.constant 0 : i32
        %dma_start3A_199 = arith.constant 0 : i32
        %dma_start3A_200 = tpu.memref_slice %arg2[%dma_start3A_198, %dma_start3A_199] : memref<10000x128xf32, #tpu.memory_space<hbm>> -> memref<10000x128xf32, #tpu.memory_space<hbm>>
        tpu.enqueue_indirect_dma source(%dma_start3A_200 : memref<10000x128xf32, #tpu.memory_space<hbm>>) target(%arg9 : memref<80x128xf32, #tpu.memory_space<vmem>>) offsets(%dma_start3A_197 : memref<80xi32, #tpu.memory_space<vmem>>) semaphore(%arg13 : memref<!tpu.dma_semaphore, #tpu.memory_space<semaphore_mem>>)
      } else {
      }
      %dma_wait3A_154 = arith.constant 0 : i32
      %dma_wait3A_155 = arith.constant 0 : i32
      %dma_wait3A_156 = tpu.memref_slice %arg8[%dma_wait3A_154, %dma_wait3A_155] : memref<63x80xi32, #tpu.memory_space<vmem>> -> memref<1x80xi32, #tpu.memory_space<vmem>>
      %dma_wait3A_157 = tpu.memref_squeeze %dma_wait3A_156 : memref<1x80xi32, #tpu.memory_space<vmem>> -> memref<80xi32, #tpu.memory_space<vmem>>
      %dma_wait3A_158 = arith.constant 0 : i32
      %dma_wait3A_159 = arith.constant 0 : i32
      %dma_wait3A_160 = tpu.memref_slice %arg12[%dma_wait3A_158, %dma_wait3A_159] : memref<10000x128xf32, #tpu.memory_space<vmem_shared>> -> memref<10000x128xf32, #tpu.memory_space<vmem_shared>>
      tpu.wait_indirect_dma semaphore(%arg17 : memref<!tpu.dma_semaphore, #tpu.memory_space<semaphore_mem>>) src(%arg10 : memref<80x128xf32, #tpu.memory_space<vmem>>) dst(%dma_wait3A_160 : memref<10000x128xf32, #tpu.memory_space<vmem_shared>>)
      %mul3A_161 = arith.constant 3 : i32
      %mul3A_162 = arith.muli %mul3A_161, %scan3A_90 : i32
      %add3A_163 = arith.constant 63 : i32
      %add3A_164 = arith.addi %add3A_163, %mul3A_162 : i32
      %add3A_165 = arith.constant 3 : i32
      %add3A_166 = arith.addi %add3A_164, %add3A_165 : i32
      %add3A_167 = arith.constant 1 : i32
      %add3A_168 = arith.addi %add3A_166, %add3A_167 : i32
      %lt3A_169 = arith.constant 125 : i32
      %lt3A_170 = arith.cmpi slt, %add3A_168, %lt3A_169 : i32
      %convert_element_type3A_171 = arith.extui %lt3A_170 : i1 to i32
      %cond3A_172 = arith.constant 0 : i32
      %cond3A_173 = arith.cmpi ne, %convert_element_type3A_171, %cond3A_172 : i32
      scf.if %cond3A_173 {
        %mul3A_195 = arith.constant 80 : i32
        %mul3A_196 = arith.muli %add3A_168, %mul3A_195 : i32
        %dma_start3A_197 = tpu.memref_slice %arg7[%mul3A_196] : memref<10000xi32, #tpu.memory_space<vmem>> -> memref<80xi32, #tpu.memory_space<vmem>>
        %dma_start3A_198 = arith.constant 0 : i32
        %dma_start3A_199 = arith.constant 0 : i32
        %dma_start3A_200 = tpu.memref_slice %arg2[%dma_start3A_198, %dma_start3A_199] : memref<10000x128xf32, #tpu.memory_space<hbm>> -> memref<10000x128xf32, #tpu.memory_space<hbm>>
        tpu.enqueue_indirect_dma source(%dma_start3A_200 : memref<10000x128xf32, #tpu.memory_space<hbm>>) target(%arg10 : memref<80x128xf32, #tpu.memory_space<vmem>>) offsets(%dma_start3A_197 : memref<80xi32, #tpu.memory_space<vmem>>) semaphore(%arg14 : memref<!tpu.dma_semaphore, #tpu.memory_space<semaphore_mem>>)
      } else {
      }
      %dma_wait3A_174 = arith.constant 0 : i32
      %dma_wait3A_175 = arith.constant 0 : i32
      %dma_wait3A_176 = tpu.memref_slice %arg8[%dma_wait3A_174, %dma_wait3A_175] : memref<63x80xi32, #tpu.memory_space<vmem>> -> memref<1x80xi32, #tpu.memory_space<vmem>>
      %dma_wait3A_177 = tpu.memref_squeeze %dma_wait3A_176 : memref<1x80xi32, #tpu.memory_space<vmem>> -> memref<80xi32, #tpu.memory_space<vmem>>
      %dma_wait3A_178 = arith.constant 0 : i32
      %dma_wait3A_179 = arith.constant 0 : i32
      %dma_wait3A_180 = tpu.memref_slice %arg12[%dma_wait3A_178, %dma_wait3A_179] : memref<10000x128xf32, #tpu.memory_space<vmem_shared>> -> memref<10000x128xf32, #tpu.memory_space<vmem_shared>>
      tpu.wait_indirect_dma semaphore(%arg18 : memref<!tpu.dma_semaphore, #tpu.memory_space<semaphore_mem>>) src(%arg11 : memref<80x128xf32, #tpu.memory_space<vmem>>) dst(%dma_wait3A_180 : memref<10000x128xf32, #tpu.memory_space<vmem_shared>>)
      %mul3A_181 = arith.constant 3 : i32
      %mul3A_182 = arith.muli %mul3A_181, %scan3A_90 : i32
      %add3A_183 = arith.constant 63 : i32
      %add3A_184 = arith.addi %add3A_183, %mul3A_182 : i32
      %add3A_185 = arith.constant 3 : i32
      %add3A_186 = arith.addi %add3A_184, %add3A_185 : i32
      %add3A_187 = arith.constant 2 : i32
      %add3A_188 = arith.addi %add3A_186, %add3A_187 : i32
      %lt3A_189 = arith.constant 125 : i32
      %lt3A_190 = arith.cmpi slt, %add3A_188, %lt3A_189 : i32
      %convert_element_type3A_191 = arith.extui %lt3A_190 : i1 to i32
      %cond3A_192 = arith.constant 0 : i32
      %cond3A_193 = arith.cmpi ne, %convert_element_type3A_191, %cond3A_192 : i32
      scf.if %cond3A_193 {
        %mul3A_195 = arith.constant 80 : i32
        %mul3A_196 = arith.muli %add3A_188, %mul3A_195 : i32
        %dma_start3A_197 = tpu.memref_slice %arg7[%mul3A_196] : memref<10000xi32, #tpu.memory_space<vmem>> -> memref<80xi32, #tpu.memory_space<vmem>>
        %dma_start3A_198 = arith.constant 0 : i32
        %dma_start3A_199 = arith.constant 0 : i32
        %dma_start3A_200 = tpu.memref_slice %arg2[%dma_start3A_198, %dma_start3A_199] : memref<10000x128xf32, #tpu.memory_space<hbm>> -> memref<10000x128xf32, #tpu.memory_space<hbm>>
        tpu.enqueue_indirect_dma source(%dma_start3A_200 : memref<10000x128xf32, #tpu.memory_space<hbm>>) target(%arg11 : memref<80x128xf32, #tpu.memory_space<vmem>>) offsets(%dma_start3A_197 : memref<80xi32, #tpu.memory_space<vmem>>) semaphore(%arg15 : memref<!tpu.dma_semaphore, #tpu.memory_space<semaphore_mem>>)
      } else {
      }
      %scan3A_194 = arith.constant 0 : i32
      scf.yield %scan3A_194 : i32
    }
    %scan3A_44 = arith.constant 20 : i32
    %dma_wait3A = arith.constant 0 : i32
    %dma_wait3A_45 = tpu.memref_slice %arg7[%dma_wait3A] : memref<10000xi32, #tpu.memory_space<vmem>> -> memref<80xi32, #tpu.memory_space<vmem>>
    %dma_wait3A_46 = arith.constant 0 : i32
    %dma_wait3A_47 = arith.constant 0 : i32
    %dma_wait3A_48 = tpu.memref_slice %arg2[%dma_wait3A_46, %dma_wait3A_47] : memref<10000x128xf32, #tpu.memory_space<hbm>> -> memref<10000x128xf32, #tpu.memory_space<hbm>>
    tpu.wait_indirect_dma semaphore(%arg13 : memref<!tpu.dma_semaphore, #tpu.memory_space<semaphore_mem>>) src(%dma_wait3A_48 : memref<10000x128xf32, #tpu.memory_space<hbm>>) dst(%arg9 : memref<80x128xf32, #tpu.memory_space<vmem>>)
    %dma_start3A_49 = arith.constant 60 : i32
    %dma_start3A_50 = arith.constant 0 : i32
    %dma_start3A_51 = tpu.memref_slice %arg8[%dma_start3A_49, %dma_start3A_50] : memref<63x80xi32, #tpu.memory_space<vmem>> -> memref<1x80xi32, #tpu.memory_space<vmem>>
    %dma_start3A_52 = tpu.memref_squeeze %dma_start3A_51 : memref<1x80xi32, #tpu.memory_space<vmem>> -> memref<80xi32, #tpu.memory_space<vmem>>
    %dma_start3A_53 = arith.constant 0 : i32
    %dma_start3A_54 = arith.constant 0 : i32
    %dma_start3A_55 = tpu.memref_slice %arg12[%dma_start3A_53, %dma_start3A_54] : memref<10000x128xf32, #tpu.memory_space<vmem_shared>> -> memref<10000x128xf32, #tpu.memory_space<vmem_shared>>
    tpu.enqueue_indirect_dma source(%arg9 : memref<80x128xf32, #tpu.memory_space<vmem>>) target(%dma_start3A_55 : memref<10000x128xf32, #tpu.memory_space<vmem_shared>>) offsets(%dma_start3A_52 : memref<80xi32, #tpu.memory_space<vmem>>) semaphore(%arg16 : memref<!tpu.dma_semaphore, #tpu.memory_space<semaphore_mem>>) {add = true}
    %dma_wait3A_56 = arith.constant 0 : i32
    %dma_wait3A_57 = arith.constant 0 : i32
    %dma_wait3A_58 = tpu.memref_slice %arg8[%dma_wait3A_56, %dma_wait3A_57] : memref<63x80xi32, #tpu.memory_space<vmem>> -> memref<1x80xi32, #tpu.memory_space<vmem>>
    %dma_wait3A_59 = tpu.memref_squeeze %dma_wait3A_58 : memref<1x80xi32, #tpu.memory_space<vmem>> -> memref<80xi32, #tpu.memory_space<vmem>>
    %dma_wait3A_60 = arith.constant 0 : i32
    %dma_wait3A_61 = arith.constant 0 : i32
    %dma_wait3A_62 = tpu.memref_slice %arg12[%dma_wait3A_60, %dma_wait3A_61] : memref<10000x128xf32, #tpu.memory_space<vmem_shared>> -> memref<10000x128xf32, #tpu.memory_space<vmem_shared>>
    tpu.wait_indirect_dma semaphore(%arg16 : memref<!tpu.dma_semaphore, #tpu.memory_space<semaphore_mem>>) src(%arg9 : memref<80x128xf32, #tpu.memory_space<vmem>>) dst(%dma_wait3A_62 : memref<10000x128xf32, #tpu.memory_space<vmem_shared>>)
    %dma_wait3A_63 = arith.constant 0 : i32
    %dma_wait3A_64 = tpu.memref_slice %arg7[%dma_wait3A_63] : memref<10000xi32, #tpu.memory_space<vmem>> -> memref<80xi32, #tpu.memory_space<vmem>>
    %dma_wait3A_65 = arith.constant 0 : i32
    %dma_wait3A_66 = arith.constant 0 : i32
    %dma_wait3A_67 = tpu.memref_slice %arg2[%dma_wait3A_65, %dma_wait3A_66] : memref<10000x128xf32, #tpu.memory_space<hbm>> -> memref<10000x128xf32, #tpu.memory_space<hbm>>
    tpu.wait_indirect_dma semaphore(%arg14 : memref<!tpu.dma_semaphore, #tpu.memory_space<semaphore_mem>>) src(%dma_wait3A_67 : memref<10000x128xf32, #tpu.memory_space<hbm>>) dst(%arg10 : memref<80x128xf32, #tpu.memory_space<vmem>>)
    %dma_start3A_68 = arith.constant 61 : i32
    %dma_start3A_69 = arith.constant 0 : i32
    %dma_start3A_70 = tpu.memref_slice %arg8[%dma_start3A_68, %dma_start3A_69] : memref<63x80xi32, #tpu.memory_space<vmem>> -> memref<1x80xi32, #tpu.memory_space<vmem>>
    %dma_start3A_71 = tpu.memref_squeeze %dma_start3A_70 : memref<1x80xi32, #tpu.memory_space<vmem>> -> memref<80xi32, #tpu.memory_space<vmem>>
    %dma_start3A_72 = arith.constant 0 : i32
    %dma_start3A_73 = arith.constant 0 : i32
    %dma_start3A_74 = tpu.memref_slice %arg12[%dma_start3A_72, %dma_start3A_73] : memref<10000x128xf32, #tpu.memory_space<vmem_shared>> -> memref<10000x128xf32, #tpu.memory_space<vmem_shared>>
    tpu.enqueue_indirect_dma source(%arg10 : memref<80x128xf32, #tpu.memory_space<vmem>>) target(%dma_start3A_74 : memref<10000x128xf32, #tpu.memory_space<vmem_shared>>) offsets(%dma_start3A_71 : memref<80xi32, #tpu.memory_space<vmem>>) semaphore(%arg17 : memref<!tpu.dma_semaphore, #tpu.memory_space<semaphore_mem>>) {add = true}
    %dma_wait3A_75 = arith.constant 0 : i32
    %dma_wait3A_76 = arith.constant 0 : i32
    %dma_wait3A_77 = tpu.memref_slice %arg8[%dma_wait3A_75, %dma_wait3A_76] : memref<63x80xi32, #tpu.memory_space<vmem>> -> memref<1x80xi32, #tpu.memory_space<vmem>>
    %dma_wait3A_78 = tpu.memref_squeeze %dma_wait3A_77 : memref<1x80xi32, #tpu.memory_space<vmem>> -> memref<80xi32, #tpu.memory_space<vmem>>
    %dma_wait3A_79 = arith.constant 0 : i32
    %dma_wait3A_80 = arith.constant 0 : i32
    %dma_wait3A_81 = tpu.memref_slice %arg12[%dma_wait3A_79, %dma_wait3A_80] : memref<10000x128xf32, #tpu.memory_space<vmem_shared>> -> memref<10000x128xf32, #tpu.memory_space<vmem_shared>>
    tpu.wait_indirect_dma semaphore(%arg17 : memref<!tpu.dma_semaphore, #tpu.memory_space<semaphore_mem>>) src(%arg10 : memref<80x128xf32, #tpu.memory_space<vmem>>) dst(%dma_wait3A_81 : memref<10000x128xf32, #tpu.memory_space<vmem_shared>>)
    %barrier3A_82 = arith.constant 0 : index
    tpu.barrier barrier_id(%barrier3A_82)
    %scan3A_83 = arith.constant 0 : i32
    %scan3A_84 = arith.constant 0 : i32
    %scan3A_85 = arith.constant 8 : i32
    %scan3A_86 = arith.addi %scan3A_84, %scan3A_85 : i32
    %scan3A_87 = arith.constant 1 : i32
    %scan3A_88 = scf.for %scan3A_90 = %scan3A_84 to %scan3A_86 step %scan3A_87 iter_args(%scan3A_91 = %scan3A_83) -> (i32)  : i32 {
      %mul3A_92 = arith.constant 8 : i32
      %mul3A_93 = arith.muli %arg1, %mul3A_92 : i32
      %add3A_94 = arith.addi %mul3A_93, %scan3A_90 : i32
      %lt3A = arith.constant 125 : i32
      %lt3A_95 = arith.cmpi slt, %add3A_94, %lt3A : i32
      %convert_element_type3A = arith.extui %lt3A_95 : i1 to i32
      %cond3A = arith.constant 0 : i32
      %cond3A_96 = arith.cmpi ne, %convert_element_type3A, %cond3A : i32
      scf.if %cond3A_96 {
        %mul3A_98 = arith.constant 80 : i32
        %mul3A_99 = arith.muli %add3A_94, %mul3A_98 : i32
        "tpu.region"() ({
          %run_scoped3A = tpu.sem_alloc : memref<!tpu.dma_semaphore, #tpu.memory_space<semaphore_mem>>
          %dma_start3A_102 = arith.constant 0 : i32
          %dma_start3A_103 = arith.constant 0 : i32
          %dma_start3A_104 = tpu.memref_slice %arg9[%dma_start3A_102, %dma_start3A_103] : memref<80x128xf32, #tpu.memory_space<vmem>> -> memref<80x128xf32, #tpu.memory_space<vmem>>
          %dma_start3A_105 = arith.constant 0 : i32
          %dma_start3A_106 = tpu.memref_slice %arg12[%mul3A_99, %dma_start3A_105] : memref<10000x128xf32, #tpu.memory_space<vmem_shared>> -> memref<80x128xf32, #tpu.memory_space<vmem_shared>>
          %dma_start3A_107 = arith.constant 0 : i32
          %dma_start3A_108 = arith.constant 0 : i32
          %dma_start3A_109 = tpu.memref_slice %arg9[%dma_start3A_107, %dma_start3A_108] : memref<80x128xf32, #tpu.memory_space<vmem>> -> memref<80x128xf32, #tpu.memory_space<vmem>>
          %dma_start3A_110 = arith.constant 0 : i32
          %dma_start3A_111 = tpu.memref_slice %arg12[%mul3A_99, %dma_start3A_110] : memref<10000x128xf32, #tpu.memory_space<vmem_shared>> -> memref<80x128xf32, #tpu.memory_space<vmem_shared>>
          tpu.enqueue_dma source(%dma_start3A_111 : memref<80x128xf32, #tpu.memory_space<vmem_shared>>) target(%dma_start3A_109 : memref<80x128xf32, #tpu.memory_space<vmem>>) target_semaphore(%run_scoped3A : memref<!tpu.dma_semaphore, #tpu.memory_space<semaphore_mem>>)
          %dma_wait3A_112 = arith.constant 0 : i32
          %dma_wait3A_113 = arith.constant 0 : i32
          %dma_wait3A_114 = tpu.memref_slice %arg9[%dma_wait3A_112, %dma_wait3A_113] : memref<80x128xf32, #tpu.memory_space<vmem>> -> memref<80x128xf32, #tpu.memory_space<vmem>>
          %dma_wait3A_115 = arith.constant 0 : i32
          %dma_wait3A_116 = tpu.memref_slice %arg12[%mul3A_99, %dma_wait3A_115] : memref<10000x128xf32, #tpu.memory_space<vmem_shared>> -> memref<80x128xf32, #tpu.memory_space<vmem_shared>>
          %dma_wait3A_117 = arith.constant 0 : i32
          %dma_wait3A_118 = arith.constant 0 : i32
          %dma_wait3A_119 = tpu.memref_slice %arg9[%dma_wait3A_117, %dma_wait3A_118] : memref<80x128xf32, #tpu.memory_space<vmem>> -> memref<80x128xf32, #tpu.memory_space<vmem>>
          %dma_wait3A_120 = arith.constant 0 : i32
          %dma_wait3A_121 = tpu.memref_slice %arg12[%mul3A_99, %dma_wait3A_120] : memref<10000x128xf32, #tpu.memory_space<vmem_shared>> -> memref<80x128xf32, #tpu.memory_space<vmem_shared>>
          tpu.wait_dma2 semaphore(%run_scoped3A : memref<!tpu.dma_semaphore, #tpu.memory_space<semaphore_mem>>) src(%dma_wait3A_121 : memref<80x128xf32, #tpu.memory_space<vmem_shared>>) dst(%dma_wait3A_119 : memref<80x128xf32, #tpu.memory_space<vmem>>)
          tpu.yield
        }) : () -> ()
        %mul3A_100 = arith.constant 80 : i32
        %mul3A_101 = arith.muli %add3A_94, %mul3A_100 : i32
        "tpu.region"() ({
          %run_scoped3A = tpu.sem_alloc : memref<!tpu.dma_semaphore, #tpu.memory_space<semaphore_mem>>
          %dma_start3A_102 = arith.constant 0 : i32
          %dma_start3A_103 = arith.constant 0 : i32
          %dma_start3A_104 = tpu.memref_slice %arg9[%dma_start3A_102, %dma_start3A_103] : memref<80x128xf32, #tpu.memory_space<vmem>> -> memref<80x128xf32, #tpu.memory_space<vmem>>
          %dma_start3A_105 = arith.constant 0 : i32
          %dma_start3A_106 = tpu.memref_slice %arg6[%arg0, %mul3A_101, %dma_start3A_105] : memref<2x10000x128xf32, #tpu.memory_space<hbm>> -> memref<1x80x128xf32, #tpu.memory_space<hbm>>
          %dma_start3A_107 = tpu.memref_squeeze %dma_start3A_106 : memref<1x80x128xf32, #tpu.memory_space<hbm>> -> memref<80x128xf32, #tpu.memory_space<hbm>>
          %dma_start3A_108 = arith.constant 0 : i32
          %dma_start3A_109 = tpu.memref_slice %arg6[%arg0, %mul3A_101, %dma_start3A_108] : memref<2x10000x128xf32, #tpu.memory_space<hbm>> -> memref<1x80x128xf32, #tpu.memory_space<hbm>>
          %dma_start3A_110 = tpu.memref_squeeze %dma_start3A_109 : memref<1x80x128xf32, #tpu.memory_space<hbm>> -> memref<80x128xf32, #tpu.memory_space<hbm>>
          %dma_start3A_111 = arith.constant 0 : i32
          %dma_start3A_112 = arith.constant 0 : i32
          %dma_start3A_113 = tpu.memref_slice %arg9[%dma_start3A_111, %dma_start3A_112] : memref<80x128xf32, #tpu.memory_space<vmem>> -> memref<80x128xf32, #tpu.memory_space<vmem>>
          tpu.enqueue_dma source(%dma_start3A_113 : memref<80x128xf32, #tpu.memory_space<vmem>>) target(%dma_start3A_110 : memref<80x128xf32, #tpu.memory_space<hbm>>) target_semaphore(%run_scoped3A : memref<!tpu.dma_semaphore, #tpu.memory_space<semaphore_mem>>)
          %dma_wait3A_114 = arith.constant 0 : i32
          %dma_wait3A_115 = arith.constant 0 : i32
          %dma_wait3A_116 = tpu.memref_slice %arg9[%dma_wait3A_114, %dma_wait3A_115] : memref<80x128xf32, #tpu.memory_space<vmem>> -> memref<80x128xf32, #tpu.memory_space<vmem>>
          %dma_wait3A_117 = arith.constant 0 : i32
          %dma_wait3A_118 = tpu.memref_slice %arg6[%arg0, %mul3A_101, %dma_wait3A_117] : memref<2x10000x128xf32, #tpu.memory_space<hbm>> -> memref<1x80x128xf32, #tpu.memory_space<hbm>>
          %dma_wait3A_119 = tpu.memref_squeeze %dma_wait3A_118 : memref<1x80x128xf32, #tpu.memory_space<hbm>> -> memref<80x128xf32, #tpu.memory_space<hbm>>
          %dma_wait3A_120 = arith.constant 0 : i32
          %dma_wait3A_121 = tpu.memref_slice %arg6[%arg0, %mul3A_101, %dma_wait3A_120] : memref<2x10000x128xf32, #tpu.memory_space<hbm>> -> memref<1x80x128xf32, #tpu.memory_space<hbm>>
          %dma_wait3A_122 = tpu.memref_squeeze %dma_wait3A_121 : memref<1x80x128xf32, #tpu.memory_space<hbm>> -> memref<80x128xf32, #tpu.memory_space<hbm>>
          %dma_wait3A_123 = arith.constant 0 : i32
          %dma_wait3A_124 = arith.constant 0 : i32
          %dma_wait3A_125 = tpu.memref_slice %arg9[%dma_wait3A_123, %dma_wait3A_124] : memref<80x128xf32, #tpu.memory_space<vmem>> -> memref<80x128xf32, #tpu.memory_space<vmem>>
          tpu.wait_dma2 semaphore(%run_scoped3A : memref<!tpu.dma_semaphore, #tpu.memory_space<semaphore_mem>>) src(%dma_wait3A_125 : memref<80x128xf32, #tpu.memory_space<vmem>>) dst(%dma_wait3A_122 : memref<80x128xf32, #tpu.memory_space<hbm>>)
          tpu.yield
        }) : () -> ()
      } else {
      }
      %scan3A_97 = arith.constant 0 : i32
      scf.yield %scan3A_97 : i32
    }
    %scan3A_89 = arith.constant 8 : i32
    return
  }
}

module attributes {stable_mosaic.version = 14 : i64} {
  func.func @body(%arg0: i32, %arg1: memref<1000x128xf32, #tpu.memory_space<vmem>>, %arg2: memref<128x128xf32, #tpu.memory_space<vmem>>, %arg3: memref<2x1000x1xf32, #tpu.memory_space<vmem>>, %arg4: memref<1000x128xf32, #tpu.memory_space<vmem>>, %arg5: memref<1000x1xf32, #tpu.memory_space<vmem>>) attributes {dimension_semantics = [#tpu.dimension_semantics<arbitrary>], iteration_bounds = array<i64: 10>, scalar_prefetch = 0 : i64, scratch_operands = 0 : i64, tpu.core_type = #tpu.core_type<tc>, window_params = [{transform_indices = @transform_0, window_bounds = array<i64: 1000, 128>}, {pipeline_mode = #tpu.pipeline_mode<synchronous>, transform_indices = @transform_1, window_bounds = array<i64: 128, 128>}, {transform_indices = @transform_2, window_bounds = array<i64: 2, 1000, 1>}, {transform_indices = @transform_3, window_bounds = array<i64: 1000, 128>}, {transform_indices = @transform_4, window_bounds = array<i64: 1000, 1>}]} {
    %get3A = arith.constant 0 : index
    %get3A_0 = arith.constant 0 : index
    %get3A_1 = arith.constant 0 : index
    %get3A_2 = vector.load %arg3[%get3A, %get3A_0, %get3A_1] : memref<2x1000x1xf32, #tpu.memory_space<vmem>>, vector<1x1000x1xf32>
    %get3A_3 = vector.shape_cast %get3A_2 : vector<1x1000x1xf32> to vector<1000x1xf32>
    %add3A = arith.constant 1.000000e+00 : f32
    %add3A_4 = vector.broadcast %add3A : f32 to vector<1000x1xf32>
    %add3A_5 = arith.addf %add3A_4, %get3A_3 : vector<1000x1xf32>
    %get3A_6 = arith.constant 1 : index
    %get3A_7 = arith.constant 0 : index
    %get3A_8 = arith.constant 0 : index
    %get3A_9 = vector.load %arg3[%get3A_6, %get3A_7, %get3A_8] : memref<2x1000x1xf32, #tpu.memory_space<vmem>>, vector<1x1000x1xf32>
    %get3A_10 = vector.shape_cast %get3A_9 : vector<1x1000x1xf32> to vector<1000x1xf32>
    %add3A_11 = arith.addf %add3A_5, %get3A_10 : vector<1000x1xf32>
    %rsqrt3A = math.rsqrt %add3A_11 : vector<1000x1xf32>
    %swap3A = arith.constant 0 : index
    %swap3A_12 = arith.constant 0 : index
    %swap3A_13 = vector.load %arg5[%swap3A, %swap3A_12] : memref<1000x1xf32, #tpu.memory_space<vmem>>, vector<1000x1xf32>
    tpu.vector_store %arg5[%swap3A, %swap3A_12], %rsqrt3A {strides = array<i32>} : memref<1000x1xf32, #tpu.memory_space<vmem>>, vector<1000x1xf32>,
    %get3A_14 = arith.constant 0 : index
    %get3A_15 = arith.constant 0 : index
    %get3A_16 = vector.load %arg1[%get3A_14, %get3A_15] : memref<1000x128xf32, #tpu.memory_space<vmem>>, vector<1000x128xf32>
    %get3A_17 = arith.constant 0 : index
    %get3A_18 = arith.constant 0 : index
    %get3A_19 = vector.load %arg2[%get3A_17, %get3A_18] : memref<128x128xf32, #tpu.memory_space<vmem>>, vector<128x128xf32>
    %dot_general3A = arith.constant dense<0.000000e+00> : vector<1000x128xf32>
    %dot_general3A_20 = tpu.matmul %get3A_16, %get3A_19, %dot_general3A {dimension_numbers = #tpu.dot_dimension_numbers<[1], [0], [0], [1], [0, 0, 1, 1], [], []>, transpose_lhs_hint = false} : vector<1000x128xf32>, vector<128x128xf32>, vector<1000x128xf32> -> vector<1000x128xf32>
    %mul3A = vector.broadcast %rsqrt3A : vector<1000x1xf32> to vector<1000x128xf32>
    %mul3A_21 = arith.mulf %dot_general3A_20, %mul3A : vector<1000x128xf32>
    %swap3A_22 = arith.constant 0 : index
    %swap3A_23 = arith.constant 0 : index
    %swap3A_24 = vector.load %arg4[%swap3A_22, %swap3A_23] : memref<1000x128xf32, #tpu.memory_space<vmem>>, vector<1000x128xf32>
    tpu.vector_store %arg4[%swap3A_22, %swap3A_23], %mul3A_21 {strides = array<i32>} : memref<1000x128xf32, #tpu.memory_space<vmem>>, vector<1000x128xf32>,
    return
  }
  func.func @transform_0(%arg0: i32) -> (i32, i32) {
    %c0_i32 = arith.constant 0 : i32
    %c0_i32_0 = arith.constant 0 : i32
    return %arg0, %c0_i32 : i32, i32
  }
  func.func @transform_1(%arg0: i32) -> (i32, i32) {
    %c0_i32 = arith.constant 0 : i32
    %c0_i32_0 = arith.constant 0 : i32
    %c0_i32_1 = arith.constant 0 : i32
    return %c0_i32, %c0_i32_0 : i32, i32
  }
  func.func @transform_2(%arg0: i32) -> (i32, i32, i32) {
    %c0_i32 = arith.constant 0 : i32
    %c0_i32_0 = arith.constant 0 : i32
    %c0_i32_1 = arith.constant 0 : i32
    return %c0_i32, %arg0, %c0_i32_0 : i32, i32, i32
  }
  func.func @transform_3(%arg0: i32) -> (i32, i32) {
    %c0_i32 = arith.constant 0 : i32
    %c0_i32_0 = arith.constant 0 : i32
    return %arg0, %c0_i32 : i32, i32
  }
  func.func @transform_4(%arg0: i32) -> (i32, i32) {
    %c0_i32 = arith.constant 0 : i32
    %c0_i32_0 = arith.constant 0 : i32
    return %arg0, %c0_i32 : i32, i32
  }
}

module attributes {stable_mosaic.version = 14 : i64} {
  func.func @body(%arg0: i32, %arg1: memref<2x1000x128xf32, #tpu.memory_space<vmem>>, %arg2: memref<1000x128xf32, #tpu.memory_space<vmem>>, %arg3: memref<1000x1xf32, #tpu.memory_space<vmem>>, %arg4: memref<1x128xf32, #tpu.memory_space<vmem>>, %arg5: memref<128x128xf32, #tpu.memory_space<vmem>>, %arg6: memref<1000x128xf32, #tpu.memory_space<vmem>>) attributes {dimension_semantics = [#tpu.dimension_semantics<arbitrary>], iteration_bounds = array<i64: 10>, scalar_prefetch = 0 : i64, scratch_operands = 0 : i64, tpu.core_type = #tpu.core_type<tc>, window_params = [{transform_indices = @transform_0, window_bounds = array<i64: 2, 1000, 128>}, {transform_indices = @transform_1, window_bounds = array<i64: 1000, 128>}, {transform_indices = @transform_2, window_bounds = array<i64: 1000, 1>}, {pipeline_mode = #tpu.pipeline_mode<synchronous>, transform_indices = @transform_3, window_bounds = array<i64: 1, 128>}, {pipeline_mode = #tpu.pipeline_mode<synchronous>, transform_indices = @transform_4, window_bounds = array<i64: 128, 128>}, {transform_indices = @transform_5, window_bounds = array<i64: 1000, 128>}]} {
    %get3A = arith.constant 0 : index
    %get3A_0 = arith.constant 0 : index
    %get3A_1 = vector.load %arg3[%get3A, %get3A_0] : memref<1000x1xf32, #tpu.memory_space<vmem>>, vector<1000x1xf32>
    %get3A_2 = arith.constant 0 : index
    %get3A_3 = arith.constant 0 : index
    %get3A_4 = arith.constant 0 : index
    %get3A_5 = vector.load %arg1[%get3A_2, %get3A_3, %get3A_4] : memref<2x1000x128xf32, #tpu.memory_space<vmem>>, vector<1x1000x128xf32>
    %get3A_6 = vector.shape_cast %get3A_5 : vector<1x1000x128xf32> to vector<1000x128xf32>
    %get3A_7 = arith.constant 1 : index
    %get3A_8 = arith.constant 0 : index
    %get3A_9 = arith.constant 0 : index
    %get3A_10 = vector.load %arg1[%get3A_7, %get3A_8, %get3A_9] : memref<2x1000x128xf32, #tpu.memory_space<vmem>>, vector<1x1000x128xf32>
    %get3A_11 = vector.shape_cast %get3A_10 : vector<1x1000x128xf32> to vector<1000x128xf32>
    %add3A = arith.addf %get3A_6, %get3A_11 : vector<1000x128xf32>
    %get3A_12 = arith.constant 0 : index
    %get3A_13 = arith.constant 0 : index
    %get3A_14 = vector.load %arg2[%get3A_12, %get3A_13] : memref<1000x128xf32, #tpu.memory_space<vmem>>, vector<1000x128xf32>
    %add3A_15 = arith.addf %add3A, %get3A_14 : vector<1000x128xf32>
    %mul3A = vector.broadcast %get3A_1 : vector<1000x1xf32> to vector<1000x128xf32>
    %mul3A_16 = arith.mulf %mul3A, %add3A_15 : vector<1000x128xf32>
    %get3A_17 = arith.constant 0 : index
    %get3A_18 = arith.constant 0 : index
    %get3A_19 = vector.load %arg4[%get3A_17, %get3A_18] : memref<1x128xf32, #tpu.memory_space<vmem>>, vector<1x128xf32>
    %add3A_20 = vector.broadcast %get3A_19 : vector<1x128xf32> to vector<1000x128xf32>
    %add3A_21 = arith.addf %mul3A_16, %add3A_20 : vector<1000x128xf32>
    %max3A = arith.constant 0.000000e+00 : f32
    %max3A_22 = vector.broadcast %max3A : f32 to vector<1000x128xf32>
    %max3A_23 = arith.maximumf %add3A_21, %max3A_22 : vector<1000x128xf32>
    %get3A_24 = arith.constant 0 : index
    %get3A_25 = arith.constant 0 : index
    %get3A_26 = vector.load %arg5[%get3A_24, %get3A_25] : memref<128x128xf32, #tpu.memory_space<vmem>>, vector<128x128xf32>
    %dot_general3A = arith.constant dense<0.000000e+00> : vector<1000x128xf32>
    %dot_general3A_27 = tpu.matmul %max3A_23, %get3A_26, %dot_general3A {dimension_numbers = #tpu.dot_dimension_numbers<[1], [0], [0], [1], [0, 0, 1, 1], [], []>, transpose_lhs_hint = false} : vector<1000x128xf32>, vector<128x128xf32>, vector<1000x128xf32> -> vector<1000x128xf32>
    %mul3A_28 = vector.broadcast %get3A_1 : vector<1000x1xf32> to vector<1000x128xf32>
    %mul3A_29 = arith.mulf %dot_general3A_27, %mul3A_28 : vector<1000x128xf32>
    %swap3A = arith.constant 0 : index
    %swap3A_30 = arith.constant 0 : index
    %swap3A_31 = vector.load %arg6[%swap3A, %swap3A_30] : memref<1000x128xf32, #tpu.memory_space<vmem>>, vector<1000x128xf32>
    tpu.vector_store %arg6[%swap3A, %swap3A_30], %mul3A_29 {strides = array<i32>} : memref<1000x128xf32, #tpu.memory_space<vmem>>, vector<1000x128xf32>,
    return
  }
  func.func @transform_0(%arg0: i32) -> (i32, i32, i32) {
    %c0_i32 = arith.constant 0 : i32
    %c0_i32_0 = arith.constant 0 : i32
    %c0_i32_1 = arith.constant 0 : i32
    return %c0_i32, %arg0, %c0_i32_0 : i32, i32, i32
  }
  func.func @transform_1(%arg0: i32) -> (i32, i32) {
    %c0_i32 = arith.constant 0 : i32
    %c0_i32_0 = arith.constant 0 : i32
    return %arg0, %c0_i32 : i32, i32
  }
  func.func @transform_2(%arg0: i32) -> (i32, i32) {
    %c0_i32 = arith.constant 0 : i32
    %c0_i32_0 = arith.constant 0 : i32
    return %arg0, %c0_i32 : i32, i32
  }
  func.func @transform_3(%arg0: i32) -> (i32, i32) {
    %c0_i32 = arith.constant 0 : i32
    %c0_i32_0 = arith.constant 0 : i32
    %c0_i32_1 = arith.constant 0 : i32
    return %c0_i32, %c0_i32_0 : i32, i32
  }
  func.func @transform_4(%arg0: i32) -> (i32, i32) {
    %c0_i32 = arith.constant 0 : i32
    %c0_i32_0 = arith.constant 0 : i32
    %c0_i32_1 = arith.constant 0 : i32
    return %c0_i32, %c0_i32_0 : i32, i32
  }
  func.func @transform_5(%arg0: i32) -> (i32, i32) {
    %c0_i32 = arith.constant 0 : i32
    %c0_i32_0 = arith.constant 0 : i32
    return %arg0, %c0_i32 : i32, i32
  }
}

module attributes {stable_mosaic.version = 14 : i64} {
  func.func @body(%arg0: i32, %arg1: memref<2x1000x128xf32, #tpu.memory_space<vmem>>, %arg2: memref<1000x128xf32, #tpu.memory_space<vmem>>, %arg3: memref<1000x1xf32, #tpu.memory_space<vmem>>, %arg4: memref<1x128xf32, #tpu.memory_space<vmem>>, %arg5: memref<1000x1xi32, #tpu.memory_space<vmem>>, %arg6: memref<16x128xf32, #tpu.memory_space<vmem>>, %arg7: memref<16x1xf32, #tpu.memory_space<vmem>>) attributes {dimension_semantics = [#tpu.dimension_semantics<arbitrary>], iteration_bounds = array<i64: 10>, scalar_prefetch = 0 : i64, scratch_operands = 1 : i64, tpu.core_type = #tpu.core_type<tc>, window_params = [{transform_indices = @transform_0, window_bounds = array<i64: 2, 1000, 128>}, {transform_indices = @transform_1, window_bounds = array<i64: 1000, 128>}, {transform_indices = @transform_2, window_bounds = array<i64: 1000, 1>}, {pipeline_mode = #tpu.pipeline_mode<synchronous>, transform_indices = @transform_3, window_bounds = array<i64: 1, 128>}, {transform_indices = @transform_4, window_bounds = array<i64: 1000, 1>}, {pipeline_mode = #tpu.pipeline_mode<synchronous>, transform_indices = @transform_5, window_bounds = array<i64: 16, 128>}]} {
    %get3A = arith.constant 0 : index
    %get3A_0 = arith.constant 0 : index
    %get3A_1 = vector.load %arg3[%get3A, %get3A_0] : memref<1000x1xf32, #tpu.memory_space<vmem>>, vector<1000x1xf32>
    %get3A_2 = arith.constant 0 : index
    %get3A_3 = arith.constant 0 : index
    %get3A_4 = arith.constant 0 : index
    %get3A_5 = vector.load %arg1[%get3A_2, %get3A_3, %get3A_4] : memref<2x1000x128xf32, #tpu.memory_space<vmem>>, vector<1x1000x128xf32>
    %get3A_6 = vector.shape_cast %get3A_5 : vector<1x1000x128xf32> to vector<1000x128xf32>
    %get3A_7 = arith.constant 1 : index
    %get3A_8 = arith.constant 0 : index
    %get3A_9 = arith.constant 0 : index
    %get3A_10 = vector.load %arg1[%get3A_7, %get3A_8, %get3A_9] : memref<2x1000x128xf32, #tpu.memory_space<vmem>>, vector<1x1000x128xf32>
    %get3A_11 = vector.shape_cast %get3A_10 : vector<1x1000x128xf32> to vector<1000x128xf32>
    %add3A = arith.addf %get3A_6, %get3A_11 : vector<1000x128xf32>
    %get3A_12 = arith.constant 0 : index
    %get3A_13 = arith.constant 0 : index
    %get3A_14 = vector.load %arg2[%get3A_12, %get3A_13] : memref<1000x128xf32, #tpu.memory_space<vmem>>, vector<1000x128xf32>
    %add3A_15 = arith.addf %add3A, %get3A_14 : vector<1000x128xf32>
    %mul3A = vector.broadcast %get3A_1 : vector<1000x1xf32> to vector<1000x128xf32>
    %mul3A_16 = arith.mulf %mul3A, %add3A_15 : vector<1000x128xf32>
    %get3A_17 = arith.constant 0 : index
    %get3A_18 = arith.constant 0 : index
    %get3A_19 = vector.load %arg4[%get3A_17, %get3A_18] : memref<1x128xf32, #tpu.memory_space<vmem>>, vector<1x128xf32>
    %add3A_20 = vector.broadcast %get3A_19 : vector<1x128xf32> to vector<1000x128xf32>
    %add3A_21 = arith.addf %mul3A_16, %add3A_20 : vector<1000x128xf32>
    %max3A = arith.constant 0.000000e+00 : f32
    %max3A_22 = vector.broadcast %max3A : f32 to vector<1000x128xf32>
    %max3A_23 = arith.maximumf %add3A_21, %max3A_22 : vector<1000x128xf32>
    %iota3A = tpu.iota {dimensions = array<i32: 1>} : vector<1000x16xi32>
    %get3A_24 = arith.constant 0 : index
    %get3A_25 = arith.constant 0 : index
    %get3A_26 = vector.load %arg5[%get3A_24, %get3A_25] : memref<1000x1xi32, #tpu.memory_space<vmem>>, vector<1000x1xi32>
    %eq3A = vector.broadcast %get3A_26 : vector<1000x1xi32> to vector<1000x16xi32>
    %eq3A_27 = arith.cmpi eq, %eq3A, %iota3A : vector<1000x16xi32>
    %convert_element_type3A = arith.extui %eq3A_27 : vector<1000x16xi1> to vector<1000x16xi32>
    %convert_element_type3A_28 = arith.sitofp %convert_element_type3A : vector<1000x16xi32> to vector<1000x16xf32>
    %dot_general3A = arith.constant dense<0.000000e+00> : vector<16x128xf32>
    %dot_general3A_29 = tpu.matmul %convert_element_type3A_28, %max3A_23, %dot_general3A {dimension_numbers = #tpu.dot_dimension_numbers<[0], [0], [1], [1], [0, 1, 1, 1], [], []>, transpose_lhs_hint = false} : vector<1000x16xf32>, vector<1000x128xf32>, vector<16x128xf32> -> vector<16x128xf32>
    %broadcast_in_dim3A = arith.constant 1.000000e+00 : f32
    %broadcast_in_dim3A_30 = vector.broadcast %broadcast_in_dim3A : f32 to vector<1000x1xf32>
    %dot_general3A_31 = arith.constant dense<0.000000e+00> : vector<16x1xf32>
    %dot_general3A_32 = tpu.matmul %convert_element_type3A_28, %broadcast_in_dim3A_30, %dot_general3A_31 {dimension_numbers = #tpu.dot_dimension_numbers<[0], [0], [1], [1], [0, 1, 1, 1], [], []>, transpose_lhs_hint = false} : vector<1000x16xf32>, vector<1000x1xf32>, vector<16x1xf32> -> vector<16x1xf32>
    %eq3A_33 = arith.constant 0 : i32
    %eq3A_34 = arith.cmpi eq, %arg0, %eq3A_33 : i32
    %convert_element_type3A_35 = arith.extui %eq3A_34 : i1 to i32
    %cond3A = arith.constant 0 : i32
    %cond3A_36 = arith.cmpi ne, %convert_element_type3A_35, %cond3A : i32
    scf.if %cond3A_36 {
      %broadcast_in_dim3A_55 = arith.constant 0.000000e+00 : f32
      %broadcast_in_dim3A_56 = vector.broadcast %broadcast_in_dim3A_55 : f32 to vector<16x128xf32>
      %swap3A_57 = arith.constant 0 : index
      %swap3A_58 = arith.constant 0 : index
      %swap3A_59 = vector.load %arg6[%swap3A_57, %swap3A_58] : memref<16x128xf32, #tpu.memory_space<vmem>>, vector<16x128xf32>
      tpu.vector_store %arg6[%swap3A_57, %swap3A_58], %broadcast_in_dim3A_56 {strides = array<i32>} : memref<16x128xf32, #tpu.memory_space<vmem>>, vector<16x128xf32>,
      %broadcast_in_dim3A_60 = arith.constant 0.000000e+00 : f32
      %broadcast_in_dim3A_61 = vector.broadcast %broadcast_in_dim3A_60 : f32 to vector<16x1xf32>
      %swap3A_62 = arith.constant 0 : index
      %swap3A_63 = arith.constant 0 : index
      %swap3A_64 = vector.load %arg7[%swap3A_62, %swap3A_63] : memref<16x1xf32, #tpu.memory_space<vmem>>, vector<16x1xf32>
      tpu.vector_store %arg7[%swap3A_62, %swap3A_63], %broadcast_in_dim3A_61 {strides = array<i32>} : memref<16x1xf32, #tpu.memory_space<vmem>>, vector<16x1xf32>,
    } else {
    }
    %get3A_37 = arith.constant 0 : index
    %get3A_38 = arith.constant 0 : index
    %get3A_39 = vector.load %arg6[%get3A_37, %get3A_38] : memref<16x128xf32, #tpu.memory_space<vmem>>, vector<16x128xf32>
    %add3A_40 = arith.addf %get3A_39, %dot_general3A_29 : vector<16x128xf32>
    %swap3A = arith.constant 0 : index
    %swap3A_41 = arith.constant 0 : index
    %swap3A_42 = vector.load %arg6[%swap3A, %swap3A_41] : memref<16x128xf32, #tpu.memory_space<vmem>>, vector<16x128xf32>
    tpu.vector_store %arg6[%swap3A, %swap3A_41], %add3A_40 {strides = array<i32>} : memref<16x128xf32, #tpu.memory_space<vmem>>, vector<16x128xf32>,
    %get3A_43 = arith.constant 0 : index
    %get3A_44 = arith.constant 0 : index
    %get3A_45 = vector.load %arg7[%get3A_43, %get3A_44] : memref<16x1xf32, #tpu.memory_space<vmem>>, vector<16x1xf32>
    %add3A_46 = arith.addf %get3A_45, %dot_general3A_32 : vector<16x1xf32>
    %swap3A_47 = arith.constant 0 : index
    %swap3A_48 = arith.constant 0 : index
    %swap3A_49 = vector.load %arg7[%swap3A_47, %swap3A_48] : memref<16x1xf32, #tpu.memory_space<vmem>>, vector<16x1xf32>
    tpu.vector_store %arg7[%swap3A_47, %swap3A_48], %add3A_46 {strides = array<i32>} : memref<16x1xf32, #tpu.memory_space<vmem>>, vector<16x1xf32>,
    %eq3A_50 = arith.constant 9 : i32
    %eq3A_51 = arith.cmpi eq, %arg0, %eq3A_50 : i32
    %convert_element_type3A_52 = arith.extui %eq3A_51 : i1 to i32
    %cond3A_53 = arith.constant 0 : i32
    %cond3A_54 = arith.cmpi ne, %convert_element_type3A_52, %cond3A_53 : i32
    scf.if %cond3A_54 {
      %get3A_55 = arith.constant 0 : index
      %get3A_56 = arith.constant 0 : index
      %get3A_57 = vector.load %arg6[%get3A_55, %get3A_56] : memref<16x128xf32, #tpu.memory_space<vmem>>, vector<16x128xf32>
      %get3A_58 = arith.constant 0 : index
      %get3A_59 = arith.constant 0 : index
      %get3A_60 = vector.load %arg7[%get3A_58, %get3A_59] : memref<16x1xf32, #tpu.memory_space<vmem>>, vector<16x1xf32>
      %max3A_61 = arith.constant 1.000000e+00 : f32
      %max3A_62 = vector.broadcast %max3A_61 : f32 to vector<16x1xf32>
      %max3A_63 = arith.maximumf %get3A_60, %max3A_62 : vector<16x1xf32>
      %div3A = vector.broadcast %max3A_63 : vector<16x1xf32> to vector<16x128xf32>
      %div3A_64 = arith.divf %get3A_57, %div3A : vector<16x128xf32>
      %swap3A_65 = arith.constant 0 : index
      %swap3A_66 = arith.constant 0 : index
      %swap3A_67 = vector.load %arg6[%swap3A_65, %swap3A_66] : memref<16x128xf32, #tpu.memory_space<vmem>>, vector<16x128xf32>
      tpu.vector_store %arg6[%swap3A_65, %swap3A_66], %div3A_64 {strides = array<i32>} : memref<16x128xf32, #tpu.memory_space<vmem>>, vector<16x128xf32>,
    } else {
    }
    return
  }
  func.func @transform_0(%arg0: i32) -> (i32, i32, i32) {
    %c0_i32 = arith.constant 0 : i32
    %c0_i32_0 = arith.constant 0 : i32
    %c0_i32_1 = arith.constant 0 : i32
    return %c0_i32, %arg0, %c0_i32_0 : i32, i32, i32
  }
  func.func @transform_1(%arg0: i32) -> (i32, i32) {
    %c0_i32 = arith.constant 0 : i32
    %c0_i32_0 = arith.constant 0 : i32
    return %arg0, %c0_i32 : i32, i32
  }
  func.func @transform_2(%arg0: i32) -> (i32, i32) {
    %c0_i32 = arith.constant 0 : i32
    %c0_i32_0 = arith.constant 0 : i32
    return %arg0, %c0_i32 : i32, i32
  }
  func.func @transform_3(%arg0: i32) -> (i32, i32) {
    %c0_i32 = arith.constant 0 : i32
    %c0_i32_0 = arith.constant 0 : i32
    %c0_i32_1 = arith.constant 0 : i32
    return %c0_i32, %c0_i32_0 : i32, i32
  }
  func.func @transform_4(%arg0: i32) -> (i32, i32) {
    %c0_i32 = arith.constant 0 : i32
    %c0_i32_0 = arith.constant 0 : i32
    return %arg0, %c0_i32 : i32, i32
  }
  func.func @transform_5(%arg0: i32) -> (i32, i32) {
    %c0_i32 = arith.constant 0 : i32
    %c0_i32_0 = arith.constant 0 : i32
    %c0_i32_1 = arith.constant 0 : i32
    return %c0_i32, %c0_i32_0 : i32, i32
  }
}

</mosaic_0001>

<sc_bundles>
// kernel: kernel.11.cloned.1.call-start
scs
__scs_entry_jumppad:
0x0: {  	(pc) =	sbr.rel $0x88, $3  }
0x1: {  	(tag) =	ssettag $0x0;
	lr =	simm.s32 $0x1  }
0x2: {  	[smem:$0x3F9A] =	sst lr;
	_ =	strace $0xD0000000  }
0x3: {  	_ = 	snop  }
0x4: {  	_ = 	snop  }
0x5: {  	_ = 	snop  }
0x6: {  	_ = 	snop  }
0x7: {  	_ = 	snop  }
__scs_overlays_trampoline_lowered:
0x8: {  	[smem:$0x3FA9] =	sst s0  }
0x9: {  	[smem:$0x3FAA] =	sst s1  }
0xa: {  	[smem:$0x3FAB] =	sst s2  }
0xb: {  	[smem:$0x3FAC] =	sst s3  }
0xc: {  	[smem:$0x3FAD] =	sst s4  }
0xd: {  	[smem:$0x3FAE] =	sst s5  }
0xe: {  	[smem:$0x3FAF] =	sst s6  }
0xf: {  	[smem:$0x3FB0] =	sst s7  }
0x10: {  	[smem:$0x3FB1] =	sst s8  }
0x11: {  	[smem:$0x3FB2] =	sst s9;
	s0 =	simm.s32 @!p0 $0x0  }
0x12: {  	s1 =	sld [smem:$0x3F98];
	s0 =	simm.s32 @p0 $0x1  }
0x13: {  	[smem:$0x3FB3] =	sst s0;
	s0 =	simm.s32 @!p1 $0x0  }
0x14: {  	s2 =	sld [smem:$0x3F97];
	s0 =	simm.s32 @p1 $0x1  }
0x15: {  	[smem:$0x3FB4] =	sst s0;
	s0 =	simm.s32 @!p2 $0x0  }
0x16: {  	s3 =	sld [smem:$0x3FDB];
	s0 =	simm.s32 @p2 $0x1  }
0x17: {  	s4 =	simm.s32 $0x1BF5;
	[smem:$0x3FB6] =	sst s0  }
0x18: {  	s0 =	sld [smem:$0x3F99];
	_ =	swait.ge [sflag:s4], $0x0  }
0x19: {  	s7 =	sld [smem:$0x3F9A]  }
0x1a: {  	s8 =	sadd.s32 $0xFFFFE003, lr  }
0x1b: {  	s9 =	sadd.s32 $0xFFFFFEF7, lr;
	s5 =	simm.s32 $0xFFFFFFFF;
	p2 =	slt.u32 s8, $0xFFFFF086  }
0x1c: {  	p1 =	slt.u32 s9, $0xF7A;
	s5 =	simm.s32 @!p2 $0x0  }
0x1d: {  	s5 =	simm.s32 @p1 $0x1;
	p0 =	seq.s32 s7, s2  }
0x1e: {  	s7 =	smul.u32 @!p0 $0xF7A, s2;
	p2 =	seq.s32 @!p0 s5, $0x0  }
0x1f: {  	s9 =	smul.u32 $0xF7A, s1;
	s8 =	simm.s32 @!p0 $0x1BF5;
	p2 =	por !p2, p0  }
0x20: {  	[sflag:s8] =	ssyncset.s32 @!p0 $0xFFFFF086;
	s6 =	sadd.s32 @!p0 s3, s7;
	s7 =	simm.s32 @!p0 $0x108  }
0x21: {  	s3 =	sadd.s32 s3, s9;
	s6 =	sadd.s32 @!p0 $0x88, s6;
	s7 =	simm.s32 @p2 $0x1082  }
0x22: {  	[simem:s7], [sflag:s8] =	dma.local @!p0 [hbm:s6], $0xF7A  }
0x23: {  	s9 =	sor.u32 $0xD0000000, s2;
	s6 =	simm.s32 $0x108;
	_ =	swait.ge @!p0 [sflag:s8], $0x0  }
0x24: {  	s3 =	sadd.s32 $0x88, s3;
	s6 =	simm.s32 @!p1 $0x1082;
	[sflag:s4] =	ssyncset.s32 $0xFFFFF086  }
0x25: {  	[simem:s6], [sflag:s4] =	dma.local [hbm:s3], $0xF7A  }
0x26: {  	[smem:$0x3F9A] =	sst s1;
	(tag) =	ssettag s2;
	_ =	strace s9  }
0x27: {  	s1 =	sld [smem:$0x3FAA]  }
0x28: {  	s2 =	sld [smem:$0x3FAB]  }
0x29: {  	s4 =	sld [smem:$0x3FAD]  }
0x2a: {  	p0 =	seq.s32 s5, $0x0;
	s5 =	sld [smem:$0x3FAE]  }
0x2b: {  	s6 =	sld [smem:$0x3FAF]  }
0x2c: {  	s7 =	sld [smem:$0x3FB0]  }
0x2d: {  	s3 =	simm.s32 $0x108;
	s8 =	sld [smem:$0x3FB1]  }
0x2e: {  	s3 =	simm.s32 @!p0 $0x1082;
	s9 =	sld [smem:$0x3FB2]  }
0x2f: {  	lr =	sadd.s32 s0, s3;
	s0 =	sld [smem:$0x3FA9]  }
0x30: {  	s3 =	sld [smem:$0x3FAC]  }
0x31: {  	[smem:$0x3FB5] =	sst s10  }
0x32: {  	s10 =	sld [smem:$0x3FB3];
	_ =	sdelay $0x3  }
0x33: {  	p0 =	seq.s32 s10, $0x1;
	s10 =	sld [smem:$0x3FB5];
	_ =	sdelay $0x3  }
0x34: {  	[smem:$0x3FB5] =	sst s10  }
0x35: {  	s10 =	sld [smem:$0x3FB4];
	_ =	sdelay $0x3  }
0x36: {  	p1 =	seq.s32 s10, $0x1;
	s10 =	sld [smem:$0x3FB5];
	_ =	sdelay $0x3  }
0x37: {  	[smem:$0x3FB5] =	sst s10  }
0x38: {  	s10 =	sld [smem:$0x3FB6]  }
0x39: {  	_ = 	snop;
	(pc) =	sbr.ind lr, $3  }
0x3a: {  	_ = 	snop  }
0x3b: {  	_ = 	snop  }
0x3c: {  	p2 =	seq.s32 s10, $0x1;
	s10 =	sld [smem:$0x3FB5]  }
0x3d: {  	_ =	shalt  }
0x3e: {  	_ =	shalt  }
0x3f: {  	_ =	shalt  }
0x40: {  	_ =	shalt  }
0x41: {  	_ =	shalt  }
0x42: {  	_ =	shalt  }
0x43: {  	_ =	shalt  }
0x44: {  	_ =	shalt  }
0x45: {  	_ =	shalt  }
0x46: {  	_ =	shalt  }
0x47: {  	_ =	shalt  }
0x48: {  	_ =	shalt  }
0x49: {  	_ =	shalt  }
0x4a: {  	_ =	shalt  }
0x4b: {  	_ =	shalt  }
0x4c: {  	_ =	shalt  }
0x4d: {  	_ =	shalt  }
0x4e: {  	_ =	shalt  }
0x4f: {  	_ =	shalt  }
0x50: {  	_ =	shalt  }
0x51: {  	_ =	shalt  }
0x52: {  	_ =	shalt  }
0x53: {  	_ =	shalt  }
0x54: {  	_ =	shalt  }
0x55: {  	_ =	shalt  }
0x56: {  	_ =	shalt  }
0x57: {  	_ =	shalt  }
0x58: {  	_ =	shalt  }
0x59: {  	_ =	shalt  }
0x5a: {  	_ =	shalt  }
0x5b: {  	_ =	shalt  }
0x5c: {  	_ =	shalt  }
0x5d: {  	_ =	shalt  }
0x5e: {  	_ =	shalt  }
0x5f: {  	_ =	shalt  }
0x60: {  	_ =	shalt  }
0x61: {  	_ =	shalt  }
0x62: {  	_ =	shalt  }
0x63: {  	_ =	shalt  }
0x64: {  	_ =	shalt  }
0x65: {  	_ =	shalt  }
0x66: {  	_ =	shalt  }
0x67: {  	_ =	shalt  }
0x68: {  	_ =	shalt  }
0x69: {  	_ =	shalt  }
0x6a: {  	_ =	shalt  }
0x6b: {  	_ =	shalt  }
0x6c: {  	_ =	shalt  }
0x6d: {  	_ =	shalt  }
0x6e: {  	_ =	shalt  }
0x6f: {  	_ =	shalt  }
0x70: {  	_ =	shalt  }
0x71: {  	_ =	shalt  }
0x72: {  	_ =	shalt  }
0x73: {  	_ =	shalt  }
0x74: {  	_ =	shalt  }
0x75: {  	_ =	shalt  }
0x76: {  	_ =	shalt  }
0x77: {  	_ =	shalt  }
0x78: {  	_ =	shalt  }
0x79: {  	_ =	shalt  }
0x7a: {  	_ =	shalt  }
0x7b: {  	_ =	shalt  }
0x7c: {  	_ =	shalt  }
0x7d: {  	_ =	shalt  }
0x7e: {  	_ =	shalt  }
0x7f: {  	_ =	shalt  }
0x80: {  	_ =	shalt  }
0x81: {  	_ =	shalt  }
0x82: {  	_ =	shalt  }
0x83: {  	_ =	shalt  }
0x84: {  	_ =	shalt  }
0x85: {  	_ =	shalt  }
0x86: {  	_ =	shalt  }
0x87: {  	_ =	shalt  }
.Lfunc_end0:
.L_simem_size_0:
called_computation.1_lowered:
.L_overlay_start_0:
0x88: {  	s2 =	sld [smem:$0x3FD9]  }
0x89: {  	s3 =	sld [smem:$0x3FFE];
	_ =	sdelay $0x1  }
0x8a: {  	s1 =	srdreg.scid  }
0x8b: {  	s0 =	sand.u32 $0x1, s1  }
0x8c: {  	s16 =	sshll.u32 s0, $0xA;
	s2 =	sadd.s32 s3, s2  }
0x8d: {  	s2 =	sadd.s32 s2, s16  }
0x8e: {  	[smem:$0x3FC1] =	sst s2  }
0x8f: {  	_ = 	snop  }
0x90: {  	(tm) =	ssettm $0x1  }
0x91: {  	s17 =	sld [smem:$0x3FFB];
	_ =	sdelay $0x3  }
0x92: {  	_ =	strace s17  }
0x93: {  	s2 =	sld [smem:$0x3FFC];
	_ =	sdelay $0x3  }
0x94: {  	_ =	strace s2  }
0x95: {  	s2 =	sld [smem:$0x3FFD];
	_ =	sdelay $0x3  }
0x96: {  	_ =	strace s2  }
0x97: {  	_ =	strace $0x8FFFFFFF  }
0x98: {  	s18 =	sld [smem:$0x3FDB];
	_ =	sdelay $0x1  }
0x99: {  	s19 =	simm.s32 $_scs_section_size  }
0x9a: {  	s4 =	simm.s32 $_size__tile_overlayer_lowered;
	s5 =	simm.s32 $_tile_overlayer_lowered  }
0x9b: {  	s22 =	simm.s32 $0x1BFF;
	s21 =	sshll.u32 s5, $0x1;
	s2 =	sadd.s32 s19, s18  }
0x9c: {  	s6 =	simm.s32 $0x0;
	s20 =	sshll.u32 s4, $0x1;
	s4 =	sadd.s32 s21, s2  }
0x9d: {  	[timem:s6], [sflag:s22] =	dma.local [hbm:s4], s20  }
0x9e: {  	_ =	swait.ge [sflag:s22], s20  }
0x9f: {  	s3 =	ssub.s32 $0x0, s20;
	[sflag:s22] =	ssyncset.done $0x0  }
0xa0: {  	[sflag:s22] =	ssyncadd.s32 s3;
	_ =	sdelay $0x1  }
0xa1: {  	s23 =	simm.s32 $0x1B8B  }
0xa2: {  	_ =	swait.ge [sflag:s23], $0x1  }
0xa3: {  	[sflag:s23] =	ssyncset.done $0x0  }
0xa4: {  	s25 =	simm.s32 $0x1B8E;
	s24 =	sld [smem:$0x3FFE];
	[sflag:s23] =	ssyncadd.s32 $0xFFFFFFFF  }
0xa5: {  	s26 =	simm.s32 $execute0_lowered;
	[smem:$0x3FD2] =	sst s25  }
0xa6: {  	s4 =	sshll.u32 s26, $0x1;
	_ =	strace $0x80000049;
	[dreg:$0x1] =	wrdreg $0xFFFFFFFF  }
0xa7: {  	s28 =	simm.s32 $_size_execute0_lowered;
	s2 =	sadd.s32 s2, s4;
	[dreg:$0x0] =	wrdreg $0x0  }
0xa8: {  	s4 =	sshll.u32 s28, $0x1;
	[dreg:$0x2] =	wrdreg s2  }
0xa9: {  	[dreg:$0x3] =	wrdreg s4  }
0xaa: {  	[dreg:$0x4] =	wrdreg $0xC0  }
0xab: {  	_ =	task [dreg:s6], $0x5FFFF  }
0xac: {  	[dreg:$0x1] =	wrdreg $0xFFFFFFFF  }
0xad: {  	[dreg:$0x0] =	wrdreg $0x60  }
0xae: {  	[dreg:$0x2] =	wrdreg s24  }
0xaf: {  	[dreg:$0x3] =	wrdreg $0xBF800  }
0xb0: {  	[dreg:$0x4] =	wrdreg $0x9  }
0xb1: {  	_ =	task.clear_ibuf [dreg:s6], $0x5FFFF;
	_ =	strace $0x90000049  }
0xb2: {  	s29 =	simm.s32 $0x9;
	_ =	strace $0x8000004B  }
0xb3: {  	_ =	swait.ge [sflag:s29], $0x1  }
0xb4: {  	[sflag:s29] =	ssyncadd.s32 $0xFFFFFFFF  }
0xb5: {  	_ =	strace $0x9000004B  }
0xb6: {  	_ =	sfence  }
0xb7: {  	s30 =	sld [smem:$0x0];
	_ =	sdelay $0x2  }
0xb8: {  	s31 =	sshll.u32 s1, $0xD;
	s1 =	sshrl.u32 s1, $0x2  }
0xb9: {  	s3 =	sand.u32 $0x4000, s31;
	s1 =	sadd.s32 s1, s30  }
0xba: {  	s0 =	sor.u32 s3, s0;
	s1 =	sshll.u32 s1, $0x11  }
0xbb: {  	s0 =	sor.u32 s1, s0  }
0xbc: {  	s0 =	sadd.s32 $0x8F2B, s0  }
0xbd: {  	[sflag:s0] =	ssyncadd.remote.s32 $0x1  }
0xbe: {  	_ =	sfence.sel $0xFFFF  }
0xbf: {  	[dreg:$0x0] =	wrdreg $0xFFFFFFFF;
	(pc) =	sbr.abs _section_cstart, $3  }
0xc0: {  	[dreg:$0x1] =	wrdreg $0xFFFFFFFF  }
0xc1: {  	_ =	task.clear_ibuf [dreg:s6], $0x2FFFF;
	_ =	strace $0x9FFFFFFF  }
0xc2: {  	(tm) =	ssettm $0x7FFFFFFF  }
0xc3: {  	_ =	shalt  }
tec
execute0_lowered:
.L_overlay_start_1:
0x0: {  	(tag) =	ssettag $0x1  }
0x1: {  	s0 =	rddreg [dreg:$0x0]  }
0x2: {  	s1 =	rddreg [dreg:$0x1];
	s2 =	srdreg.scid  }
0x3: {  	s3 =	simm.s32 $0x0;
	s22 =	stileid.u32;
	p1 =	por $0x0, $0x0  }
0x4: {  	s28 =	simm.s32 $0x7;
	s29 =	simm.s32 $0x2780;
	s30 =	simm.s32 $0x4780  }
0x5: {  	s31 =	simm.s32 $0x50;
	s2 =	sand.u32 $0x1, s2;
	[smem:$0x7FF] =	sst s3  }
0x6: {  	s26 =	sshll.u32 s22, $0x3;
	s11 =	smul.u32 $0x50000, s22;
	p0 =	seq.s32 s22, $0xF  }
0x7: {  	s4 =	sshll.u32 s2, $0x4;
	_ =	strace $0x8000004A;
	s10 =	sor.u32 $0x1, s26  }
0x8: {  	s7 =	ssub.s32 $0x2, s2;
	s19 =	sor.u32 $0x4, s26;
	s13 =	smul.u32 $0xA000, s10  }
0x9: {  	s20 =	sor.u32 $0x5, s26;
	s5 =	sor.u32 s22, s4;
	s21 =	smul.u32 $0xA000, s19  }
0xa: {  	s4 =	sadd.s32 $0x2D000, s0;
	s9 =	sshrl.u32 s7, $0x1;
	s19 =	smul.u32 $0x2800, s19  }
0xb: {  	s14 =	sshrl.u32 s11, $0x2;
	s6 =	smul.u32 $0x4E2, s5;
	s5 =	sshll.u32 s5, $0xA  }
0xc: {  	s25 =	ssub.s32 s7, s9;
	s9 =	smul.u32 $0x138800, s2;
	s2 =	sor.u32 $0x3, s26  }
0xd: {  	s11 =	sadd.s32 s14, s1;
	s14 =	sor.u32 $0x6, s26;
	s18 =	smul.u32 $0xA000, s2  }
0xe: {  	s8 =	sadd.s32 s5, s0;
	s5 =	sadd.s32 $0x54200, s0;
	s7 =	smul.u32 $0xA000, s14  }
0xf: {  	s15 =	sshrl.u32 s13, $0x2;
	p5 =	slt.u32 s14, $0x7D;
	s2 =	smul.u32 $0x2800, s2  }
0x10: {  	p2 =	sgt.u32 @!p0 s14, $0x7C;
	s14 =	simm.s32 @p0 $0x7E;
	s6 =	sadd.s32 s6, s0  }
0x11: {  	s12 =	sadd.s32 $0x1D000, s8;
	s8 =	sadd.s32 $0x25000, s8;
	s0 =	smax.u32 s25, $0x1  }
0x12: {  	p2 =	por p2, p0;
	p1 =	por @!p0 p5, p5;
	[dreg:$0x4] =	wrdreg s12  }
0x13: {  	[dreg:$0x5] =	wrdreg s8;
	s8 =	sshrl.u32 s18, $0x2;
	s18 =	smul.u32 $0xA000, s20  }
0x14: {  	[dreg:$0x6] =	wrdreg s0;
	s0 =	sor.u32 $0x2, s26;
	s26 =	smul.u32 $0x2800, s10  }
0x15: {  	s12 =	sadd.s32 s15, s1;
	s15 =	sshllo.u32 s22, $0x3;
	s16 =	smul.u32 $0xA000, s0  }
0x16: {  	s6 =	sadd.s32 $0x2800, s6;
	s7 =	sshrl.u32 s7, $0x2;
	s23 =	smul.u32 $0xA000, s15  }
0x17: {  	[dreg:$0x3] =	wrdreg s6;
	s6 =	sshrl.u32 s21, $0x2;
	s21 =	smul.u32 $0x14000, s22  }
0x18: {  	s2 =	sadd.s32 s9, s2;
	s7 =	sadd.s32 s7, s1;
	s0 =	smul.u32 $0x2800, s0  }
0x19: {  	p4 =	sgt.u32 @!p0 s15, $0x7C;
	s15 =	simm.s32 @p0 $0x7F;
	s22 =	simm.s32 $0x0  }
0x1a: {  	s24 =	sshrl.u32 s18, $0x2;
	[dreg:$0x7] =	wrdreg s7;
	s10 =	sadd.s32 s9, s26  }
0x1b: {  	p3 =	por p4, p0;
	p4 =	por !p4, p0;
	s17 =	sshrl.u32 s16, $0x2  }
0x1c: {  	s16 =	sadd.s32 s8, s1;
	s18 =	sadd.s32 s24, s1;
	s25 =	sadd.s32 s9, s21  }
0x1d: {  	s0 =	sadd.s32 s9, s0;
	s21 =	smul.u32 $0x2800, s20;
	s24 =	sadd.s32 s9, s19  }
0x1e: {  	s8 =	simm.s32 $0x3;
	s19 =	simm.s32 $0x5;
	s20 =	simm.s32 $0x6  }
0x1f: {  	s13 =	sadd.s32 s17, s1;
	s17 =	sadd.s32 s6, s1;
	s6 =	sshrl.u32 s23, $0x2  }
0x20: {  	s7 =	sshrl.u32 s25, $0x3;
	s0 =	sshrl.u32 s0, $0x3;
	s23 =	sshrl.u32 s2, $0x3  }
0x21: {  	s6 =	sadd.s32 s6, s1;
	s0 =	sadd.s32 s5, s0;
	s25 =	sadd.s32 s9, s21  }
0x22: {  	s21 =	simm.s32 $0x8;
	[dreg:$0x8] =	wrdreg s6;
	s6 =	sadd.s32 s5, s7  }
0x23: {  	[dreg:$0xb] =	wrdreg s0;
	s0 =	sadd.s32 s5, s23;
	s2 =	sshrl.u32 s25, $0x3  }
0x24: {  	s7 =	simm.s32 $0x2;
	[dreg:$0x9] =	wrdreg s6;
	s6 =	sshrl.u32 s10, $0x3  }
0x25: {  	[dreg:$0xc] =	wrdreg s0;
	s0 =	sshrl.u32 s24, $0x3;
	s26 =	sadd.s32 s5, s2  }
0x26: {  	s2 =	simm.s32 $0x9780;
	s6 =	sadd.s32 s5, s6;
	[dreg:$0xe] =	wrdreg s26  }
0x27: {  	s10 =	simm.s32 $0x4;
	s0 =	sadd.s32 s5, s0;
	[dreg:$0xa] =	wrdreg s6  }
0x28: {  	v0 =	vimm.f32 $0.0e+00;
	[dreg:$0xd] =	wrdreg s0;
	s0 =	simm.s32 $0x6F80;
	s6 =	simm.s32 $0x1  }
.LBB2_1:
0x29: {  	s23 =	rddreg [dreg:$0x3]  }
0x2a: {  	[tilespmem:s3], [sflag:$0x7] =	stream.linear.gather [hbm4b:s23+s3], $0x2710, $0x38;
	[tilespmem:$0x1F800] =	vst v63  }
0x2b: {  	_ =	swait.ge [sflag:s28], $0x2710  }
0x2c: {  	[sflag:s28] =	ssyncset.done $0x0  }
0x2d: {  	s26 =	rddreg [dreg:$0x4];
	[sflag:s28] =	ssyncadd.s32 $0xFFFFD8F0  }
0x2e: {  	[tilespmem:s29], [sflag:$0x7] =	stream.linear.gather [hbm4b:s26+s3], $0x1F80, $0x38;
	[tilespmem:$0x1F800] =	vst v63  }
0x2f: {  	_ =	swait.ge [sflag:s28], $0x1F80  }
0x30: {  	[sflag:s28] =	ssyncset.done $0x0  }
0x31: {  	s24 =	simm.s32 $0x3C0;
	s23 =	simm.s32 $0x70;
	[sflag:s28] =	ssyncadd.s32 $0xFFFFE080  }
.LBB2_2:
0x32: {  	p5 =	sne.s32 s24, $0x9FC0;
	[tilespmem:s23+$0x4780] =	vst v0  }
0x33: {  	[tilespmem:s23+$0x4710] =	vst v0  }
0x34: {  	[tilespmem:s23+$0x4720] =	vst v0  }
.Ltmp0:
0x35: {  	[tilespmem:s23+$0x4730] =	vst v0;
	(pc) =	sbr.rel @p5 .LBB2_2-.Ltmp0, $4  }
0x36: {  	[tilespmem:s23+$0x4740] =	vst v0  }
0x37: {  	[tilespmem:s23+$0x4750] =	vst v0  }
0x38: {  	[tilespmem:s23+$0x4760] =	vst v0  }
0x39: {  	[tilespmem:s23+$0x4770] =	vst v0;
	s23 =	sshra.s32 s24, $0x2;
	s24 =	sadd.s32 $0x200, s24  }
0x3a: {  	[tilespmem:s23+$0x4780] =	vst v0  }
0x3b: {  	[tilespmem:s23+$0x4710] =	vst v0  }
0x3c: {  	[tilespmem:s23+$0x4720] =	vst v0  }
0x3d: {  	[tilespmem:s23+$0x4730] =	vst v0  }
0x3e: {  	[tilespmem:s23+$0x4740] =	vst v0  }
0x3f: {  	[tilespmem:s23+$0x4750] =	vst v0  }
0x40: {  	[tilespmem:s23+$0x4760] =	vst v0  }
0x41: {  	[tilespmem:s23+$0x4770] =	vst v0  }
0x42: {  	[spmem:s11] =	stream.linear.scatter [tilespmem:s30], [sflag:$0x7], $0x2800, $0x38;
	[tilespmem:$0x1F800] =	vst v63  }
0x43: {  	_ =	swait.ge [sflag:s28], $0x2800  }
0x44: {  	[sflag:s28] =	ssyncset.done $0x0  }
0x45: {  	[sflag:s28] =	ssyncadd.s32 $0xFFFFD800  }
0x46: {  	[spmem:s12] =	stream.linear.scatter [tilespmem:s30], [sflag:$0x7], $0x2800, $0x38;
	[tilespmem:$0x1F800] =	vst v63  }
0x47: {  	_ =	swait.ge [sflag:s28], $0x2800  }
0x48: {  	[sflag:s28] =	ssyncset.done $0x0  }
0x49: {  	[sflag:s28] =	ssyncadd.s32 $0xFFFFD800  }
0x4a: {  	[spmem:s13] =	stream.linear.scatter [tilespmem:s30], [sflag:$0x7], $0x2800, $0x38;
	[tilespmem:$0x1F800] =	vst v63  }
0x4b: {  	_ =	swait.ge [sflag:s28], $0x2800  }
0x4c: {  	[sflag:s28] =	ssyncset.done $0x0  }
0x4d: {  	[sflag:s28] =	ssyncadd.s32 $0xFFFFD800  }
0x4e: {  	[spmem:s16] =	stream.linear.scatter [tilespmem:s30], [sflag:$0x7], $0x2800, $0x38;
	[tilespmem:$0x1F800] =	vst v63  }
0x4f: {  	_ =	swait.ge [sflag:s28], $0x2800  }
0x50: {  	[sflag:s28] =	ssyncset.done $0x0  }
0x51: {  	[sflag:s28] =	ssyncadd.s32 $0xFFFFD800  }
0x52: {  	[spmem:s17] =	stream.linear.scatter [tilespmem:s30], [sflag:$0x7], $0x2800, $0x38;
	[tilespmem:$0x1F800] =	vst v63  }
0x53: {  	_ =	swait.ge [sflag:s28], $0x2800  }
0x54: {  	[sflag:s28] =	ssyncset.done $0x0  }
0x55: {  	s23 =	simm.s32 @!p0 $0x4780;
	[sflag:s28] =	ssyncadd.s32 $0xFFFFD800  }
0x56: {  	[spmem:s18] =	stream.linear.scatter @!p0 [tilespmem:s23], [sflag:$0x7], $0x2800, $0x38;
	[tilespmem:$0x1F800] =	vst v63  }
0x57: {  	s23 =	simm.s32 @!p0 $0x7  }
0x58: {  	_ =	swait.ge @!p0 [sflag:s23], $0x2800  }
0x59: {  	[sflag:s23] =	ssyncset.done @!p0 $0x0  }
0x5a: {  	s24 =	rddreg [dreg:$0x7];
	[sflag:s23] =	ssyncadd.s32 @!p0 $0xFFFFD800;
	s23 =	simm.s32 @!p2 $0x4780  }
0x5b: {  	[spmem:s24] =	stream.linear.scatter @!p2 [tilespmem:s23], [sflag:$0x7], $0x2800, $0x38;
	[tilespmem:$0x1F800] =	vst v63  }
0x5c: {  	s23 =	simm.s32 @!p2 $0x7  }
0x5d: {  	_ =	swait.ge @!p2 [sflag:s23], $0x2800  }
0x5e: {  	[sflag:s23] =	ssyncset.done @!p2 $0x0  }
0x5f: {  	s24 =	rddreg [dreg:$0x8];
	[sflag:s23] =	ssyncadd.s32 @!p2 $0xFFFFD800;
	s23 =	simm.s32 @!p3 $0x4780  }
0x60: {  	[spmem:s24] =	stream.linear.scatter @!p3 [tilespmem:s23], [sflag:$0x7], $0x2800, $0x38;
	[tilespmem:$0x1F800] =	vst v63  }
0x61: {  	s23 =	simm.s32 @!p3 $0x7  }
0x62: {  	_ =	swait.ge @!p3 [sflag:s23], $0x2800  }
0x63: {  	[sflag:s23] =	ssyncset.done @!p3 $0x0  }
0x64: {  	[sflag:s23] =	ssyncadd.s32 @!p3 $0xFFFFD800  }
0x65: {  	s26 =	simm.s32 $0x0;
	[bflag:$0x0] =	sbarrier.arrive $0xFFFF  }
0x66: {  	[tilespmem:s30], [sflag:$0x1] =	stream.indirect.gather [hbm4b:s4+s31], $0x80, s26, s31, $0xb8;
	[tilespmem:$0x1F800] =	vst v63  }
0x67: {  	_ = 	snop  }
0x68: {  	[tilespmem:s0], [sflag:$0x2] =	stream.indirect.gather [hbm4b:s4+s31], $0x80, s31, s31, $0xb8;
	[tilespmem:$0x1F800] =	vst v63  }
0x69: {  	s24 =	simm.s32 $0xA0  }
0x6a: {  	[tilespmem:s2], [sflag:$0x3] =	stream.indirect.gather [hbm4b:s4+s31], $0x80, s24, s31, $0xb8;
	[tilespmem:$0x1F800] =	vst v63  }
0x6b: {  	_ =	swait.ge [sflag:s6], $0x2800  }
0x6c: {  	[sflag:s6] =	ssyncset.done $0x0  }
0x6d: {  	s25 =	simm.s32 $0x2780;
	[sflag:s6] =	ssyncadd.s32 $0xFFFFD800  }
0x6e: {  	[spmem:s1] =	stream.indirect.scatter.add.f32 [tilespmem:s30], [sflag:$0x4], $0x80, s25, s31, $0xb8;
	[tilespmem:$0x1F800] =	vst v63  }
0x6f: {  	_ =	swait.ge [sflag:s7], $0x2800  }
0x70: {  	[sflag:s7] =	ssyncset.done $0x0  }
0x71: {  	s26 =	simm.s32 $0x2800;
	[sflag:s7] =	ssyncadd.s32 $0xFFFFD800  }
0x72: {  	[spmem:s1] =	stream.indirect.scatter.add.f32 [tilespmem:s0], [sflag:$0x5], $0x80, s26, s31, $0xb8;
	[tilespmem:$0x1F800] =	vst v63  }
0x73: {  	_ =	swait.ge [sflag:s8], $0x2800  }
0x74: {  	[sflag:s8] =	ssyncset.done $0x0  }
0x75: {  	s24 =	simm.s32 $0x2880;
	[sflag:s8] =	ssyncadd.s32 $0xFFFFD800  }
0x76: {  	[spmem:s1] =	stream.indirect.scatter.add.f32 [tilespmem:s2], [sflag:$0x6], $0x80, s24, s31, $0xb8;
	[tilespmem:$0x1F800] =	vst v63  }
0x77: {  	_ =	swait.ge [sflag:s10], $0x2800  }
0x78: {  	[sflag:s10] =	ssyncset.done $0x0  }
0x79: {  	s25 =	simm.s32 $0xF0;
	[sflag:s10] =	ssyncadd.s32 $0xFFFFD800  }
0x7a: {  	[tilespmem:s30], [sflag:$0x1] =	stream.indirect.gather [hbm4b:s4+s31], $0x80, s25, s31, $0xb8;
	[tilespmem:$0x1F800] =	vst v63  }
0x7b: {  	_ =	swait.ge [sflag:s19], $0x2800  }
0x7c: {  	p5 =	por @!p0 $0x0, $0x0;
	[sflag:s19] =	ssyncset.done $0x0  }
0x7d: {  	p6 =	por @!p3 $0x1, $0x1;
	s26 =	simm.s32 $0x140;
	[sflag:s19] =	ssyncadd.s32 $0xFFFFD800  }
0x7e: {  	[tilespmem:s0], [sflag:$0x2] =	stream.indirect.gather [hbm4b:s4+s31], $0x80, s26, s31, $0xb8;
	[tilespmem:$0x1F800] =	vst v63  }
0x7f: {  	p6 =	por @!p4 p5, p5;
	p5 =	por $0x0, $0x0;
	_ =	swait.ge [sflag:s20], $0x2800  }
0x80: {  	p5 =	por @!p0 p6, p6;
	s23 =	simm.s32 $0x3C0;
	[sflag:s20] =	ssyncset.done $0x0  }
0x81: {  	s24 =	simm.s32 $0x2A00;
	s25 =	simm.s32 $0x190;
	[sflag:s20] =	ssyncadd.s32 $0xFFFFD800  }
.LBB2_4:
0x82: {  	[tilespmem:s2], [sflag:$0x3] =	stream.indirect.gather [hbm4b:s4+s31], $0x80, s25, s31, $0xb8;
	[tilespmem:$0x1F800] =	vst v63  }
0x83: {  	s25 =	smov.u32 s23  }
0x84: {  	p6 =	sne.s32 s23, $0x4B00;
	s23 =	sadd.s32 $0x3C0, s23;
	_ =	swait.ge [sflag:s6], $0x2800  }
0x85: {  	[sflag:s6] =	ssyncset.done $0x0  }
0x86: {  	s26 =	sadd.s32 $0xFFFFFF00, s24;
	[sflag:s6] =	ssyncadd.s32 $0xFFFFD800  }
0x87: {  	[spmem:s1] =	stream.indirect.scatter.add.f32 [tilespmem:s30], [sflag:$0x4], $0x80, s26, s31, $0xb8;
	[tilespmem:$0x1F800] =	vst v63  }
0x88: {  	_ =	swait.ge [sflag:s7], $0x2800  }
0x89: {  	[sflag:s7] =	ssyncset.done $0x0  }
0x8a: {  	s26 =	sadd.s32 $0xFFFFFF80, s24;
	[sflag:s7] =	ssyncadd.s32 $0xFFFFD800  }
0x8b: {  	[spmem:s1] =	stream.indirect.scatter.add.f32 [tilespmem:s0], [sflag:$0x5], $0x80, s26, s31, $0xb8;
	[tilespmem:$0x1F800] =	vst v63  }
0x8c: {  	_ =	swait.ge [sflag:s8], $0x2800  }
0x8d: {  	[sflag:s8] =	ssyncset.done $0x0  }
0x8e: {  	[sflag:s8] =	ssyncadd.s32 $0xFFFFD800  }
0x8f: {  	[spmem:s1] =	stream.indirect.scatter.add.f32 [tilespmem:s2], [sflag:$0x6], $0x80, s24, s31, $0xb8;
	[tilespmem:$0x1F800] =	vst v63  }
0x90: {  	_ =	swait.ge [sflag:s10], $0x2800  }
0x91: {  	s25 =	sshra.s32 s25, $0x2;
	[sflag:s10] =	ssyncset.done $0x0  }
0x92: {  	s26 =	sadd.s32 $0xF0, s25;
	[sflag:s10] =	ssyncadd.s32 $0xFFFFD800  }
0x93: {  	[tilespmem:s30], [sflag:$0x1] =	stream.indirect.gather [hbm4b:s4+s31], $0x80, s26, s31, $0xb8;
	[tilespmem:$0x1F800] =	vst v63  }
0x94: {  	_ =	swait.ge [sflag:s19], $0x2800  }
0x95: {  	[sflag:s19] =	ssyncset.done $0x0  }
.Ltmp1:
0x96: {  	s26 =	sadd.s32 $0x140, s25;
	[sflag:s19] =	ssyncadd.s32 $0xFFFFD800;
	(pc) =	sbr.rel @p6 .LBB2_4-.Ltmp1, $4  }
0x97: {  	[tilespmem:s0], [sflag:$0x2] =	stream.indirect.gather [hbm4b:s4+s31], $0x80, s26, s31, $0xb8;
	[tilespmem:$0x1F800] =	vst v63  }
0x98: {  	_ =	swait.ge [sflag:s20], $0x2800  }
0x99: {  	[sflag:s20] =	ssyncset.done $0x0  }
0x9a: {  	s24 =	sadd.s32 $0x180, s24;
	s25 =	sadd.s32 $0x190, s25;
	[sflag:s20] =	ssyncadd.s32 $0xFFFFD800  }
0x9b: {  	[tilespmem:s2], [sflag:$0x3] =	stream.indirect.gather [hbm4b:s4+s31], $0x80, s25, s31, $0xb8;
	[tilespmem:$0x1F800] =	vst v63  }
0x9c: {  	s23 =	simm.s32 $0x0;
	s24 =	rddreg [dreg:$0x5]  }
0x9d: {  	[tilespmem:s29], [sflag:$0x7] =	stream.linear.gather [hbm4b:s24+s23], $0x1F00, $0x38;
	[tilespmem:$0x1F800] =	vst v63  }
0x9e: {  	_ =	swait.ge [sflag:s28], $0x1F00  }
0x9f: {  	[sflag:s28] =	ssyncset.done $0x0  }
0xa0: {  	[sflag:s28] =	ssyncadd.s32 $0xFFFFE100  }
0xa1: {  	_ =	swait.ge [sflag:s6], $0x2800  }
0xa2: {  	[sflag:s6] =	ssyncset.done $0x0  }
0xa3: {  	s29 =	simm.s32 $0x2780;
	[sflag:s6] =	ssyncadd.s32 $0xFFFFD800  }
0xa4: {  	[spmem:s1] =	stream.indirect.scatter.add.f32 [tilespmem:s30], [sflag:$0x4], $0x80, s29, s31, $0xb8;
	[tilespmem:$0x1F800] =	vst v63  }
0xa5: {  	_ =	swait.ge [sflag:s7], $0x2800  }
0xa6: {  	[sflag:s7] =	ssyncset.done $0x0  }
0xa7: {  	s24 =	simm.s32 $0x2800;
	[sflag:s7] =	ssyncadd.s32 $0xFFFFD800  }
0xa8: {  	[spmem:s1] =	stream.indirect.scatter.add.f32 [tilespmem:s0], [sflag:$0x5], $0x80, s24, s31, $0xb8;
	[tilespmem:$0x1F800] =	vst v63  }
0xa9: {  	_ =	swait.ge [sflag:s8], $0x2800  }
0xaa: {  	[sflag:s8] =	ssyncset.done $0x0  }
0xab: {  	s25 =	simm.s32 $0x2880;
	[sflag:s8] =	ssyncadd.s32 $0xFFFFD800  }
0xac: {  	[spmem:s1] =	stream.indirect.scatter.add.f32 [tilespmem:s2], [sflag:$0x6], $0x80, s25, s31, $0xb8;
	[tilespmem:$0x1F800] =	vst v63  }
0xad: {  	_ =	swait.ge [sflag:s10], $0x2800  }
0xae: {  	[sflag:s10] =	ssyncset.done $0x0  }
0xaf: {  	s26 =	simm.s32 $0x14A0;
	[sflag:s10] =	ssyncadd.s32 $0xFFFFD800  }
0xb0: {  	[tilespmem:s30], [sflag:$0x1] =	stream.indirect.gather [hbm4b:s4+s31], $0x80, s26, s31, $0xb8;
	[tilespmem:$0x1F800] =	vst v63  }
0xb1: {  	_ =	swait.ge [sflag:s19], $0x2800  }
0xb2: {  	[sflag:s19] =	ssyncset.done $0x0  }
0xb3: {  	s29 =	simm.s32 $0x14F0;
	[sflag:s19] =	ssyncadd.s32 $0xFFFFD800  }
0xb4: {  	[tilespmem:s0], [sflag:$0x2] =	stream.indirect.gather [hbm4b:s4+s31], $0x80, s29, s31, $0xb8;
	[tilespmem:$0x1F800] =	vst v63  }
0xb5: {  	_ =	swait.ge [sflag:s20], $0x2800  }
0xb6: {  	s23 =	simm.s32 $0x1540;
	[sflag:s20] =	ssyncset.done $0x0  }
0xb7: {  	s24 =	simm.s32 $0x600;
	s25 =	simm.s32 $0x1630;
	[sflag:s20] =	ssyncadd.s32 $0xFFFFD800  }
.LBB2_6:
0xb8: {  	[tilespmem:s2], [sflag:$0x3] =	stream.indirect.gather [hbm4b:s4+s31], $0x80, s23, s31, $0xb8;
	[tilespmem:$0x1F800] =	vst v63  }
0xb9: {  	s26 =	smov.u32 s24;
	s23 =	smov.u32 s25  }
0xba: {  	p6 =	sne.s32 s24, $0x6C00;
	s24 =	sadd.s32 $0x600, s24;
	_ =	swait.ge [sflag:s6], $0x2800  }
0xbb: {  	s26 =	sshra.s32 s26, $0x2;
	[sflag:s6] =	ssyncset.done $0x0  }
0xbc: {  	s29 =	sadd.s32 $0x2780, s26;
	[sflag:s6] =	ssyncadd.s32 $0xFFFFD800  }
0xbd: {  	[spmem:s1] =	stream.indirect.scatter.add.f32 [tilespmem:s30], [sflag:$0x4], $0x80, s29, s31, $0xb8;
	[tilespmem:$0x1F800] =	vst v63  }
0xbe: {  	_ =	swait.ge [sflag:s7], $0x2800  }
0xbf: {  	[sflag:s7] =	ssyncset.done $0x0  }
0xc0: {  	s29 =	sadd.s32 $0x2800, s26;
	[sflag:s7] =	ssyncadd.s32 $0xFFFFD800  }
0xc1: {  	[spmem:s1] =	stream.indirect.scatter.add.f32 [tilespmem:s0], [sflag:$0x5], $0x80, s29, s31, $0xb8;
	[tilespmem:$0x1F800] =	vst v63  }
0xc2: {  	_ =	swait.ge [sflag:s8], $0x2800  }
0xc3: {  	[sflag:s8] =	ssyncset.done $0x0  }
0xc4: {  	s26 =	sadd.s32 $0x2880, s26;
	[sflag:s8] =	ssyncadd.s32 $0xFFFFD800  }
0xc5: {  	[spmem:s1] =	stream.indirect.scatter.add.f32 [tilespmem:s2], [sflag:$0x6], $0x80, s26, s31, $0xb8;
	[tilespmem:$0x1F800] =	vst v63  }
0xc6: {  	_ =	swait.ge [sflag:s10], $0x2800  }
0xc7: {  	[sflag:s10] =	ssyncset.done $0x0  }
0xc8: {  	s26 =	sadd.s32 $0xFFFFFF60, s25;
	[sflag:s10] =	ssyncadd.s32 $0xFFFFD800  }
0xc9: {  	[tilespmem:s30], [sflag:$0x1] =	stream.indirect.gather [hbm4b:s4+s31], $0x80, s26, s31, $0xb8;
	[tilespmem:$0x1F800] =	vst v63  }
0xca: {  	_ =	swait.ge [sflag:s19], $0x2800  }
0xcb: {  	[sflag:s19] =	ssyncset.done $0x0  }
.Ltmp2:
0xcc: {  	s26 =	sadd.s32 $0xFFFFFFB0, s25;
	[sflag:s19] =	ssyncadd.s32 $0xFFFFD800;
	(pc) =	sbr.rel @p6 .LBB2_6-.Ltmp2, $4  }
0xcd: {  	[tilespmem:s0], [sflag:$0x2] =	stream.indirect.gather [hbm4b:s4+s31], $0x80, s26, s31, $0xb8;
	[tilespmem:$0x1F800] =	vst v63  }
0xce: {  	_ =	swait.ge [sflag:s20], $0x2800  }
0xcf: {  	[sflag:s20] =	ssyncset.done $0x0  }
0xd0: {  	s25 =	sadd.s32 $0xF0, s25;
	[sflag:s20] =	ssyncadd.s32 $0xFFFFD800  }
0xd1: {  	[tilespmem:s2], [sflag:$0x3] =	stream.indirect.gather [hbm4b:s4+s31], $0x80, s23, s31, $0xb8;
	[tilespmem:$0x1F800] =	vst v63  }
0xd2: {  	_ =	swait.ge [sflag:s6], $0x2800  }
0xd3: {  	[sflag:s6] =	ssyncset.done $0x0  }
0xd4: {  	s26 =	simm.s32 $0x4400;
	[sflag:s6] =	ssyncadd.s32 $0xFFFFD800  }
0xd5: {  	[spmem:s1] =	stream.indirect.scatter.add.f32 [tilespmem:s30], [sflag:$0x4], $0x80, s26, s31, $0xb8;
	[tilespmem:$0x1F800] =	vst v63  }
0xd6: {  	_ =	swait.ge [sflag:s7], $0x2800  }
0xd7: {  	[sflag:s7] =	ssyncset.done $0x0  }
0xd8: {  	s24 =	simm.s32 $0x4480;
	[sflag:s7] =	ssyncadd.s32 $0xFFFFD800  }
0xd9: {  	[spmem:s1] =	stream.indirect.scatter.add.f32 [tilespmem:s0], [sflag:$0x5], $0x80, s24, s31, $0xb8;
	[tilespmem:$0x1F800] =	vst v63  }
0xda: {  	_ =	swait.ge [sflag:s8], $0x2800  }
0xdb: {  	[sflag:s8] =	ssyncset.done $0x0  }
0xdc: {  	s25 =	simm.s32 $0x4500;
	[sflag:s8] =	ssyncadd.s32 $0xFFFFD800  }
0xdd: {  	[spmem:s1] =	stream.indirect.scatter.add.f32 [tilespmem:s2], [sflag:$0x6], $0x80, s25, s31, $0xb8;
	[tilespmem:$0x1F800] =	vst v63  }
0xde: {  	_ =	swait.ge [sflag:s10], $0x2800  }
0xdf: {  	[sflag:s10] =	ssyncset.done $0x0  }
0xe0: {  	s26 =	simm.s32 $0x2670;
	[sflag:s10] =	ssyncadd.s32 $0xFFFFD800  }
0xe1: {  	[tilespmem:s30], [sflag:$0x1] =	stream.indirect.gather [hbm4b:s4+s31], $0x80, s26, s31, $0xb8;
	[tilespmem:$0x1F800] =	vst v63  }
0xe2: {  	_ =	swait.ge [sflag:s19], $0x2800  }
0xe3: {  	[sflag:s19] =	ssyncset.done $0x0  }
0xe4: {  	s24 =	simm.s32 $0x26C0;
	[sflag:s19] =	ssyncadd.s32 $0xFFFFD800  }
0xe5: {  	[tilespmem:s0], [sflag:$0x2] =	stream.indirect.gather [hbm4b:s4+s31], $0x80, s24, s31, $0xb8;
	[tilespmem:$0x1F800] =	vst v63  }
0xe6: {  	_ =	swait.ge [sflag:s20], $0x2800  }
0xe7: {  	[sflag:s20] =	ssyncset.done $0x0  }
0xe8: {  	[sflag:s20] =	ssyncadd.s32 $0xFFFFD800  }
0xe9: {  	_ =	swait.ge [sflag:s6], $0x2800  }
0xea: {  	[sflag:s6] =	ssyncset.done $0x0  }
0xeb: {  	s25 =	simm.s32 $0x4580;
	[sflag:s6] =	ssyncadd.s32 $0xFFFFD800  }
0xec: {  	[spmem:s1] =	stream.indirect.scatter.add.f32 [tilespmem:s30], [sflag:$0x4], $0x80, s25, s31, $0xb8;
	[tilespmem:$0x1F800] =	vst v63  }
0xed: {  	_ =	swait.ge [sflag:s10], $0x2800  }
0xee: {  	[sflag:s10] =	ssyncset.done $0x0  }
0xef: {  	[sflag:s10] =	ssyncadd.s32 $0xFFFFD800  }
0xf0: {  	_ =	swait.ge [sflag:s7], $0x2800  }
0xf1: {  	[sflag:s7] =	ssyncset.done $0x0  }
0xf2: {  	s26 =	simm.s32 $0x4600;
	[sflag:s7] =	ssyncadd.s32 $0xFFFFD800  }
0xf3: {  	[spmem:s1] =	stream.indirect.scatter.add.f32 [tilespmem:s0], [sflag:$0x5], $0x80, s26, s31, $0xb8;
	[tilespmem:$0x1F800] =	vst v63  }
0xf4: {  	_ =	swait.ge [sflag:s19], $0x2800  }
0xf5: {  	[sflag:s19] =	ssyncset.done $0x0  }
0xf6: {  	[sflag:s19] =	ssyncadd.s32 $0xFFFFD800  }
0xf7: {  	[bflag:$0x0] =	sbarrier.arrive $0xFFFF  }
0xf8: {  	[tilespmem:s30], [sflag:$0x8] =	stream.linear.gather [spmem:s11], $0x2800, $0x38;
	[tilespmem:$0x1F800] =	vst v63  }
0xf9: {  	_ =	swait.ge [sflag:s21], $0x2800  }
0xfa: {  	[sflag:s21] =	ssyncset.done $0x0  }
0xfb: {  	s24 =	rddreg [dreg:$0x9];
	[sflag:s21] =	ssyncadd.s32 $0xFFFFD800  }
0xfc: {  	[hbm4b:s24+s3] =	stream.linear.scatter [tilespmem:s30], [sflag:$0x7], $0x2800, $0x38;
	[tilespmem:$0x1F800] =	vst v63  }
0xfd: {  	_ =	swait.ge [sflag:s28], $0x2800  }
0xfe: {  	[sflag:s28] =	ssyncset.done $0x0  }
0xff: {  	[sflag:s28] =	ssyncadd.s32 $0xFFFFD800  }
0x100: {  	[tilespmem:s30], [sflag:$0x8] =	stream.linear.gather [spmem:s12], $0x2800, $0x38;
	[tilespmem:$0x1F800] =	vst v63  }
0x101: {  	_ =	swait.ge [sflag:s21], $0x2800  }
0x102: {  	[sflag:s21] =	ssyncset.done $0x0  }
0x103: {  	s25 =	rddreg [dreg:$0xa];
	[sflag:s21] =	ssyncadd.s32 $0xFFFFD800  }
0x104: {  	[hbm4b:s25+s3] =	stream.linear.scatter [tilespmem:s30], [sflag:$0x7], $0x2800, $0x38;
	[tilespmem:$0x1F800] =	vst v63  }
0x105: {  	_ =	swait.ge [sflag:s28], $0x2800  }
0x106: {  	[sflag:s28] =	ssyncset.done $0x0  }
0x107: {  	[sflag:s28] =	ssyncadd.s32 $0xFFFFD800  }
0x108: {  	[tilespmem:s30], [sflag:$0x8] =	stream.linear.gather [spmem:s13], $0x2800, $0x38;
	[tilespmem:$0x1F800] =	vst v63  }
0x109: {  	_ =	swait.ge [sflag:s21], $0x2800  }
0x10a: {  	[sflag:s21] =	ssyncset.done $0x0  }
0x10b: {  	s26 =	rddreg [dreg:$0xb];
	[sflag:s21] =	ssyncadd.s32 $0xFFFFD800  }
0x10c: {  	[hbm4b:s26+s3] =	stream.linear.scatter [tilespmem:s30], [sflag:$0x7], $0x2800, $0x38;
	[tilespmem:$0x1F800] =	vst v63  }
0x10d: {  	_ =	swait.ge [sflag:s28], $0x2800  }
0x10e: {  	[sflag:s28] =	ssyncset.done $0x0  }
0x10f: {  	[sflag:s28] =	ssyncadd.s32 $0xFFFFD800  }
0x110: {  	[tilespmem:s30], [sflag:$0x8] =	stream.linear.gather [spmem:s16], $0x2800, $0x38;
	[tilespmem:$0x1F800] =	vst v63  }
0x111: {  	_ =	swait.ge [sflag:s21], $0x2800  }
0x112: {  	[sflag:s21] =	ssyncset.done $0x0  }
0x113: {  	s24 =	rddreg [dreg:$0xc];
	[sflag:s21] =	ssyncadd.s32 $0xFFFFD800  }
0x114: {  	[hbm4b:s24+s3] =	stream.linear.scatter [tilespmem:s30], [sflag:$0x7], $0x2800, $0x38;
	[tilespmem:$0x1F800] =	vst v63  }
0x115: {  	_ =	swait.ge [sflag:s28], $0x2800  }
0x116: {  	[sflag:s28] =	ssyncset.done $0x0  }
0x117: {  	[sflag:s28] =	ssyncadd.s32 $0xFFFFD800  }
0x118: {  	[tilespmem:s30], [sflag:$0x8] =	stream.linear.gather [spmem:s17], $0x2800, $0x38;
	[tilespmem:$0x1F800] =	vst v63  }
0x119: {  	_ =	swait.ge [sflag:s21], $0x2800  }
0x11a: {  	[sflag:s21] =	ssyncset.done $0x0  }
0x11b: {  	s25 =	rddreg [dreg:$0xd];
	[sflag:s21] =	ssyncadd.s32 $0xFFFFD800  }
0x11c: {  	[hbm4b:s25+s3] =	stream.linear.scatter [tilespmem:s30], [sflag:$0x7], $0x2800, $0x38;
	[tilespmem:$0x1F800] =	vst v63  }
0x11d: {  	_ =	swait.ge [sflag:s28], $0x2800  }
0x11e: {  	[sflag:s28] =	ssyncset.done $0x0  }
0x11f: {  	s23 =	simm.s32 @!p0 $0x4780;
	s24 =	simm.s32 @!p0 $0x8;
	[sflag:s28] =	ssyncadd.s32 $0xFFFFD800  }
0x120: {  	[tilespmem:s23], [sflag:$0x8] =	stream.linear.gather @!p0 [spmem:s18], $0x2800, $0x38;
	[tilespmem:$0x1F800] =	vst v63  }
0x121: {  	_ =	swait.ge @!p0 [sflag:s24], $0x2800  }
0x122: {  	[sflag:s24] =	ssyncset.done @!p0 $0x0  }
0x123: {  	s25 =	rddreg [dreg:$0xe];
	[sflag:s24] =	ssyncadd.s32 @!p0 $0xFFFFD800;
	s24 =	simm.s32 @!p0 $0x0  }
0x124: {  	[hbm4b:s25+s24] =	stream.linear.scatter @!p0 [tilespmem:s23], [sflag:$0x7], $0x2800, $0x38;
	[tilespmem:$0x1F800] =	vst v63  }
0x125: {  	s23 =	simm.s32 @!p0 $0x7;
	s24 =	smul.u32 @p1 $0xA000, s14  }
0x126: {  	_ =	swait.ge @!p0 [sflag:s23], $0x2800  }
0x127: {  	[sflag:s23] =	ssyncset.done @!p0 $0x0;
	s24 =	sshrl.u32 @p1 s24, $0x2  }
0x128: {  	[sflag:s23] =	ssyncadd.s32 @!p0 $0xFFFFD800;
	s23 =	sadd.s32 @p1 s24, s1;
	s24 =	simm.s32 @p1 $0x4780  }
0x129: {  	[tilespmem:s24], [sflag:$0x8] =	stream.linear.gather @p1 [spmem:s23], $0x2800, $0x38;
	[tilespmem:$0x1F800] =	vst v63  }
0x12a: {  	s23 =	smul.u32 @p1 $0x2800, s14  }
0x12b: {  	s25 =	simm.s32 @p1 $0x8  }
0x12c: {  	_ =	swait.ge @p1 [sflag:s25], $0x2800;
	s23 =	sadd.s32 @p1 s9, s23  }
0x12d: {  	[sflag:s25] =	ssyncset.done @p1 $0x0;
	s23 =	sshrl.u32 @p1 s23, $0x3  }
0x12e: {  	[sflag:s25] =	ssyncadd.s32 @p1 $0xFFFFD800;
	s25 =	simm.s32 @p1 $0x0;
	s23 =	sadd.s32 @p1 s5, s23  }
0x12f: {  	[hbm4b:s23+s25] =	stream.linear.scatter @p1 [tilespmem:s24], [sflag:$0x7], $0x2800, $0x38;
	[tilespmem:$0x1F800] =	vst v63  }
0x130: {  	s23 =	simm.s32 @p1 $0x7;
	s24 =	smul.u32 @p5 $0xA000, s15  }
0x131: {  	_ =	swait.ge @p1 [sflag:s23], $0x2800  }
0x132: {  	[sflag:s23] =	ssyncset.done @p1 $0x0;
	s24 =	sshrl.u32 @p5 s24, $0x2  }
0x133: {  	[sflag:s23] =	ssyncadd.s32 @p1 $0xFFFFD800;
	s23 =	sadd.s32 @p5 s24, s1;
	s24 =	simm.s32 @p5 $0x4780  }
0x134: {  	[tilespmem:s24], [sflag:$0x8] =	stream.linear.gather @p5 [spmem:s23], $0x2800, $0x38;
	[tilespmem:$0x1F800] =	vst v63  }
0x135: {  	s23 =	smul.u32 @p5 $0x2800, s15  }
0x136: {  	s25 =	simm.s32 @p5 $0x8  }
0x137: {  	_ =	swait.ge @p5 [sflag:s25], $0x2800;
	s23 =	sadd.s32 @p5 s9, s23  }
0x138: {  	[sflag:s25] =	ssyncset.done @p5 $0x0;
	s23 =	sshrl.u32 @p5 s23, $0x3  }
0x139: {  	[sflag:s25] =	ssyncadd.s32 @p5 $0xFFFFD800;
	s25 =	simm.s32 @p5 $0x0;
	s23 =	sadd.s32 @p5 s5, s23  }
0x13a: {  	[hbm4b:s23+s25] =	stream.linear.scatter @p5 [tilespmem:s24], [sflag:$0x7], $0x2800, $0x38;
	[tilespmem:$0x1F800] =	vst v63  }
0x13b: {  	s23 =	simm.s32 @p5 $0x7  }
0x13c: {  	_ =	swait.ge @p5 [sflag:s23], $0x2800  }
0x13d: {  	s22 =	sadd.s32 $0x1, s22;
	s26 =	rddreg [dreg:$0x6]  }
0x13e: {  	p6 =	sne.s32 s22, s26  }
.Ltmp3:
0x13f: {  	_ = 	snop;
	(pc) =	sbr.rel @p6 .LBB2_1-.Ltmp3, $3  }
0x140: {  	_ =	sdelay $0x1  }
0x141: {  	[sflag:s23] =	ssyncset.done @p5 $0x0  }
0x142: {  	s29 =	simm.s32 $0x2780;
	[sflag:s23] =	ssyncadd.s32 @p5 $0xFFFFD800  }
0x143: {  	_ =	sfence.sel $0x180000  }
0x144: {  	[bflag:$0x0] =	sbarrier.arrive $0xFFFF  }
0x145: {  	_ =	strace $0x9000004A  }
0x146: {  	s0 =	stileid.u32;
	[bflag:$0x2] =	sbarrier.arrive $0xFFFF  }
0x147: {  	p0 =	sne.s32 s0, $0x0;
	s0 =	rddreg [dreg:$0x2]  }
0x148: {  	s0 =	sadd.s32 @!p0 $0x100000, s0  }
0x149: {  	[sflag:s0] =	ssyncadd.tile.s32 @!p0 $0x1;
	_ =	shalt  }
.Lfunc_end2:
_tile_overlayer_lowered:
.L_overlay_start_2:
0x14a: {  	(tag) =	ssettag $0x2  }
0x14b: {  	s0 =	rddreg [dreg:$0x0];
	s2 =	stileid.u32  }
0x14c: {  	s1 =	rddreg [dreg:$0x1];
	p0 =	sne.s32 s2, $0x0  }
0x14d: {  	s3 =	rddreg [dreg:$0x2];
	[bflag:$0x3] =	sbarrier.arrive $0xFFFF;
	s2 =	simm.s32 @!p0 $0x1C07  }
0x14e: {  	[timem:s3], [sflag:s2] =	dma.local @!p0 [hbm:s0], s1  }
0x14f: {  	s0 =	simm.s32 @!p0 $0x7  }
0x150: {  	_ =	swait.ge @!p0 [sflag:s0], s1  }
0x151: {  	s1 =	ssub.s32 @!p0 $0x0, s1;
	[sflag:s0] =	ssyncset.done @!p0 $0x0  }
0x152: {  	[sflag:s0] =	ssyncadd.s32 @!p0 s1  }
0x153: {  	[bflag:$0x3] =	sbarrier.arrive $0xFFFF  }
0x154: {  	_ =	shalt  }

// kernel: kernel.14.cloned.1.call-start
scs
__scs_entry_jumppad:
0x0: {  	(pc) =	sbr.rel $0x88, $3  }
0x1: {  	(tag) =	ssettag $0x0;
	lr =	simm.s32 $0x1  }
0x2: {  	[smem:$0x3F9A] =	sst lr;
	_ =	strace $0xD0000000  }
0x3: {  	_ = 	snop  }
0x4: {  	_ = 	snop  }
0x5: {  	_ = 	snop  }
0x6: {  	_ = 	snop  }
0x7: {  	_ = 	snop  }
__scs_overlays_trampoline_lowered:
0x8: {  	[smem:$0x3FA9] =	sst s0  }
0x9: {  	[smem:$0x3FAA] =	sst s1  }
0xa: {  	[smem:$0x3FAB] =	sst s2  }
0xb: {  	[smem:$0x3FAC] =	sst s3  }
0xc: {  	[smem:$0x3FAD] =	sst s4  }
0xd: {  	[smem:$0x3FAE] =	sst s5  }
0xe: {  	[smem:$0x3FAF] =	sst s6  }
0xf: {  	[smem:$0x3FB0] =	sst s7  }
0x10: {  	[smem:$0x3FB1] =	sst s8  }
0x11: {  	[smem:$0x3FB2] =	sst s9;
	s0 =	simm.s32 @!p0 $0x0  }
0x12: {  	s1 =	sld [smem:$0x3F98];
	s0 =	simm.s32 @p0 $0x1  }
0x13: {  	[smem:$0x3FB3] =	sst s0;
	s0 =	simm.s32 @!p1 $0x0  }
0x14: {  	s2 =	sld [smem:$0x3F97];
	s0 =	simm.s32 @p1 $0x1  }
0x15: {  	[smem:$0x3FB4] =	sst s0;
	s0 =	simm.s32 @!p2 $0x0  }
0x16: {  	s3 =	sld [smem:$0x3FDB];
	s0 =	simm.s32 @p2 $0x1  }
0x17: {  	s4 =	simm.s32 $0x1BF5;
	[smem:$0x3FB6] =	sst s0  }
0x18: {  	s0 =	sld [smem:$0x3F99];
	_ =	swait.ge [sflag:s4], $0x0  }
0x19: {  	s7 =	sld [smem:$0x3F9A]  }
0x1a: {  	s8 =	sadd.s32 $0xFFFFE003, lr  }
0x1b: {  	s9 =	sadd.s32 $0xFFFFFEF7, lr;
	s5 =	simm.s32 $0xFFFFFFFF;
	p2 =	slt.u32 s8, $0xFFFFF086  }
0x1c: {  	p1 =	slt.u32 s9, $0xF7A;
	s5 =	simm.s32 @!p2 $0x0  }
0x1d: {  	s5 =	simm.s32 @p1 $0x1;
	p0 =	seq.s32 s7, s2  }
0x1e: {  	s7 =	smul.u32 @!p0 $0xF7A, s2;
	p2 =	seq.s32 @!p0 s5, $0x0  }
0x1f: {  	s9 =	smul.u32 $0xF7A, s1;
	s8 =	simm.s32 @!p0 $0x1BF5;
	p2 =	por !p2, p0  }
0x20: {  	[sflag:s8] =	ssyncset.s32 @!p0 $0xFFFFF086;
	s6 =	sadd.s32 @!p0 s3, s7;
	s7 =	simm.s32 @!p0 $0x108  }
0x21: {  	s3 =	sadd.s32 s3, s9;
	s6 =	sadd.s32 @!p0 $0x88, s6;
	s7 =	simm.s32 @p2 $0x1082  }
0x22: {  	[simem:s7], [sflag:s8] =	dma.local @!p0 [hbm:s6], $0xF7A  }
0x23: {  	s9 =	sor.u32 $0xD0000000, s2;
	s6 =	simm.s32 $0x108;
	_ =	swait.ge @!p0 [sflag:s8], $0x0  }
0x24: {  	s3 =	sadd.s32 $0x88, s3;
	s6 =	simm.s32 @!p1 $0x1082;
	[sflag:s4] =	ssyncset.s32 $0xFFFFF086  }
0x25: {  	[simem:s6], [sflag:s4] =	dma.local [hbm:s3], $0xF7A  }
0x26: {  	[smem:$0x3F9A] =	sst s1;
	(tag) =	ssettag s2;
	_ =	strace s9  }
0x27: {  	s1 =	sld [smem:$0x3FAA]  }
0x28: {  	s2 =	sld [smem:$0x3FAB]  }
0x29: {  	s4 =	sld [smem:$0x3FAD]  }
0x2a: {  	p0 =	seq.s32 s5, $0x0;
	s5 =	sld [smem:$0x3FAE]  }
0x2b: {  	s6 =	sld [smem:$0x3FAF]  }
0x2c: {  	s7 =	sld [smem:$0x3FB0]  }
0x2d: {  	s3 =	simm.s32 $0x108;
	s8 =	sld [smem:$0x3FB1]  }
0x2e: {  	s3 =	simm.s32 @!p0 $0x1082;
	s9 =	sld [smem:$0x3FB2]  }
0x2f: {  	lr =	sadd.s32 s0, s3;
	s0 =	sld [smem:$0x3FA9]  }
0x30: {  	s3 =	sld [smem:$0x3FAC]  }
0x31: {  	[smem:$0x3FB5] =	sst s10  }
0x32: {  	s10 =	sld [smem:$0x3FB3];
	_ =	sdelay $0x3  }
0x33: {  	p0 =	seq.s32 s10, $0x1;
	s10 =	sld [smem:$0x3FB5];
	_ =	sdelay $0x3  }
0x34: {  	[smem:$0x3FB5] =	sst s10  }
0x35: {  	s10 =	sld [smem:$0x3FB4];
	_ =	sdelay $0x3  }
0x36: {  	p1 =	seq.s32 s10, $0x1;
	s10 =	sld [smem:$0x3FB5];
	_ =	sdelay $0x3  }
0x37: {  	[smem:$0x3FB5] =	sst s10  }
0x38: {  	s10 =	sld [smem:$0x3FB6]  }
0x39: {  	_ = 	snop;
	(pc) =	sbr.ind lr, $3  }
0x3a: {  	_ = 	snop  }
0x3b: {  	_ = 	snop  }
0x3c: {  	p2 =	seq.s32 s10, $0x1;
	s10 =	sld [smem:$0x3FB5]  }
0x3d: {  	_ =	shalt  }
0x3e: {  	_ =	shalt  }
0x3f: {  	_ =	shalt  }
0x40: {  	_ =	shalt  }
0x41: {  	_ =	shalt  }
0x42: {  	_ =	shalt  }
0x43: {  	_ =	shalt  }
0x44: {  	_ =	shalt  }
0x45: {  	_ =	shalt  }
0x46: {  	_ =	shalt  }
0x47: {  	_ =	shalt  }
0x48: {  	_ =	shalt  }
0x49: {  	_ =	shalt  }
0x4a: {  	_ =	shalt  }
0x4b: {  	_ =	shalt  }
0x4c: {  	_ =	shalt  }
0x4d: {  	_ =	shalt  }
0x4e: {  	_ =	shalt  }
0x4f: {  	_ =	shalt  }
0x50: {  	_ =	shalt  }
0x51: {  	_ =	shalt  }
0x52: {  	_ =	shalt  }
0x53: {  	_ =	shalt  }
0x54: {  	_ =	shalt  }
0x55: {  	_ =	shalt  }
0x56: {  	_ =	shalt  }
0x57: {  	_ =	shalt  }
0x58: {  	_ =	shalt  }
0x59: {  	_ =	shalt  }
0x5a: {  	_ =	shalt  }
0x5b: {  	_ =	shalt  }
0x5c: {  	_ =	shalt  }
0x5d: {  	_ =	shalt  }
0x5e: {  	_ =	shalt  }
0x5f: {  	_ =	shalt  }
0x60: {  	_ =	shalt  }
0x61: {  	_ =	shalt  }
0x62: {  	_ =	shalt  }
0x63: {  	_ =	shalt  }
0x64: {  	_ =	shalt  }
0x65: {  	_ =	shalt  }
0x66: {  	_ =	shalt  }
0x67: {  	_ =	shalt  }
0x68: {  	_ =	shalt  }
0x69: {  	_ =	shalt  }
0x6a: {  	_ =	shalt  }
0x6b: {  	_ =	shalt  }
0x6c: {  	_ =	shalt  }
0x6d: {  	_ =	shalt  }
0x6e: {  	_ =	shalt  }
0x6f: {  	_ =	shalt  }
0x70: {  	_ =	shalt  }
0x71: {  	_ =	shalt  }
0x72: {  	_ =	shalt  }
0x73: {  	_ =	shalt  }
0x74: {  	_ =	shalt  }
0x75: {  	_ =	shalt  }
0x76: {  	_ =	shalt  }
0x77: {  	_ =	shalt  }
0x78: {  	_ =	shalt  }
0x79: {  	_ =	shalt  }
0x7a: {  	_ =	shalt  }
0x7b: {  	_ =	shalt  }
0x7c: {  	_ =	shalt  }
0x7d: {  	_ =	shalt  }
0x7e: {  	_ =	shalt  }
0x7f: {  	_ =	shalt  }
0x80: {  	_ =	shalt  }
0x81: {  	_ =	shalt  }
0x82: {  	_ =	shalt  }
0x83: {  	_ =	shalt  }
0x84: {  	_ =	shalt  }
0x85: {  	_ =	shalt  }
0x86: {  	_ =	shalt  }
0x87: {  	_ =	shalt  }
.Lfunc_end0:
.L_simem_size_0:
called_computation.2_lowered:
.L_overlay_start_0:
0x88: {  	s2 =	sld [smem:$0x3FD9]  }
0x89: {  	s3 =	sld [smem:$0x3FFE];
	_ =	sdelay $0x1  }
0x8a: {  	s1 =	srdreg.scid  }
0x8b: {  	s0 =	sand.u32 $0x1, s1  }
0x8c: {  	s16 =	sshll.u32 s0, $0xA;
	s2 =	sadd.s32 s3, s2  }
0x8d: {  	s2 =	sadd.s32 s2, s16  }
0x8e: {  	[smem:$0x3FC1] =	sst s2  }
0x8f: {  	_ = 	snop  }
0x90: {  	(tm) =	ssettm $0x1  }
0x91: {  	s17 =	sld [smem:$0x3FFB];
	_ =	sdelay $0x3  }
0x92: {  	_ =	strace s17  }
0x93: {  	s2 =	sld [smem:$0x3FFC];
	_ =	sdelay $0x3  }
0x94: {  	_ =	strace s2  }
0x95: {  	s2 =	sld [smem:$0x3FFD];
	_ =	sdelay $0x3  }
0x96: {  	_ =	strace s2  }
0x97: {  	_ =	strace $0x8FFFFFFF  }
0x98: {  	s18 =	sld [smem:$0x3FDB];
	_ =	sdelay $0x1  }
0x99: {  	s19 =	simm.s32 $_scs_section_size  }
0x9a: {  	s4 =	simm.s32 $_size__tile_overlayer_lowered;
	s5 =	simm.s32 $_tile_overlayer_lowered  }
0x9b: {  	s22 =	simm.s32 $0x1BFF;
	s21 =	sshll.u32 s5, $0x1;
	s2 =	sadd.s32 s19, s18  }
0x9c: {  	s6 =	simm.s32 $0x0;
	s20 =	sshll.u32 s4, $0x1;
	s4 =	sadd.s32 s21, s2  }
0x9d: {  	[timem:s6], [sflag:s22] =	dma.local [hbm:s4], s20  }
0x9e: {  	_ =	swait.ge [sflag:s22], s20  }
0x9f: {  	s3 =	ssub.s32 $0x0, s20;
	[sflag:s22] =	ssyncset.done $0x0  }
0xa0: {  	[sflag:s22] =	ssyncadd.s32 s3;
	_ =	sdelay $0x1  }
0xa1: {  	s23 =	simm.s32 $0x1B8B  }
0xa2: {  	_ =	swait.ge [sflag:s23], $0x1  }
0xa3: {  	[sflag:s23] =	ssyncset.done $0x0  }
0xa4: {  	s25 =	simm.s32 $0x1B8E;
	s24 =	sld [smem:$0x3FFE];
	[sflag:s23] =	ssyncadd.s32 $0xFFFFFFFF  }
0xa5: {  	s26 =	simm.s32 $execute0_lowered;
	[smem:$0x3FD2] =	sst s25  }
0xa6: {  	s4 =	sshll.u32 s26, $0x1;
	_ =	strace $0x8000004C;
	[dreg:$0x1] =	wrdreg $0xFFFFFFFF  }
0xa7: {  	s28 =	simm.s32 $_size_execute0_lowered;
	s2 =	sadd.s32 s2, s4;
	[dreg:$0x0] =	wrdreg $0x0  }
0xa8: {  	s4 =	sshll.u32 s28, $0x1;
	[dreg:$0x2] =	wrdreg s2  }
0xa9: {  	[dreg:$0x3] =	wrdreg s4  }
0xaa: {  	[dreg:$0x4] =	wrdreg $0xC0  }
0xab: {  	_ =	task [dreg:s6], $0x5FFFF  }
0xac: {  	[dreg:$0x1] =	wrdreg $0xFFFFFFFF  }
0xad: {  	[dreg:$0x0] =	wrdreg $0x60  }
0xae: {  	[dreg:$0x2] =	wrdreg s24  }
0xaf: {  	[dreg:$0x3] =	wrdreg $0xBF800  }
0xb0: {  	[dreg:$0x4] =	wrdreg $0x9  }
0xb1: {  	_ =	task.clear_ibuf [dreg:s6], $0x5FFFF;
	_ =	strace $0x9000004C  }
0xb2: {  	s29 =	simm.s32 $0x9;
	_ =	strace $0x8000004E  }
0xb3: {  	_ =	swait.ge [sflag:s29], $0x1  }
0xb4: {  	[sflag:s29] =	ssyncadd.s32 $0xFFFFFFFF  }
0xb5: {  	_ =	strace $0x9000004E  }
0xb6: {  	_ =	sfence  }
0xb7: {  	s30 =	sld [smem:$0x0];
	_ =	sdelay $0x2  }
0xb8: {  	s31 =	sshll.u32 s1, $0xD;
	s1 =	sshrl.u32 s1, $0x2  }
0xb9: {  	s3 =	sand.u32 $0x4000, s31;
	s1 =	sadd.s32 s1, s30  }
0xba: {  	s0 =	sor.u32 s3, s0;
	s1 =	sshll.u32 s1, $0x11  }
0xbb: {  	s0 =	sor.u32 s1, s0  }
0xbc: {  	s0 =	sadd.s32 $0x8F2B, s0  }
0xbd: {  	[sflag:s0] =	ssyncadd.remote.s32 $0x1  }
0xbe: {  	_ =	sfence.sel $0xFFFF  }
0xbf: {  	[dreg:$0x0] =	wrdreg $0xFFFFFFFF;
	(pc) =	sbr.abs _section_cstart, $3  }
0xc0: {  	[dreg:$0x1] =	wrdreg $0xFFFFFFFF  }
0xc1: {  	_ =	task.clear_ibuf [dreg:s6], $0x2FFFF;
	_ =	strace $0x9FFFFFFF  }
0xc2: {  	(tm) =	ssettm $0x7FFFFFFF  }
0xc3: {  	_ =	shalt  }
tec
execute0_lowered:
.L_overlay_start_1:
0x0: {  	(tag) =	ssettag $0x1  }
0x1: {  	s0 =	rddreg [dreg:$0x0]  }
0x2: {  	s1 =	rddreg [dreg:$0x1];
	s2 =	srdreg.scid  }
0x3: {  	s3 =	simm.s32 $0x0;
	s22 =	stileid.u32;
	p1 =	por $0x0, $0x0  }
0x4: {  	s28 =	simm.s32 $0x7;
	s29 =	simm.s32 $0x2780;
	s30 =	simm.s32 $0x4780  }
0x5: {  	s31 =	simm.s32 $0x50;
	s2 =	sand.u32 $0x1, s2;
	[smem:$0x7FF] =	sst s3  }
0x6: {  	s26 =	sshll.u32 s22, $0x3;
	s11 =	smul.u32 $0x50000, s22;
	p0 =	seq.s32 s22, $0xF  }
0x7: {  	s4 =	sshll.u32 s2, $0x4;
	_ =	strace $0x8000004D;
	s10 =	sor.u32 $0x1, s26  }
0x8: {  	s7 =	ssub.s32 $0x2, s2;
	s19 =	sor.u32 $0x4, s26;
	s13 =	smul.u32 $0xA000, s10  }
0x9: {  	s20 =	sor.u32 $0x5, s26;
	s5 =	sor.u32 s22, s4;
	s21 =	smul.u32 $0xA000, s19  }
0xa: {  	s4 =	sadd.s32 $0x2D000, s0;
	s9 =	sshrl.u32 s7, $0x1;
	s19 =	smul.u32 $0x2800, s19  }
0xb: {  	s14 =	sshrl.u32 s11, $0x2;
	s6 =	smul.u32 $0x4E2, s5;
	s5 =	sshll.u32 s5, $0xA  }
0xc: {  	s25 =	ssub.s32 s7, s9;
	s9 =	smul.u32 $0x138800, s2;
	s2 =	sor.u32 $0x3, s26  }
0xd: {  	s11 =	sadd.s32 s14, s1;
	s14 =	sor.u32 $0x6, s26;
	s18 =	smul.u32 $0xA000, s2  }
0xe: {  	s8 =	sadd.s32 s5, s0;
	s5 =	sadd.s32 $0x54200, s0;
	s7 =	smul.u32 $0xA000, s14  }
0xf: {  	s15 =	sshrl.u32 s13, $0x2;
	p5 =	slt.u32 s14, $0x7D;
	s2 =	smul.u32 $0x2800, s2  }
0x10: {  	p2 =	sgt.u32 @!p0 s14, $0x7C;
	s14 =	simm.s32 @p0 $0x7E;
	s6 =	sadd.s32 s6, s0  }
0x11: {  	s12 =	sadd.s32 $0x1D000, s8;
	s8 =	sadd.s32 $0x25000, s8;
	s0 =	smax.u32 s25, $0x1  }
0x12: {  	p2 =	por p2, p0;
	p1 =	por @!p0 p5, p5;
	[dreg:$0x4] =	wrdreg s12  }
0x13: {  	[dreg:$0x5] =	wrdreg s8;
	s8 =	sshrl.u32 s18, $0x2;
	s18 =	smul.u32 $0xA000, s20  }
0x14: {  	[dreg:$0x6] =	wrdreg s0;
	s0 =	sor.u32 $0x2, s26;
	s26 =	smul.u32 $0x2800, s10  }
0x15: {  	s12 =	sadd.s32 s15, s1;
	s15 =	sshllo.u32 s22, $0x3;
	s16 =	smul.u32 $0xA000, s0  }
0x16: {  	s6 =	sadd.s32 $0x2800, s6;
	s7 =	sshrl.u32 s7, $0x2;
	s23 =	smul.u32 $0xA000, s15  }
0x17: {  	[dreg:$0x3] =	wrdreg s6;
	s6 =	sshrl.u32 s21, $0x2;
	s21 =	smul.u32 $0x14000, s22  }
0x18: {  	s2 =	sadd.s32 s9, s2;
	s7 =	sadd.s32 s7, s1;
	s0 =	smul.u32 $0x2800, s0  }
0x19: {  	p4 =	sgt.u32 @!p0 s15, $0x7C;
	s15 =	simm.s32 @p0 $0x7F;
	s22 =	simm.s32 $0x0  }
0x1a: {  	s24 =	sshrl.u32 s18, $0x2;
	[dreg:$0x7] =	wrdreg s7;
	s10 =	sadd.s32 s9, s26  }
0x1b: {  	p3 =	por p4, p0;
	p4 =	por !p4, p0;
	s17 =	sshrl.u32 s16, $0x2  }
0x1c: {  	s16 =	sadd.s32 s8, s1;
	s18 =	sadd.s32 s24, s1;
	s25 =	sadd.s32 s9, s21  }
0x1d: {  	s0 =	sadd.s32 s9, s0;
	s21 =	smul.u32 $0x2800, s20;
	s24 =	sadd.s32 s9, s19  }
0x1e: {  	s8 =	simm.s32 $0x3;
	s19 =	simm.s32 $0x5;
	s20 =	simm.s32 $0x6  }
0x1f: {  	s13 =	sadd.s32 s17, s1;
	s17 =	sadd.s32 s6, s1;
	s6 =	sshrl.u32 s23, $0x2  }
0x20: {  	s7 =	sshrl.u32 s25, $0x3;
	s0 =	sshrl.u32 s0, $0x3;
	s23 =	sshrl.u32 s2, $0x3  }
0x21: {  	s6 =	sadd.s32 s6, s1;
	s0 =	sadd.s32 s5, s0;
	s25 =	sadd.s32 s9, s21  }
0x22: {  	s21 =	simm.s32 $0x8;
	[dreg:$0x8] =	wrdreg s6;
	s6 =	sadd.s32 s5, s7  }
0x23: {  	[dreg:$0xb] =	wrdreg s0;
	s0 =	sadd.s32 s5, s23;
	s2 =	sshrl.u32 s25, $0x3  }
0x24: {  	s7 =	simm.s32 $0x2;
	[dreg:$0x9] =	wrdreg s6;
	s6 =	sshrl.u32 s10, $0x3  }
0x25: {  	[dreg:$0xc] =	wrdreg s0;
	s0 =	sshrl.u32 s24, $0x3;
	s26 =	sadd.s32 s5, s2  }
0x26: {  	s2 =	simm.s32 $0x9780;
	s6 =	sadd.s32 s5, s6;
	[dreg:$0xe] =	wrdreg s26  }
0x27: {  	s10 =	simm.s32 $0x4;
	s0 =	sadd.s32 s5, s0;
	[dreg:$0xa] =	wrdreg s6  }
0x28: {  	v0 =	vimm.f32 $0.0e+00;
	[dreg:$0xd] =	wrdreg s0;
	s0 =	simm.s32 $0x6F80;
	s6 =	simm.s32 $0x1  }
.LBB2_1:
0x29: {  	s23 =	rddreg [dreg:$0x3]  }
0x2a: {  	[tilespmem:s3], [sflag:$0x7] =	stream.linear.gather [hbm4b:s23+s3], $0x2710, $0x38;
	[tilespmem:$0x1F800] =	vst v63  }
0x2b: {  	_ =	swait.ge [sflag:s28], $0x2710  }
0x2c: {  	[sflag:s28] =	ssyncset.done $0x0  }
0x2d: {  	s26 =	rddreg [dreg:$0x4];
	[sflag:s28] =	ssyncadd.s32 $0xFFFFD8F0  }
0x2e: {  	[tilespmem:s29], [sflag:$0x7] =	stream.linear.gather [hbm4b:s26+s3], $0x1F80, $0x38;
	[tilespmem:$0x1F800] =	vst v63  }
0x2f: {  	_ =	swait.ge [sflag:s28], $0x1F80  }
0x30: {  	[sflag:s28] =	ssyncset.done $0x0  }
0x31: {  	s24 =	simm.s32 $0x3C0;
	s23 =	simm.s32 $0x70;
	[sflag:s28] =	ssyncadd.s32 $0xFFFFE080  }
.LBB2_2:
0x32: {  	p5 =	sne.s32 s24, $0x9FC0;
	[tilespmem:s23+$0x4780] =	vst v0  }
0x33: {  	[tilespmem:s23+$0x4710] =	vst v0  }
0x34: {  	[tilespmem:s23+$0x4720] =	vst v0  }
.Ltmp0:
0x35: {  	[tilespmem:s23+$0x4730] =	vst v0;
	(pc) =	sbr.rel @p5 .LBB2_2-.Ltmp0, $4  }
0x36: {  	[tilespmem:s23+$0x4740] =	vst v0  }
0x37: {  	[tilespmem:s23+$0x4750] =	vst v0  }
0x38: {  	[tilespmem:s23+$0x4760] =	vst v0  }
0x39: {  	[tilespmem:s23+$0x4770] =	vst v0;
	s23 =	sshra.s32 s24, $0x2;
	s24 =	sadd.s32 $0x200, s24  }
0x3a: {  	[tilespmem:s23+$0x4780] =	vst v0  }
0x3b: {  	[tilespmem:s23+$0x4710] =	vst v0  }
0x3c: {  	[tilespmem:s23+$0x4720] =	vst v0  }
0x3d: {  	[tilespmem:s23+$0x4730] =	vst v0  }
0x3e: {  	[tilespmem:s23+$0x4740] =	vst v0  }
0x3f: {  	[tilespmem:s23+$0x4750] =	vst v0  }
0x40: {  	[tilespmem:s23+$0x4760] =	vst v0  }
0x41: {  	[tilespmem:s23+$0x4770] =	vst v0  }
0x42: {  	[spmem:s11] =	stream.linear.scatter [tilespmem:s30], [sflag:$0x7], $0x2800, $0x38;
	[tilespmem:$0x1F800] =	vst v63  }
0x43: {  	_ =	swait.ge [sflag:s28], $0x2800  }
0x44: {  	[sflag:s28] =	ssyncset.done $0x0  }
0x45: {  	[sflag:s28] =	ssyncadd.s32 $0xFFFFD800  }
0x46: {  	[spmem:s12] =	stream.linear.scatter [tilespmem:s30], [sflag:$0x7], $0x2800, $0x38;
	[tilespmem:$0x1F800] =	vst v63  }
0x47: {  	_ =	swait.ge [sflag:s28], $0x2800  }
0x48: {  	[sflag:s28] =	ssyncset.done $0x0  }
0x49: {  	[sflag:s28] =	ssyncadd.s32 $0xFFFFD800  }
0x4a: {  	[spmem:s13] =	stream.linear.scatter [tilespmem:s30], [sflag:$0x7], $0x2800, $0x38;
	[tilespmem:$0x1F800] =	vst v63  }
0x4b: {  	_ =	swait.ge [sflag:s28], $0x2800  }
0x4c: {  	[sflag:s28] =	ssyncset.done $0x0  }
0x4d: {  	[sflag:s28] =	ssyncadd.s32 $0xFFFFD800  }
0x4e: {  	[spmem:s16] =	stream.linear.scatter [tilespmem:s30], [sflag:$0x7], $0x2800, $0x38;
	[tilespmem:$0x1F800] =	vst v63  }
0x4f: {  	_ =	swait.ge [sflag:s28], $0x2800  }
0x50: {  	[sflag:s28] =	ssyncset.done $0x0  }
0x51: {  	[sflag:s28] =	ssyncadd.s32 $0xFFFFD800  }
0x52: {  	[spmem:s17] =	stream.linear.scatter [tilespmem:s30], [sflag:$0x7], $0x2800, $0x38;
	[tilespmem:$0x1F800] =	vst v63  }
0x53: {  	_ =	swait.ge [sflag:s28], $0x2800  }
0x54: {  	[sflag:s28] =	ssyncset.done $0x0  }
0x55: {  	s23 =	simm.s32 @!p0 $0x4780;
	[sflag:s28] =	ssyncadd.s32 $0xFFFFD800  }
0x56: {  	[spmem:s18] =	stream.linear.scatter @!p0 [tilespmem:s23], [sflag:$0x7], $0x2800, $0x38;
	[tilespmem:$0x1F800] =	vst v63  }
0x57: {  	s23 =	simm.s32 @!p0 $0x7  }
0x58: {  	_ =	swait.ge @!p0 [sflag:s23], $0x2800  }
0x59: {  	[sflag:s23] =	ssyncset.done @!p0 $0x0  }
0x5a: {  	s24 =	rddreg [dreg:$0x7];
	[sflag:s23] =	ssyncadd.s32 @!p0 $0xFFFFD800;
	s23 =	simm.s32 @!p2 $0x4780  }
0x5b: {  	[spmem:s24] =	stream.linear.scatter @!p2 [tilespmem:s23], [sflag:$0x7], $0x2800, $0x38;
	[tilespmem:$0x1F800] =	vst v63  }
0x5c: {  	s23 =	simm.s32 @!p2 $0x7  }
0x5d: {  	_ =	swait.ge @!p2 [sflag:s23], $0x2800  }
0x5e: {  	[sflag:s23] =	ssyncset.done @!p2 $0x0  }
0x5f: {  	s24 =	rddreg [dreg:$0x8];
	[sflag:s23] =	ssyncadd.s32 @!p2 $0xFFFFD800;
	s23 =	simm.s32 @!p3 $0x4780  }
0x60: {  	[spmem:s24] =	stream.linear.scatter @!p3 [tilespmem:s23], [sflag:$0x7], $0x2800, $0x38;
	[tilespmem:$0x1F800] =	vst v63  }
0x61: {  	s23 =	simm.s32 @!p3 $0x7  }
0x62: {  	_ =	swait.ge @!p3 [sflag:s23], $0x2800  }
0x63: {  	[sflag:s23] =	ssyncset.done @!p3 $0x0  }
0x64: {  	[sflag:s23] =	ssyncadd.s32 @!p3 $0xFFFFD800  }
0x65: {  	s26 =	simm.s32 $0x0;
	[bflag:$0x0] =	sbarrier.arrive $0xFFFF  }
0x66: {  	[tilespmem:s30], [sflag:$0x1] =	stream.indirect.gather [hbm4b:s4+s31], $0x80, s26, s31, $0xb8;
	[tilespmem:$0x1F800] =	vst v63  }
0x67: {  	_ = 	snop  }
0x68: {  	[tilespmem:s0], [sflag:$0x2] =	stream.indirect.gather [hbm4b:s4+s31], $0x80, s31, s31, $0xb8;
	[tilespmem:$0x1F800] =	vst v63  }
0x69: {  	s24 =	simm.s32 $0xA0  }
0x6a: {  	[tilespmem:s2], [sflag:$0x3] =	stream.indirect.gather [hbm4b:s4+s31], $0x80, s24, s31, $0xb8;
	[tilespmem:$0x1F800] =	vst v63  }
0x6b: {  	_ =	swait.ge [sflag:s6], $0x2800  }
0x6c: {  	[sflag:s6] =	ssyncset.done $0x0  }
0x6d: {  	s25 =	simm.s32 $0x2780;
	[sflag:s6] =	ssyncadd.s32 $0xFFFFD800  }
0x6e: {  	[spmem:s1] =	stream.indirect.scatter.add.f32 [tilespmem:s30], [sflag:$0x4], $0x80, s25, s31, $0xb8;
	[tilespmem:$0x1F800] =	vst v63  }
0x6f: {  	_ =	swait.ge [sflag:s7], $0x2800  }
0x70: {  	[sflag:s7] =	ssyncset.done $0x0  }
0x71: {  	s26 =	simm.s32 $0x2800;
	[sflag:s7] =	ssyncadd.s32 $0xFFFFD800  }
0x72: {  	[spmem:s1] =	stream.indirect.scatter.add.f32 [tilespmem:s0], [sflag:$0x5], $0x80, s26, s31, $0xb8;
	[tilespmem:$0x1F800] =	vst v63  }
0x73: {  	_ =	swait.ge [sflag:s8], $0x2800  }
0x74: {  	[sflag:s8] =	ssyncset.done $0x0  }
0x75: {  	s24 =	simm.s32 $0x2880;
	[sflag:s8] =	ssyncadd.s32 $0xFFFFD800  }
0x76: {  	[spmem:s1] =	stream.indirect.scatter.add.f32 [tilespmem:s2], [sflag:$0x6], $0x80, s24, s31, $0xb8;
	[tilespmem:$0x1F800] =	vst v63  }
0x77: {  	_ =	swait.ge [sflag:s10], $0x2800  }
0x78: {  	[sflag:s10] =	ssyncset.done $0x0  }
0x79: {  	s25 =	simm.s32 $0xF0;
	[sflag:s10] =	ssyncadd.s32 $0xFFFFD800  }
0x7a: {  	[tilespmem:s30], [sflag:$0x1] =	stream.indirect.gather [hbm4b:s4+s31], $0x80, s25, s31, $0xb8;
	[tilespmem:$0x1F800] =	vst v63  }
0x7b: {  	_ =	swait.ge [sflag:s19], $0x2800  }
0x7c: {  	p5 =	por @!p0 $0x0, $0x0;
	[sflag:s19] =	ssyncset.done $0x0  }
0x7d: {  	p6 =	por @!p3 $0x1, $0x1;
	s26 =	simm.s32 $0x140;
	[sflag:s19] =	ssyncadd.s32 $0xFFFFD800  }
0x7e: {  	[tilespmem:s0], [sflag:$0x2] =	stream.indirect.gather [hbm4b:s4+s31], $0x80, s26, s31, $0xb8;
	[tilespmem:$0x1F800] =	vst v63  }
0x7f: {  	p6 =	por @!p4 p5, p5;
	p5 =	por $0x0, $0x0;
	_ =	swait.ge [sflag:s20], $0x2800  }
0x80: {  	p5 =	por @!p0 p6, p6;
	s23 =	simm.s32 $0x3C0;
	[sflag:s20] =	ssyncset.done $0x0  }
0x81: {  	s24 =	simm.s32 $0x2A00;
	s25 =	simm.s32 $0x190;
	[sflag:s20] =	ssyncadd.s32 $0xFFFFD800  }
.LBB2_4:
0x82: {  	[tilespmem:s2], [sflag:$0x3] =	stream.indirect.gather [hbm4b:s4+s31], $0x80, s25, s31, $0xb8;
	[tilespmem:$0x1F800] =	vst v63  }
0x83: {  	s25 =	smov.u32 s23  }
0x84: {  	p6 =	sne.s32 s23, $0x4B00;
	s23 =	sadd.s32 $0x3C0, s23;
	_ =	swait.ge [sflag:s6], $0x2800  }
0x85: {  	[sflag:s6] =	ssyncset.done $0x0  }
0x86: {  	s26 =	sadd.s32 $0xFFFFFF00, s24;
	[sflag:s6] =	ssyncadd.s32 $0xFFFFD800  }
0x87: {  	[spmem:s1] =	stream.indirect.scatter.add.f32 [tilespmem:s30], [sflag:$0x4], $0x80, s26, s31, $0xb8;
	[tilespmem:$0x1F800] =	vst v63  }
0x88: {  	_ =	swait.ge [sflag:s7], $0x2800  }
0x89: {  	[sflag:s7] =	ssyncset.done $0x0  }
0x8a: {  	s26 =	sadd.s32 $0xFFFFFF80, s24;
	[sflag:s7] =	ssyncadd.s32 $0xFFFFD800  }
0x8b: {  	[spmem:s1] =	stream.indirect.scatter.add.f32 [tilespmem:s0], [sflag:$0x5], $0x80, s26, s31, $0xb8;
	[tilespmem:$0x1F800] =	vst v63  }
0x8c: {  	_ =	swait.ge [sflag:s8], $0x2800  }
0x8d: {  	[sflag:s8] =	ssyncset.done $0x0  }
0x8e: {  	[sflag:s8] =	ssyncadd.s32 $0xFFFFD800  }
0x8f: {  	[spmem:s1] =	stream.indirect.scatter.add.f32 [tilespmem:s2], [sflag:$0x6], $0x80, s24, s31, $0xb8;
	[tilespmem:$0x1F800] =	vst v63  }
0x90: {  	_ =	swait.ge [sflag:s10], $0x2800  }
0x91: {  	s25 =	sshra.s32 s25, $0x2;
	[sflag:s10] =	ssyncset.done $0x0  }
0x92: {  	s26 =	sadd.s32 $0xF0, s25;
	[sflag:s10] =	ssyncadd.s32 $0xFFFFD800  }
0x93: {  	[tilespmem:s30], [sflag:$0x1] =	stream.indirect.gather [hbm4b:s4+s31], $0x80, s26, s31, $0xb8;
	[tilespmem:$0x1F800] =	vst v63  }
0x94: {  	_ =	swait.ge [sflag:s19], $0x2800  }
0x95: {  	[sflag:s19] =	ssyncset.done $0x0  }
.Ltmp1:
0x96: {  	s26 =	sadd.s32 $0x140, s25;
	[sflag:s19] =	ssyncadd.s32 $0xFFFFD800;
	(pc) =	sbr.rel @p6 .LBB2_4-.Ltmp1, $4  }
0x97: {  	[tilespmem:s0], [sflag:$0x2] =	stream.indirect.gather [hbm4b:s4+s31], $0x80, s26, s31, $0xb8;
	[tilespmem:$0x1F800] =	vst v63  }
0x98: {  	_ =	swait.ge [sflag:s20], $0x2800  }
0x99: {  	[sflag:s20] =	ssyncset.done $0x0  }
0x9a: {  	s24 =	sadd.s32 $0x180, s24;
	s25 =	sadd.s32 $0x190, s25;
	[sflag:s20] =	ssyncadd.s32 $0xFFFFD800  }
0x9b: {  	[tilespmem:s2], [sflag:$0x3] =	stream.indirect.gather [hbm4b:s4+s31], $0x80, s25, s31, $0xb8;
	[tilespmem:$0x1F800] =	vst v63  }
0x9c: {  	s23 =	simm.s32 $0x0;
	s24 =	rddreg [dreg:$0x5]  }
0x9d: {  	[tilespmem:s29], [sflag:$0x7] =	stream.linear.gather [hbm4b:s24+s23], $0x1F00, $0x38;
	[tilespmem:$0x1F800] =	vst v63  }
0x9e: {  	_ =	swait.ge [sflag:s28], $0x1F00  }
0x9f: {  	[sflag:s28] =	ssyncset.done $0x0  }
0xa0: {  	[sflag:s28] =	ssyncadd.s32 $0xFFFFE100  }
0xa1: {  	_ =	swait.ge [sflag:s6], $0x2800  }
0xa2: {  	[sflag:s6] =	ssyncset.done $0x0  }
0xa3: {  	s29 =	simm.s32 $0x2780;
	[sflag:s6] =	ssyncadd.s32 $0xFFFFD800  }
0xa4: {  	[spmem:s1] =	stream.indirect.scatter.add.f32 [tilespmem:s30], [sflag:$0x4], $0x80, s29, s31, $0xb8;
	[tilespmem:$0x1F800] =	vst v63  }
0xa5: {  	_ =	swait.ge [sflag:s7], $0x2800  }
0xa6: {  	[sflag:s7] =	ssyncset.done $0x0  }
0xa7: {  	s24 =	simm.s32 $0x2800;
	[sflag:s7] =	ssyncadd.s32 $0xFFFFD800  }
0xa8: {  	[spmem:s1] =	stream.indirect.scatter.add.f32 [tilespmem:s0], [sflag:$0x5], $0x80, s24, s31, $0xb8;
	[tilespmem:$0x1F800] =	vst v63  }
0xa9: {  	_ =	swait.ge [sflag:s8], $0x2800  }
0xaa: {  	[sflag:s8] =	ssyncset.done $0x0  }
0xab: {  	s25 =	simm.s32 $0x2880;
	[sflag:s8] =	ssyncadd.s32 $0xFFFFD800  }
0xac: {  	[spmem:s1] =	stream.indirect.scatter.add.f32 [tilespmem:s2], [sflag:$0x6], $0x80, s25, s31, $0xb8;
	[tilespmem:$0x1F800] =	vst v63  }
0xad: {  	_ =	swait.ge [sflag:s10], $0x2800  }
0xae: {  	[sflag:s10] =	ssyncset.done $0x0  }
0xaf: {  	s26 =	simm.s32 $0x14A0;
	[sflag:s10] =	ssyncadd.s32 $0xFFFFD800  }
0xb0: {  	[tilespmem:s30], [sflag:$0x1] =	stream.indirect.gather [hbm4b:s4+s31], $0x80, s26, s31, $0xb8;
	[tilespmem:$0x1F800] =	vst v63  }
0xb1: {  	_ =	swait.ge [sflag:s19], $0x2800  }
0xb2: {  	[sflag:s19] =	ssyncset.done $0x0  }
0xb3: {  	s29 =	simm.s32 $0x14F0;
	[sflag:s19] =	ssyncadd.s32 $0xFFFFD800  }
0xb4: {  	[tilespmem:s0], [sflag:$0x2] =	stream.indirect.gather [hbm4b:s4+s31], $0x80, s29, s31, $0xb8;
	[tilespmem:$0x1F800] =	vst v63  }
0xb5: {  	_ =	swait.ge [sflag:s20], $0x2800  }
0xb6: {  	s23 =	simm.s32 $0x1540;
	[sflag:s20] =	ssyncset.done $0x0  }
0xb7: {  	s24 =	simm.s32 $0x600;
	s25 =	simm.s32 $0x1630;
	[sflag:s20] =	ssyncadd.s32 $0xFFFFD800  }
.LBB2_6:
0xb8: {  	[tilespmem:s2], [sflag:$0x3] =	stream.indirect.gather [hbm4b:s4+s31], $0x80, s23, s31, $0xb8;
	[tilespmem:$0x1F800] =	vst v63  }
0xb9: {  	s26 =	smov.u32 s24;
	s23 =	smov.u32 s25  }
0xba: {  	p6 =	sne.s32 s24, $0x6C00;
	s24 =	sadd.s32 $0x600, s24;
	_ =	swait.ge [sflag:s6], $0x2800  }
0xbb: {  	s26 =	sshra.s32 s26, $0x2;
	[sflag:s6] =	ssyncset.done $0x0  }
0xbc: {  	s29 =	sadd.s32 $0x2780, s26;
	[sflag:s6] =	ssyncadd.s32 $0xFFFFD800  }
0xbd: {  	[spmem:s1] =	stream.indirect.scatter.add.f32 [tilespmem:s30], [sflag:$0x4], $0x80, s29, s31, $0xb8;
	[tilespmem:$0x1F800] =	vst v63  }
0xbe: {  	_ =	swait.ge [sflag:s7], $0x2800  }
0xbf: {  	[sflag:s7] =	ssyncset.done $0x0  }
0xc0: {  	s29 =	sadd.s32 $0x2800, s26;
	[sflag:s7] =	ssyncadd.s32 $0xFFFFD800  }
0xc1: {  	[spmem:s1] =	stream.indirect.scatter.add.f32 [tilespmem:s0], [sflag:$0x5], $0x80, s29, s31, $0xb8;
	[tilespmem:$0x1F800] =	vst v63  }
0xc2: {  	_ =	swait.ge [sflag:s8], $0x2800  }
0xc3: {  	[sflag:s8] =	ssyncset.done $0x0  }
0xc4: {  	s26 =	sadd.s32 $0x2880, s26;
	[sflag:s8] =	ssyncadd.s32 $0xFFFFD800  }
0xc5: {  	[spmem:s1] =	stream.indirect.scatter.add.f32 [tilespmem:s2], [sflag:$0x6], $0x80, s26, s31, $0xb8;
	[tilespmem:$0x1F800] =	vst v63  }
0xc6: {  	_ =	swait.ge [sflag:s10], $0x2800  }
0xc7: {  	[sflag:s10] =	ssyncset.done $0x0  }
0xc8: {  	s26 =	sadd.s32 $0xFFFFFF60, s25;
	[sflag:s10] =	ssyncadd.s32 $0xFFFFD800  }
0xc9: {  	[tilespmem:s30], [sflag:$0x1] =	stream.indirect.gather [hbm4b:s4+s31], $0x80, s26, s31, $0xb8;
	[tilespmem:$0x1F800] =	vst v63  }
0xca: {  	_ =	swait.ge [sflag:s19], $0x2800  }
0xcb: {  	[sflag:s19] =	ssyncset.done $0x0  }
.Ltmp2:
0xcc: {  	s26 =	sadd.s32 $0xFFFFFFB0, s25;
	[sflag:s19] =	ssyncadd.s32 $0xFFFFD800;
	(pc) =	sbr.rel @p6 .LBB2_6-.Ltmp2, $4  }
0xcd: {  	[tilespmem:s0], [sflag:$0x2] =	stream.indirect.gather [hbm4b:s4+s31], $0x80, s26, s31, $0xb8;
	[tilespmem:$0x1F800] =	vst v63  }
0xce: {  	_ =	swait.ge [sflag:s20], $0x2800  }
0xcf: {  	[sflag:s20] =	ssyncset.done $0x0  }
0xd0: {  	s25 =	sadd.s32 $0xF0, s25;
	[sflag:s20] =	ssyncadd.s32 $0xFFFFD800  }
0xd1: {  	[tilespmem:s2], [sflag:$0x3] =	stream.indirect.gather [hbm4b:s4+s31], $0x80, s23, s31, $0xb8;
	[tilespmem:$0x1F800] =	vst v63  }
0xd2: {  	_ =	swait.ge [sflag:s6], $0x2800  }
0xd3: {  	[sflag:s6] =	ssyncset.done $0x0  }
0xd4: {  	s26 =	simm.s32 $0x4400;
	[sflag:s6] =	ssyncadd.s32 $0xFFFFD800  }
0xd5: {  	[spmem:s1] =	stream.indirect.scatter.add.f32 [tilespmem:s30], [sflag:$0x4], $0x80, s26, s31, $0xb8;
	[tilespmem:$0x1F800] =	vst v63  }
0xd6: {  	_ =	swait.ge [sflag:s7], $0x2800  }
0xd7: {  	[sflag:s7] =	ssyncset.done $0x0  }
0xd8: {  	s24 =	simm.s32 $0x4480;
	[sflag:s7] =	ssyncadd.s32 $0xFFFFD800  }
0xd9: {  	[spmem:s1] =	stream.indirect.scatter.add.f32 [tilespmem:s0], [sflag:$0x5], $0x80, s24, s31, $0xb8;
	[tilespmem:$0x1F800] =	vst v63  }
0xda: {  	_ =	swait.ge [sflag:s8], $0x2800  }
0xdb: {  	[sflag:s8] =	ssyncset.done $0x0  }
0xdc: {  	s25 =	simm.s32 $0x4500;
	[sflag:s8] =	ssyncadd.s32 $0xFFFFD800  }
0xdd: {  	[spmem:s1] =	stream.indirect.scatter.add.f32 [tilespmem:s2], [sflag:$0x6], $0x80, s25, s31, $0xb8;
	[tilespmem:$0x1F800] =	vst v63  }
0xde: {  	_ =	swait.ge [sflag:s10], $0x2800  }
0xdf: {  	[sflag:s10] =	ssyncset.done $0x0  }
0xe0: {  	s26 =	simm.s32 $0x2670;
	[sflag:s10] =	ssyncadd.s32 $0xFFFFD800  }
0xe1: {  	[tilespmem:s30], [sflag:$0x1] =	stream.indirect.gather [hbm4b:s4+s31], $0x80, s26, s31, $0xb8;
	[tilespmem:$0x1F800] =	vst v63  }
0xe2: {  	_ =	swait.ge [sflag:s19], $0x2800  }
0xe3: {  	[sflag:s19] =	ssyncset.done $0x0  }
0xe4: {  	s24 =	simm.s32 $0x26C0;
	[sflag:s19] =	ssyncadd.s32 $0xFFFFD800  }
0xe5: {  	[tilespmem:s0], [sflag:$0x2] =	stream.indirect.gather [hbm4b:s4+s31], $0x80, s24, s31, $0xb8;
	[tilespmem:$0x1F800] =	vst v63  }
0xe6: {  	_ =	swait.ge [sflag:s20], $0x2800  }
0xe7: {  	[sflag:s20] =	ssyncset.done $0x0  }
0xe8: {  	[sflag:s20] =	ssyncadd.s32 $0xFFFFD800  }
0xe9: {  	_ =	swait.ge [sflag:s6], $0x2800  }
0xea: {  	[sflag:s6] =	ssyncset.done $0x0  }
0xeb: {  	s25 =	simm.s32 $0x4580;
	[sflag:s6] =	ssyncadd.s32 $0xFFFFD800  }
0xec: {  	[spmem:s1] =	stream.indirect.scatter.add.f32 [tilespmem:s30], [sflag:$0x4], $0x80, s25, s31, $0xb8;
	[tilespmem:$0x1F800] =	vst v63  }
0xed: {  	_ =	swait.ge [sflag:s10], $0x2800  }
0xee: {  	[sflag:s10] =	ssyncset.done $0x0  }
0xef: {  	[sflag:s10] =	ssyncadd.s32 $0xFFFFD800  }
0xf0: {  	_ =	swait.ge [sflag:s7], $0x2800  }
0xf1: {  	[sflag:s7] =	ssyncset.done $0x0  }
0xf2: {  	s26 =	simm.s32 $0x4600;
	[sflag:s7] =	ssyncadd.s32 $0xFFFFD800  }
0xf3: {  	[spmem:s1] =	stream.indirect.scatter.add.f32 [tilespmem:s0], [sflag:$0x5], $0x80, s26, s31, $0xb8;
	[tilespmem:$0x1F800] =	vst v63  }
0xf4: {  	_ =	swait.ge [sflag:s19], $0x2800  }
0xf5: {  	[sflag:s19] =	ssyncset.done $0x0  }
0xf6: {  	[sflag:s19] =	ssyncadd.s32 $0xFFFFD800  }
0xf7: {  	[bflag:$0x0] =	sbarrier.arrive $0xFFFF  }
0xf8: {  	[tilespmem:s30], [sflag:$0x8] =	stream.linear.gather [spmem:s11], $0x2800, $0x38;
	[tilespmem:$0x1F800] =	vst v63  }
0xf9: {  	_ =	swait.ge [sflag:s21], $0x2800  }
0xfa: {  	[sflag:s21] =	ssyncset.done $0x0  }
0xfb: {  	s24 =	rddreg [dreg:$0x9];
	[sflag:s21] =	ssyncadd.s32 $0xFFFFD800  }
0xfc: {  	[hbm4b:s24+s3] =	stream.linear.scatter [tilespmem:s30], [sflag:$0x7], $0x2800, $0x38;
	[tilespmem:$0x1F800] =	vst v63  }
0xfd: {  	_ =	swait.ge [sflag:s28], $0x2800  }
0xfe: {  	[sflag:s28] =	ssyncset.done $0x0  }
0xff: {  	[sflag:s28] =	ssyncadd.s32 $0xFFFFD800  }
0x100: {  	[tilespmem:s30], [sflag:$0x8] =	stream.linear.gather [spmem:s12], $0x2800, $0x38;
	[tilespmem:$0x1F800] =	vst v63  }
0x101: {  	_ =	swait.ge [sflag:s21], $0x2800  }
0x102: {  	[sflag:s21] =	ssyncset.done $0x0  }
0x103: {  	s25 =	rddreg [dreg:$0xa];
	[sflag:s21] =	ssyncadd.s32 $0xFFFFD800  }
0x104: {  	[hbm4b:s25+s3] =	stream.linear.scatter [tilespmem:s30], [sflag:$0x7], $0x2800, $0x38;
	[tilespmem:$0x1F800] =	vst v63  }
0x105: {  	_ =	swait.ge [sflag:s28], $0x2800  }
0x106: {  	[sflag:s28] =	ssyncset.done $0x0  }
0x107: {  	[sflag:s28] =	ssyncadd.s32 $0xFFFFD800  }
0x108: {  	[tilespmem:s30], [sflag:$0x8] =	stream.linear.gather [spmem:s13], $0x2800, $0x38;
	[tilespmem:$0x1F800] =	vst v63  }
0x109: {  	_ =	swait.ge [sflag:s21], $0x2800  }
0x10a: {  	[sflag:s21] =	ssyncset.done $0x0  }
0x10b: {  	s26 =	rddreg [dreg:$0xb];
	[sflag:s21] =	ssyncadd.s32 $0xFFFFD800  }
0x10c: {  	[hbm4b:s26+s3] =	stream.linear.scatter [tilespmem:s30], [sflag:$0x7], $0x2800, $0x38;
	[tilespmem:$0x1F800] =	vst v63  }
0x10d: {  	_ =	swait.ge [sflag:s28], $0x2800  }
0x10e: {  	[sflag:s28] =	ssyncset.done $0x0  }
0x10f: {  	[sflag:s28] =	ssyncadd.s32 $0xFFFFD800  }
0x110: {  	[tilespmem:s30], [sflag:$0x8] =	stream.linear.gather [spmem:s16], $0x2800, $0x38;
	[tilespmem:$0x1F800] =	vst v63  }
0x111: {  	_ =	swait.ge [sflag:s21], $0x2800  }
0x112: {  	[sflag:s21] =	ssyncset.done $0x0  }
0x113: {  	s24 =	rddreg [dreg:$0xc];
	[sflag:s21] =	ssyncadd.s32 $0xFFFFD800  }
0x114: {  	[hbm4b:s24+s3] =	stream.linear.scatter [tilespmem:s30], [sflag:$0x7], $0x2800, $0x38;
	[tilespmem:$0x1F800] =	vst v63  }
0x115: {  	_ =	swait.ge [sflag:s28], $0x2800  }
0x116: {  	[sflag:s28] =	ssyncset.done $0x0  }
0x117: {  	[sflag:s28] =	ssyncadd.s32 $0xFFFFD800  }
0x118: {  	[tilespmem:s30], [sflag:$0x8] =	stream.linear.gather [spmem:s17], $0x2800, $0x38;
	[tilespmem:$0x1F800] =	vst v63  }
0x119: {  	_ =	swait.ge [sflag:s21], $0x2800  }
0x11a: {  	[sflag:s21] =	ssyncset.done $0x0  }
0x11b: {  	s25 =	rddreg [dreg:$0xd];
	[sflag:s21] =	ssyncadd.s32 $0xFFFFD800  }
0x11c: {  	[hbm4b:s25+s3] =	stream.linear.scatter [tilespmem:s30], [sflag:$0x7], $0x2800, $0x38;
	[tilespmem:$0x1F800] =	vst v63  }
0x11d: {  	_ =	swait.ge [sflag:s28], $0x2800  }
0x11e: {  	[sflag:s28] =	ssyncset.done $0x0  }
0x11f: {  	s23 =	simm.s32 @!p0 $0x4780;
	s24 =	simm.s32 @!p0 $0x8;
	[sflag:s28] =	ssyncadd.s32 $0xFFFFD800  }
0x120: {  	[tilespmem:s23], [sflag:$0x8] =	stream.linear.gather @!p0 [spmem:s18], $0x2800, $0x38;
	[tilespmem:$0x1F800] =	vst v63  }
0x121: {  	_ =	swait.ge @!p0 [sflag:s24], $0x2800  }
0x122: {  	[sflag:s24] =	ssyncset.done @!p0 $0x0  }
0x123: {  	s25 =	rddreg [dreg:$0xe];
	[sflag:s24] =	ssyncadd.s32 @!p0 $0xFFFFD800;
	s24 =	simm.s32 @!p0 $0x0  }
0x124: {  	[hbm4b:s25+s24] =	stream.linear.scatter @!p0 [tilespmem:s23], [sflag:$0x7], $0x2800, $0x38;
	[tilespmem:$0x1F800] =	vst v63  }
0x125: {  	s23 =	simm.s32 @!p0 $0x7;
	s24 =	smul.u32 @p1 $0xA000, s14  }
0x126: {  	_ =	swait.ge @!p0 [sflag:s23], $0x2800  }
0x127: {  	[sflag:s23] =	ssyncset.done @!p0 $0x0;
	s24 =	sshrl.u32 @p1 s24, $0x2  }
0x128: {  	[sflag:s23] =	ssyncadd.s32 @!p0 $0xFFFFD800;
	s23 =	sadd.s32 @p1 s24, s1;
	s24 =	simm.s32 @p1 $0x4780  }
0x129: {  	[tilespmem:s24], [sflag:$0x8] =	stream.linear.gather @p1 [spmem:s23], $0x2800, $0x38;
	[tilespmem:$0x1F800] =	vst v63  }
0x12a: {  	s23 =	smul.u32 @p1 $0x2800, s14  }
0x12b: {  	s25 =	simm.s32 @p1 $0x8  }
0x12c: {  	_ =	swait.ge @p1 [sflag:s25], $0x2800;
	s23 =	sadd.s32 @p1 s9, s23  }
0x12d: {  	[sflag:s25] =	ssyncset.done @p1 $0x0;
	s23 =	sshrl.u32 @p1 s23, $0x3  }
0x12e: {  	[sflag:s25] =	ssyncadd.s32 @p1 $0xFFFFD800;
	s25 =	simm.s32 @p1 $0x0;
	s23 =	sadd.s32 @p1 s5, s23  }
0x12f: {  	[hbm4b:s23+s25] =	stream.linear.scatter @p1 [tilespmem:s24], [sflag:$0x7], $0x2800, $0x38;
	[tilespmem:$0x1F800] =	vst v63  }
0x130: {  	s23 =	simm.s32 @p1 $0x7;
	s24 =	smul.u32 @p5 $0xA000, s15  }
0x131: {  	_ =	swait.ge @p1 [sflag:s23], $0x2800  }
0x132: {  	[sflag:s23] =	ssyncset.done @p1 $0x0;
	s24 =	sshrl.u32 @p5 s24, $0x2  }
0x133: {  	[sflag:s23] =	ssyncadd.s32 @p1 $0xFFFFD800;
	s23 =	sadd.s32 @p5 s24, s1;
	s24 =	simm.s32 @p5 $0x4780  }
0x134: {  	[tilespmem:s24], [sflag:$0x8] =	stream.linear.gather @p5 [spmem:s23], $0x2800, $0x38;
	[tilespmem:$0x1F800] =	vst v63  }
0x135: {  	s23 =	smul.u32 @p5 $0x2800, s15  }
0x136: {  	s25 =	simm.s32 @p5 $0x8  }
0x137: {  	_ =	swait.ge @p5 [sflag:s25], $0x2800;
	s23 =	sadd.s32 @p5 s9, s23  }
0x138: {  	[sflag:s25] =	ssyncset.done @p5 $0x0;
	s23 =	sshrl.u32 @p5 s23, $0x3  }
0x139: {  	[sflag:s25] =	ssyncadd.s32 @p5 $0xFFFFD800;
	s25 =	simm.s32 @p5 $0x0;
	s23 =	sadd.s32 @p5 s5, s23  }
0x13a: {  	[hbm4b:s23+s25] =	stream.linear.scatter @p5 [tilespmem:s24], [sflag:$0x7], $0x2800, $0x38;
	[tilespmem:$0x1F800] =	vst v63  }
0x13b: {  	s23 =	simm.s32 @p5 $0x7  }
0x13c: {  	_ =	swait.ge @p5 [sflag:s23], $0x2800  }
0x13d: {  	s22 =	sadd.s32 $0x1, s22;
	s26 =	rddreg [dreg:$0x6]  }
0x13e: {  	p6 =	sne.s32 s22, s26  }
.Ltmp3:
0x13f: {  	_ = 	snop;
	(pc) =	sbr.rel @p6 .LBB2_1-.Ltmp3, $3  }
0x140: {  	_ =	sdelay $0x1  }
0x141: {  	[sflag:s23] =	ssyncset.done @p5 $0x0  }
0x142: {  	s29 =	simm.s32 $0x2780;
	[sflag:s23] =	ssyncadd.s32 @p5 $0xFFFFD800  }
0x143: {  	_ =	sfence.sel $0x180000  }
0x144: {  	[bflag:$0x0] =	sbarrier.arrive $0xFFFF  }
0x145: {  	_ =	strace $0x9000004D  }
0x146: {  	s0 =	stileid.u32;
	[bflag:$0x2] =	sbarrier.arrive $0xFFFF  }
0x147: {  	p0 =	sne.s32 s0, $0x0;
	s0 =	rddreg [dreg:$0x2]  }
0x148: {  	s0 =	sadd.s32 @!p0 $0x100000, s0  }
0x149: {  	[sflag:s0] =	ssyncadd.tile.s32 @!p0 $0x1;
	_ =	shalt  }
.Lfunc_end2:
_tile_overlayer_lowered:
.L_overlay_start_2:
0x14a: {  	(tag) =	ssettag $0x2  }
0x14b: {  	s0 =	rddreg [dreg:$0x0];
	s2 =	stileid.u32  }
0x14c: {  	s1 =	rddreg [dreg:$0x1];
	p0 =	sne.s32 s2, $0x0  }
0x14d: {  	s3 =	rddreg [dreg:$0x2];
	[bflag:$0x3] =	sbarrier.arrive $0xFFFF;
	s2 =	simm.s32 @!p0 $0x1C07  }
0x14e: {  	[timem:s3], [sflag:s2] =	dma.local @!p0 [hbm:s0], s1  }
0x14f: {  	s0 =	simm.s32 @!p0 $0x7  }
0x150: {  	_ =	swait.ge @!p0 [sflag:s0], s1  }
0x151: {  	s1 =	ssub.s32 @!p0 $0x0, s1;
	[sflag:s0] =	ssyncset.done @!p0 $0x0  }
0x152: {  	[sflag:s0] =	ssyncadd.s32 @!p0 s1  }
0x153: {  	[bflag:$0x3] =	sbarrier.arrive $0xFFFF  }
0x154: {  	_ =	shalt  }

// kernel: kernel.8.cloned.1.call-start
scs
__scs_entry_jumppad:
0x0: {  	(pc) =	sbr.rel $0x88, $3  }
0x1: {  	(tag) =	ssettag $0x0;
	lr =	simm.s32 $0x1  }
0x2: {  	[smem:$0x3F9A] =	sst lr;
	_ =	strace $0xD0000000  }
0x3: {  	_ = 	snop  }
0x4: {  	_ = 	snop  }
0x5: {  	_ = 	snop  }
0x6: {  	_ = 	snop  }
0x7: {  	_ = 	snop  }
__scs_overlays_trampoline_lowered:
0x8: {  	[smem:$0x3FA9] =	sst s0  }
0x9: {  	[smem:$0x3FAA] =	sst s1  }
0xa: {  	[smem:$0x3FAB] =	sst s2  }
0xb: {  	[smem:$0x3FAC] =	sst s3  }
0xc: {  	[smem:$0x3FAD] =	sst s4  }
0xd: {  	[smem:$0x3FAE] =	sst s5  }
0xe: {  	[smem:$0x3FAF] =	sst s6  }
0xf: {  	[smem:$0x3FB0] =	sst s7  }
0x10: {  	[smem:$0x3FB1] =	sst s8  }
0x11: {  	[smem:$0x3FB2] =	sst s9;
	s0 =	simm.s32 @!p0 $0x0  }
0x12: {  	s1 =	sld [smem:$0x3F98];
	s0 =	simm.s32 @p0 $0x1  }
0x13: {  	[smem:$0x3FB3] =	sst s0;
	s0 =	simm.s32 @!p1 $0x0  }
0x14: {  	s2 =	sld [smem:$0x3F97];
	s0 =	simm.s32 @p1 $0x1  }
0x15: {  	[smem:$0x3FB4] =	sst s0;
	s0 =	simm.s32 @!p2 $0x0  }
0x16: {  	s3 =	sld [smem:$0x3FDB];
	s0 =	simm.s32 @p2 $0x1  }
0x17: {  	s4 =	simm.s32 $0x1BF5;
	[smem:$0x3FB6] =	sst s0  }
0x18: {  	s0 =	sld [smem:$0x3F99];
	_ =	swait.ge [sflag:s4], $0x0  }
0x19: {  	s7 =	sld [smem:$0x3F9A]  }
0x1a: {  	s8 =	sadd.s32 $0xFFFFE003, lr  }
0x1b: {  	s9 =	sadd.s32 $0xFFFFFEF7, lr;
	s5 =	simm.s32 $0xFFFFFFFF;
	p2 =	slt.u32 s8, $0xFFFFF086  }
0x1c: {  	p1 =	slt.u32 s9, $0xF7A;
	s5 =	simm.s32 @!p2 $0x0  }
0x1d: {  	s5 =	simm.s32 @p1 $0x1;
	p0 =	seq.s32 s7, s2  }
0x1e: {  	s7 =	smul.u32 @!p0 $0xF7A, s2;
	p2 =	seq.s32 @!p0 s5, $0x0  }
0x1f: {  	s9 =	smul.u32 $0xF7A, s1;
	s8 =	simm.s32 @!p0 $0x1BF5;
	p2 =	por !p2, p0  }
0x20: {  	[sflag:s8] =	ssyncset.s32 @!p0 $0xFFFFF086;
	s6 =	sadd.s32 @!p0 s3, s7;
	s7 =	simm.s32 @!p0 $0x108  }
0x21: {  	s3 =	sadd.s32 s3, s9;
	s6 =	sadd.s32 @!p0 $0x88, s6;
	s7 =	simm.s32 @p2 $0x1082  }
0x22: {  	[simem:s7], [sflag:s8] =	dma.local @!p0 [hbm:s6], $0xF7A  }
0x23: {  	s9 =	sor.u32 $0xD0000000, s2;
	s6 =	simm.s32 $0x108;
	_ =	swait.ge @!p0 [sflag:s8], $0x0  }
0x24: {  	s3 =	sadd.s32 $0x88, s3;
	s6 =	simm.s32 @!p1 $0x1082;
	[sflag:s4] =	ssyncset.s32 $0xFFFFF086  }
0x25: {  	[simem:s6], [sflag:s4] =	dma.local [hbm:s3], $0xF7A  }
0x26: {  	[smem:$0x3F9A] =	sst s1;
	(tag) =	ssettag s2;
	_ =	strace s9  }
0x27: {  	s1 =	sld [smem:$0x3FAA]  }
0x28: {  	s2 =	sld [smem:$0x3FAB]  }
0x29: {  	s4 =	sld [smem:$0x3FAD]  }
0x2a: {  	p0 =	seq.s32 s5, $0x0;
	s5 =	sld [smem:$0x3FAE]  }
0x2b: {  	s6 =	sld [smem:$0x3FAF]  }
0x2c: {  	s7 =	sld [smem:$0x3FB0]  }
0x2d: {  	s3 =	simm.s32 $0x108;
	s8 =	sld [smem:$0x3FB1]  }
0x2e: {  	s3 =	simm.s32 @!p0 $0x1082;
	s9 =	sld [smem:$0x3FB2]  }
0x2f: {  	lr =	sadd.s32 s0, s3;
	s0 =	sld [smem:$0x3FA9]  }
0x30: {  	s3 =	sld [smem:$0x3FAC]  }
0x31: {  	[smem:$0x3FB5] =	sst s10  }
0x32: {  	s10 =	sld [smem:$0x3FB3];
	_ =	sdelay $0x3  }
0x33: {  	p0 =	seq.s32 s10, $0x1;
	s10 =	sld [smem:$0x3FB5];
	_ =	sdelay $0x3  }
0x34: {  	[smem:$0x3FB5] =	sst s10  }
0x35: {  	s10 =	sld [smem:$0x3FB4];
	_ =	sdelay $0x3  }
0x36: {  	p1 =	seq.s32 s10, $0x1;
	s10 =	sld [smem:$0x3FB5];
	_ =	sdelay $0x3  }
0x37: {  	[smem:$0x3FB5] =	sst s10  }
0x38: {  	s10 =	sld [smem:$0x3FB6]  }
0x39: {  	_ = 	snop;
	(pc) =	sbr.ind lr, $3  }
0x3a: {  	_ = 	snop  }
0x3b: {  	_ = 	snop  }
0x3c: {  	p2 =	seq.s32 s10, $0x1;
	s10 =	sld [smem:$0x3FB5]  }
0x3d: {  	_ =	shalt  }
0x3e: {  	_ =	shalt  }
0x3f: {  	_ =	shalt  }
0x40: {  	_ =	shalt  }
0x41: {  	_ =	shalt  }
0x42: {  	_ =	shalt  }
0x43: {  	_ =	shalt  }
0x44: {  	_ =	shalt  }
0x45: {  	_ =	shalt  }
0x46: {  	_ =	shalt  }
0x47: {  	_ =	shalt  }
0x48: {  	_ =	shalt  }
0x49: {  	_ =	shalt  }
0x4a: {  	_ =	shalt  }
0x4b: {  	_ =	shalt  }
0x4c: {  	_ =	shalt  }
0x4d: {  	_ =	shalt  }
0x4e: {  	_ =	shalt  }
0x4f: {  	_ =	shalt  }
0x50: {  	_ =	shalt  }
0x51: {  	_ =	shalt  }
0x52: {  	_ =	shalt  }
0x53: {  	_ =	shalt  }
0x54: {  	_ =	shalt  }
0x55: {  	_ =	shalt  }
0x56: {  	_ =	shalt  }
0x57: {  	_ =	shalt  }
0x58: {  	_ =	shalt  }
0x59: {  	_ =	shalt  }
0x5a: {  	_ =	shalt  }
0x5b: {  	_ =	shalt  }
0x5c: {  	_ =	shalt  }
0x5d: {  	_ =	shalt  }
0x5e: {  	_ =	shalt  }
0x5f: {  	_ =	shalt  }
0x60: {  	_ =	shalt  }
0x61: {  	_ =	shalt  }
0x62: {  	_ =	shalt  }
0x63: {  	_ =	shalt  }
0x64: {  	_ =	shalt  }
0x65: {  	_ =	shalt  }
0x66: {  	_ =	shalt  }
0x67: {  	_ =	shalt  }
0x68: {  	_ =	shalt  }
0x69: {  	_ =	shalt  }
0x6a: {  	_ =	shalt  }
0x6b: {  	_ =	shalt  }
0x6c: {  	_ =	shalt  }
0x6d: {  	_ =	shalt  }
0x6e: {  	_ =	shalt  }
0x6f: {  	_ =	shalt  }
0x70: {  	_ =	shalt  }
0x71: {  	_ =	shalt  }
0x72: {  	_ =	shalt  }
0x73: {  	_ =	shalt  }
0x74: {  	_ =	shalt  }
0x75: {  	_ =	shalt  }
0x76: {  	_ =	shalt  }
0x77: {  	_ =	shalt  }
0x78: {  	_ =	shalt  }
0x79: {  	_ =	shalt  }
0x7a: {  	_ =	shalt  }
0x7b: {  	_ =	shalt  }
0x7c: {  	_ =	shalt  }
0x7d: {  	_ =	shalt  }
0x7e: {  	_ =	shalt  }
0x7f: {  	_ =	shalt  }
0x80: {  	_ =	shalt  }
0x81: {  	_ =	shalt  }
0x82: {  	_ =	shalt  }
0x83: {  	_ =	shalt  }
0x84: {  	_ =	shalt  }
0x85: {  	_ =	shalt  }
0x86: {  	_ =	shalt  }
0x87: {  	_ =	shalt  }
.Lfunc_end0:
.L_simem_size_0:
called_computation_lowered:
.L_overlay_start_0:
0x88: {  	s2 =	sld [smem:$0x3FD9]  }
0x89: {  	s3 =	sld [smem:$0x3FFE];
	_ =	sdelay $0x1  }
0x8a: {  	s1 =	srdreg.scid  }
0x8b: {  	s0 =	sand.u32 $0x1, s1  }
0x8c: {  	s16 =	sshll.u32 s0, $0xA;
	s2 =	sadd.s32 s3, s2  }
0x8d: {  	s2 =	sadd.s32 s2, s16  }
0x8e: {  	[smem:$0x3FC1] =	sst s2  }
0x8f: {  	_ = 	snop  }
0x90: {  	(tm) =	ssettm $0x1  }
0x91: {  	s17 =	sld [smem:$0x3FFB];
	_ =	sdelay $0x3  }
0x92: {  	_ =	strace s17  }
0x93: {  	s2 =	sld [smem:$0x3FFC];
	_ =	sdelay $0x3  }
0x94: {  	_ =	strace s2  }
0x95: {  	s2 =	sld [smem:$0x3FFD];
	_ =	sdelay $0x3  }
0x96: {  	_ =	strace s2  }
0x97: {  	_ =	strace $0x8FFFFFFF  }
0x98: {  	s18 =	sld [smem:$0x3FDB];
	_ =	sdelay $0x1  }
0x99: {  	s19 =	simm.s32 $_scs_section_size  }
0x9a: {  	s4 =	simm.s32 $_size__tile_overlayer_lowered;
	s5 =	simm.s32 $_tile_overlayer_lowered  }
0x9b: {  	s22 =	simm.s32 $0x1BFF;
	s21 =	sshll.u32 s5, $0x1;
	s2 =	sadd.s32 s19, s18  }
0x9c: {  	s6 =	simm.s32 $0x0;
	s20 =	sshll.u32 s4, $0x1;
	s4 =	sadd.s32 s21, s2  }
0x9d: {  	[timem:s6], [sflag:s22] =	dma.local [hbm:s4], s20  }
0x9e: {  	_ =	swait.ge [sflag:s22], s20  }
0x9f: {  	s3 =	ssub.s32 $0x0, s20;
	[sflag:s22] =	ssyncset.done $0x0  }
0xa0: {  	[sflag:s22] =	ssyncadd.s32 s3;
	_ =	sdelay $0x1  }
0xa1: {  	s23 =	simm.s32 $0x1B8B  }
0xa2: {  	_ =	swait.ge [sflag:s23], $0x1  }
0xa3: {  	[sflag:s23] =	ssyncset.done $0x0  }
0xa4: {  	s25 =	simm.s32 $0x1B8E;
	s24 =	sld [smem:$0x3FFE];
	[sflag:s23] =	ssyncadd.s32 $0xFFFFFFFF  }
0xa5: {  	s26 =	simm.s32 $execute0_lowered;
	[smem:$0x3FD2] =	sst s25  }
0xa6: {  	s4 =	sshll.u32 s26, $0x1;
	_ =	strace $0x80000046;
	[dreg:$0x1] =	wrdreg $0xFFFFFFFF  }
0xa7: {  	s28 =	simm.s32 $_size_execute0_lowered;
	s2 =	sadd.s32 s2, s4;
	[dreg:$0x0] =	wrdreg $0x0  }
0xa8: {  	s4 =	sshll.u32 s28, $0x1;
	[dreg:$0x2] =	wrdreg s2  }
0xa9: {  	[dreg:$0x3] =	wrdreg s4  }
0xaa: {  	[dreg:$0x4] =	wrdreg $0xC0  }
0xab: {  	_ =	task [dreg:s6], $0x5FFFF  }
0xac: {  	[dreg:$0x1] =	wrdreg $0xFFFFFFFF  }
0xad: {  	[dreg:$0x0] =	wrdreg $0x60  }
0xae: {  	[dreg:$0x2] =	wrdreg s24  }
0xaf: {  	[dreg:$0x3] =	wrdreg $0x41000  }
0xb0: {  	[dreg:$0x4] =	wrdreg $0x9  }
0xb1: {  	_ =	task.clear_ibuf [dreg:s6], $0x5FFFF;
	_ =	strace $0x90000046  }
0xb2: {  	s29 =	simm.s32 $0x9;
	_ =	strace $0x80000048  }
0xb3: {  	_ =	swait.ge [sflag:s29], $0x1  }
0xb4: {  	[sflag:s29] =	ssyncadd.s32 $0xFFFFFFFF  }
0xb5: {  	_ =	strace $0x90000048  }
0xb6: {  	_ =	sfence  }
0xb7: {  	s30 =	sld [smem:$0x0];
	_ =	sdelay $0x2  }
0xb8: {  	s31 =	sshll.u32 s1, $0xD;
	s1 =	sshrl.u32 s1, $0x2  }
0xb9: {  	s3 =	sand.u32 $0x4000, s31;
	s1 =	sadd.s32 s1, s30  }
0xba: {  	s0 =	sor.u32 s3, s0;
	s1 =	sshll.u32 s1, $0x11  }
0xbb: {  	s0 =	sor.u32 s1, s0  }
0xbc: {  	s0 =	sadd.s32 $0x8F2B, s0  }
0xbd: {  	[sflag:s0] =	ssyncadd.remote.s32 $0x1  }
0xbe: {  	_ =	sfence.sel $0xFFFF  }
0xbf: {  	[dreg:$0x0] =	wrdreg $0xFFFFFFFF;
	(pc) =	sbr.abs _section_cstart, $3  }
0xc0: {  	[dreg:$0x1] =	wrdreg $0xFFFFFFFF  }
0xc1: {  	_ =	task.clear_ibuf [dreg:s6], $0x2FFFF;
	_ =	strace $0x9FFFFFFF  }
0xc2: {  	(tm) =	ssettm $0x7FFFFFFF  }
0xc3: {  	_ =	shalt  }
tec
execute0_lowered:
.L_overlay_start_1:
0x0: {  	(tag) =	ssettag $0x1  }
0x1: {  	s0 =	rddreg [dreg:$0x0]  }
0x2: {  	s1 =	rddreg [dreg:$0x1]  }
0x3: {  	s3 =	simm.s32 $0x0;
	s2 =	srdreg.scid;
	s11 =	stileid.u32  }
0x4: {  	p1 =	por $0x0, $0x0;
	s31 =	simm.s32 $0x2;
	[smem:$0x7FF] =	sst s3  }
0x5: {  	s2 =	sand.u32 $0x1, s2;
	s4 =	sshll.u32 s11, $0xB;
	s7 =	sshll.u32 s11, $0x3  }
0x6: {  	s8 =	smul.u32 $0xA00, s11;
	p0 =	seq.s32 s11, $0xF;
	s9 =	sor.u32 $0x1, s7  }
0x7: {  	_ =	strace $0x80000047;
	s23 =	sor.u32 $0x5, s7;
	s12 =	smul.u32 $0x140, s9  }
0x8: {  	s5 =	ssub.s32 $0x2, s2;
	s6 =	sadd.s32 s4, s0;
	s22 =	smul.u32 $0x140, s23  }
0x9: {  	s4 =	sadd.s32 $0x1C600, s0;
	s10 =	sshrl.u32 s5, $0x1;
	s9 =	smul.u32 $0x50, s9  }
0xa: {  	s13 =	sshrl.u32 s8, $0x2;
	s0 =	ssub.s32 s5, s10;
	s5 =	smul.u32 $0x2710, s2  }
0xb: {  	s2 =	sshll.u32 s2, $0xF;
	s10 =	sor.u32 $0x2, s7;
	s15 =	sadd.s32 s13, s1  }
0xc: {  	s2 =	sadd.s32 s2, s6;
	s14 =	smul.u32 $0x140, s10;
	s0 =	smax.u32 s0, $0x1  }
0xd: {  	[dreg:$0x5] =	wrdreg s15;
	s16 =	sshrl.u32 s12, $0x2;
	s12 =	sshllo.u32 s11, $0x3  }
0xe: {  	s13 =	smul.u32 $0x50, s10;
	s2 =	sadd.s32 $0xC600, s2;
	[dreg:$0x4] =	wrdreg s0  }
0xf: {  	s0 =	sor.u32 $0x3, s7;
	s24 =	smul.u32 $0x140, s12;
	p4 =	sgt.u32 @!p0 s12, $0x7C  }
0x10: {  	s12 =	simm.s32 @p0 $0x7F;
	[dreg:$0x3] =	wrdreg s2;
	s18 =	smul.u32 $0x140, s0  }
0x11: {  	s17 =	sshrl.u32 s14, $0x2;
	s2 =	sadd.s32 s16, s1;
	s0 =	smul.u32 $0x50, s0  }
0x12: {  	p3 =	por p4, p0;
	p4 =	por !p4, p0;
	[dreg:$0x6] =	wrdreg s2  }
0x13: {  	s19 =	sadd.s32 s17, s1;
	s2 =	sor.u32 $0x4, s7;
	s17 =	smul.u32 $0x280, s11  }
0x14: {  	s7 =	sor.u32 $0x6, s7;
	s26 =	sshrl.u32 s24, $0x2;
	s21 =	smul.u32 $0x140, s2  }
0x15: {  	[dreg:$0x7] =	wrdreg s19;
	s20 =	sshrl.u32 s18, $0x2;
	s15 =	smul.u32 $0x140, s7  }
0x16: {  	p5 =	slt.u32 s7, $0x7D;
	s16 =	sadd.s32 s26, s1;
	s19 =	sadd.s32 s9, s1  }
0x17: {  	s2 =	smul.u32 $0x50, s2;
	p2 =	sgt.u32 @!p0 s7, $0x7C;
	s7 =	simm.s32 @p0 $0x7E  }
0x18: {  	s6 =	sadd.s32 s20, s1;
	p2 =	por p2, p0;
	p1 =	por @!p0 p5, p5  }
0x19: {  	[dreg:$0x8] =	wrdreg s6;
	s8 =	sshrl.u32 s21, $0x2;
	s6 =	sshrl.u32 s22, $0x2  }
0x1a: {  	s25 =	sshrl.u32 s15, $0x2;
	s21 =	sadd.s32 s5, s9;
	s22 =	sadd.s32 s5, s13  }
0x1b: {  	s26 =	sadd.s32 s5, s2;
	s30 =	smul.u32 @p1 $0x50, s7;
	s7 =	simm.s32 $0x1  }
0x1c: {  	s9 =	simm.s32 $0x0;
	s8 =	sadd.s32 s8, s1;
	s14 =	sadd.s32 s6, s1  }
0x1d: {  	s15 =	sadd.s32 s25, s1;
	s24 =	sshrl.u32 s22, $0x3;
	s25 =	sadd.s32 s5, s0  }
0x1e: {  	s10 =	sshrl.u32 s26, $0x3;
	[dreg:$0x9] =	wrdreg s8;
	s8 =	sadd.s32 s5, s17  }
0x1f: {  	s17 =	sadd.s32 s17, s1;
	s22 =	sadd.s32 s4, s24;
	s26 =	sadd.s32 s4, s10  }
0x20: {  	s6 =	sshrl.u32 s8, $0x3;
	s8 =	smul.u32 $0x50, s23;
	s23 =	sadd.s32 s0, s1  }
0x21: {  	s18 =	sadd.s32 s4, s6;
	s6 =	sshrl.u32 s21, $0x3;
	s21 =	sadd.s32 s13, s1  }
0x22: {  	s20 =	sadd.s32 s4, s6;
	s6 =	sshrl.u32 s25, $0x3;
	s25 =	sadd.s32 s2, s1  }
0x23: {  	s13 =	sadd.s32 s5, s8;
	s28 =	sadd.s32 s8, s1;
	s2 =	simm.s32 $0x50  }
0x24: {  	s8 =	simm.s32 $0x3;
	s24 =	sadd.s32 s4, s6;
	s0 =	sshrl.u32 s13, $0x3  }
0x25: {  	v0 =	vimm.f32 $1.000000000e+00;
	v1 =	vimm.f32 $0.0e+00;
	s6 =	simm.s32 $0x4000;
	s29 =	sadd.s32 s4, s0;
	s0 =	simm.s32 $0x4080  }
.LBB2_1:
0x26: {  	[tilespmem:$0x4000] =	vst v0  }
0x27: {  	[tilespmem:$0x4010] =	vst v0  }
0x28: {  	[tilespmem:$0x4020] =	vst v0  }
0x29: {  	[tilespmem:$0x4030] =	vst v0  }
0x2a: {  	[tilespmem:$0x4040] =	vst v0  }
0x2b: {  	[tilespmem:$0x4080] =	vst v1  }
0x2c: {  	[tilespmem:$0x4090] =	vst v1  }
0x2d: {  	[tilespmem:$0x40A0] =	vst v1  }
0x2e: {  	[tilespmem:$0x40B0] =	vst v1  }
0x2f: {  	[tilespmem:$0x40C0] =	vst v1;
	s10 =	rddreg [dreg:$0x3]  }
0x30: {  	[tilespmem:s3], [sflag:$0x2] =	stream.linear.gather [hbm4b:s10+s3], $0x3E80, $0x38;
	[tilespmem:$0x4378] =	vst v63  }
0x31: {  	_ =	swait.ge [sflag:s31], $0x3E80  }
0x32: {  	[sflag:s31] =	ssyncset.done $0x0  }
0x33: {  	s13 =	rddreg [dreg:$0x5];
	[sflag:s31] =	ssyncadd.s32 $0xFFFFC180  }
0x34: {  	[spmem:s13] =	stream.linear.scatter [tilespmem:s0], [sflag:$0x2], $0x50, $0x38;
	[tilespmem:$0x4378] =	vst v63  }
0x35: {  	_ =	swait.ge [sflag:s31], $0x50  }
0x36: {  	[sflag:s31] =	ssyncset.done $0x0  }
0x37: {  	s11 =	rddreg [dreg:$0x6];
	[sflag:s31] =	ssyncadd.s32 $0xFFFFFFB0  }
0x38: {  	[spmem:s11] =	stream.linear.scatter [tilespmem:s0], [sflag:$0x2], $0x50, $0x38;
	[tilespmem:$0x4378] =	vst v63  }
0x39: {  	_ =	swait.ge [sflag:s31], $0x50  }
0x3a: {  	[sflag:s31] =	ssyncset.done $0x0  }
0x3b: {  	s13 =	rddreg [dreg:$0x7];
	[sflag:s31] =	ssyncadd.s32 $0xFFFFFFB0  }
0x3c: {  	[spmem:s13] =	stream.linear.scatter [tilespmem:s0], [sflag:$0x2], $0x50, $0x38;
	[tilespmem:$0x4378] =	vst v63  }
0x3d: {  	_ =	swait.ge [sflag:s31], $0x50  }
0x3e: {  	[sflag:s31] =	ssyncset.done $0x0  }
0x3f: {  	s11 =	rddreg [dreg:$0x8];
	[sflag:s31] =	ssyncadd.s32 $0xFFFFFFB0  }
0x40: {  	[spmem:s11] =	stream.linear.scatter [tilespmem:s0], [sflag:$0x2], $0x50, $0x38;
	[tilespmem:$0x4378] =	vst v63  }
0x41: {  	_ =	swait.ge [sflag:s31], $0x50  }
0x42: {  	[sflag:s31] =	ssyncset.done $0x0  }
0x43: {  	s13 =	rddreg [dreg:$0x9];
	[sflag:s31] =	ssyncadd.s32 $0xFFFFFFB0  }
0x44: {  	[spmem:s13] =	stream.linear.scatter [tilespmem:s0], [sflag:$0x2], $0x50, $0x38;
	[tilespmem:$0x4378] =	vst v63  }
0x45: {  	_ =	swait.ge [sflag:s31], $0x50  }
0x46: {  	[sflag:s31] =	ssyncset.done $0x0  }
0x47: {  	s10 =	simm.s32 @!p0 $0x4080;
	[sflag:s31] =	ssyncadd.s32 $0xFFFFFFB0  }
0x48: {  	[spmem:s14] =	stream.linear.scatter @!p0 [tilespmem:s10], [sflag:$0x2], $0x50, $0x38;
	[tilespmem:$0x4378] =	vst v63  }
0x49: {  	s10 =	simm.s32 @!p0 $0x2  }
0x4a: {  	_ =	swait.ge @!p0 [sflag:s10], $0x50  }
0x4b: {  	[sflag:s10] =	ssyncset.done @!p0 $0x0  }
0x4c: {  	[sflag:s10] =	ssyncadd.s32 @!p0 $0xFFFFFFB0;
	s10 =	simm.s32 @!p2 $0x4080  }
0x4d: {  	[spmem:s15] =	stream.linear.scatter @!p2 [tilespmem:s10], [sflag:$0x2], $0x50, $0x38;
	[tilespmem:$0x4378] =	vst v63  }
0x4e: {  	s10 =	simm.s32 @!p2 $0x2  }
0x4f: {  	_ =	swait.ge @!p2 [sflag:s10], $0x50  }
0x50: {  	[sflag:s10] =	ssyncset.done @!p2 $0x0  }
0x51: {  	[sflag:s10] =	ssyncadd.s32 @!p2 $0xFFFFFFB0;
	s10 =	simm.s32 @!p3 $0x4080  }
0x52: {  	[spmem:s16] =	stream.linear.scatter @!p3 [tilespmem:s10], [sflag:$0x2], $0x50, $0x38;
	[tilespmem:$0x4378] =	vst v63  }
0x53: {  	s10 =	simm.s32 @!p3 $0x2  }
0x54: {  	_ =	swait.ge @!p3 [sflag:s10], $0x50  }
0x55: {  	p5 =	por @!p0 $0x0, $0x0;
	p6 =	por @!p3 $0x1, $0x1;
	[sflag:s10] =	ssyncset.done @!p3 $0x0  }
0x56: {  	p6 =	por @!p4 p5, p5;
	p5 =	por $0x0, $0x0;
	[sflag:s10] =	ssyncadd.s32 @!p3 $0xFFFFFFB0  }
0x57: {  	p5 =	por @!p0 p6, p6;
	s10 =	simm.s32 $0x0;
	[bflag:$0x0] =	sbarrier.arrive $0xFFFF  }
.LBB2_2:
0x58: {  	p6 =	sne.s32 s10, $0xF800  }
.Ltmp0:
0x59: {  	_ = 	snop;
	(pc) =	sbr.rel @p6 .LBB2_2-.Ltmp0, $3  }
0x5a: {  	_ =	sdelay $0x1  }
0x5b: {  	s11 =	sshra.s32 s10, $0x2;
	s10 =	sadd.s32 $0x200, s10  }
0x5c: {  	[spmem:s1] =	stream.indirect.scatter.add.f32 [tilespmem:s6], [sflag:$0x1], $0x1, s11, s2, $0xb8;
	[tilespmem:$0x4378] =	vst v63  }
0x5d: {  	_ =	swait.ge [sflag:s7], $0x50  }
0x5e: {  	s10 =	simm.s32 $0x7C;
	[sflag:s7] =	ssyncset.done $0x0  }
.LBB2_4:
0x5f: {  	p6 =	sne.s32 s10, $0x1;
	s10 =	sadd.s32 $0xFFFFFFFF, s10;
	[sflag:s7] =	ssyncadd.s32 $0xFFFFFFB0  }
.Ltmp1:
0x60: {  	(pc) =	sbr.rel @p6 .LBB2_4-.Ltmp1, $3  }
0x61: {  	_ =	sdelay $0x1  }
0x62: {  	_ =	swait.ge [sflag:s7], $0x50  }
0x63: {  	[sflag:s7] =	ssyncset.done $0x0  }
0x64: {  	[sflag:s7] =	ssyncadd.s32 $0xFFFFFFB0  }
0x65: {  	[bflag:$0x0] =	sbarrier.arrive $0xFFFF  }
0x66: {  	[tilespmem:s0], [sflag:$0x3] =	stream.linear.gather [spmem:s17], $0x50, $0x38;
	[tilespmem:$0x4378] =	vst v63  }
0x67: {  	_ =	swait.ge [sflag:s8], $0x50  }
0x68: {  	[sflag:s8] =	ssyncset.done $0x0  }
0x69: {  	[sflag:s8] =	ssyncadd.s32 $0xFFFFFFB0  }
0x6a: {  	[hbm4b:s18+s3] =	stream.linear.scatter [tilespmem:s0], [sflag:$0x2], $0x50, $0x38;
	[tilespmem:$0x4378] =	vst v63  }
0x6b: {  	_ =	swait.ge [sflag:s31], $0x50  }
0x6c: {  	[sflag:s31] =	ssyncset.done $0x0  }
0x6d: {  	[sflag:s31] =	ssyncadd.s32 $0xFFFFFFB0  }
0x6e: {  	[tilespmem:s0], [sflag:$0x3] =	stream.linear.gather [spmem:s19], $0x50, $0x38;
	[tilespmem:$0x4378] =	vst v63  }
0x6f: {  	_ =	swait.ge [sflag:s8], $0x50  }
0x70: {  	[sflag:s8] =	ssyncset.done $0x0  }
0x71: {  	[sflag:s8] =	ssyncadd.s32 $0xFFFFFFB0  }
0x72: {  	[hbm4b:s20+s3] =	stream.linear.scatter [tilespmem:s0], [sflag:$0x2], $0x50, $0x38;
	[tilespmem:$0x4378] =	vst v63  }
0x73: {  	_ =	swait.ge [sflag:s31], $0x50  }
0x74: {  	[sflag:s31] =	ssyncset.done $0x0  }
0x75: {  	[sflag:s31] =	ssyncadd.s32 $0xFFFFFFB0  }
0x76: {  	[tilespmem:s0], [sflag:$0x3] =	stream.linear.gather [spmem:s21], $0x50, $0x38;
	[tilespmem:$0x4378] =	vst v63  }
0x77: {  	_ =	swait.ge [sflag:s8], $0x50  }
0x78: {  	[sflag:s8] =	ssyncset.done $0x0  }
0x79: {  	[sflag:s8] =	ssyncadd.s32 $0xFFFFFFB0  }
0x7a: {  	[hbm4b:s22+s3] =	stream.linear.scatter [tilespmem:s0], [sflag:$0x2], $0x50, $0x38;
	[tilespmem:$0x4378] =	vst v63  }
0x7b: {  	_ =	swait.ge [sflag:s31], $0x50  }
0x7c: {  	[sflag:s31] =	ssyncset.done $0x0  }
0x7d: {  	[sflag:s31] =	ssyncadd.s32 $0xFFFFFFB0  }
0x7e: {  	[tilespmem:s0], [sflag:$0x3] =	stream.linear.gather [spmem:s23], $0x50, $0x38;
	[tilespmem:$0x4378] =	vst v63  }
0x7f: {  	_ =	swait.ge [sflag:s8], $0x50  }
0x80: {  	[sflag:s8] =	ssyncset.done $0x0  }
0x81: {  	[sflag:s8] =	ssyncadd.s32 $0xFFFFFFB0  }
0x82: {  	[hbm4b:s24+s3] =	stream.linear.scatter [tilespmem:s0], [sflag:$0x2], $0x50, $0x38;
	[tilespmem:$0x4378] =	vst v63  }
0x83: {  	_ =	swait.ge [sflag:s31], $0x50  }
0x84: {  	[sflag:s31] =	ssyncset.done $0x0  }
0x85: {  	[sflag:s31] =	ssyncadd.s32 $0xFFFFFFB0  }
0x86: {  	[tilespmem:s0], [sflag:$0x3] =	stream.linear.gather [spmem:s25], $0x50, $0x38;
	[tilespmem:$0x4378] =	vst v63  }
0x87: {  	_ =	swait.ge [sflag:s8], $0x50  }
0x88: {  	[sflag:s8] =	ssyncset.done $0x0  }
0x89: {  	[sflag:s8] =	ssyncadd.s32 $0xFFFFFFB0  }
0x8a: {  	[hbm4b:s26+s3] =	stream.linear.scatter [tilespmem:s0], [sflag:$0x2], $0x50, $0x38;
	[tilespmem:$0x4378] =	vst v63  }
0x8b: {  	_ =	swait.ge [sflag:s31], $0x50  }
0x8c: {  	[sflag:s31] =	ssyncset.done $0x0  }
0x8d: {  	s10 =	simm.s32 @!p0 $0x4080;
	s11 =	simm.s32 @!p0 $0x3;
	[sflag:s31] =	ssyncadd.s32 $0xFFFFFFB0  }
0x8e: {  	[tilespmem:s10], [sflag:$0x3] =	stream.linear.gather @!p0 [spmem:s28], $0x50, $0x38;
	[tilespmem:$0x4378] =	vst v63  }
0x8f: {  	_ =	swait.ge @!p0 [sflag:s11], $0x50  }
0x90: {  	[sflag:s11] =	ssyncset.done @!p0 $0x0  }
0x91: {  	[sflag:s11] =	ssyncadd.s32 @!p0 $0xFFFFFFB0;
	s11 =	simm.s32 @!p0 $0x0  }
0x92: {  	[hbm4b:s29+s11] =	stream.linear.scatter @!p0 [tilespmem:s10], [sflag:$0x2], $0x50, $0x38;
	[tilespmem:$0x4378] =	vst v63  }
0x93: {  	s10 =	simm.s32 @!p0 $0x2  }
0x94: {  	_ =	swait.ge @!p0 [sflag:s10], $0x50  }
0x95: {  	[sflag:s10] =	ssyncset.done @!p0 $0x0  }
0x96: {  	s11 =	simm.s32 @p1 $0x4080;
	[sflag:s10] =	ssyncadd.s32 @!p0 $0xFFFFFFB0;
	s10 =	sadd.s32 @p1 s30, s1  }
0x97: {  	[tilespmem:s11], [sflag:$0x3] =	stream.linear.gather @p1 [spmem:s10], $0x50, $0x38;
	[tilespmem:$0x4378] =	vst v63  }
0x98: {  	s10 =	simm.s32 @p1 $0x3  }
0x99: {  	s13 =	sadd.s32 @p1 s5, s30;
	_ =	swait.ge @p1 [sflag:s10], $0x50  }
0x9a: {  	s13 =	sshrl.u32 @p1 s13, $0x3;
	[sflag:s10] =	ssyncset.done @p1 $0x0  }
0x9b: {  	[sflag:s10] =	ssyncadd.s32 @p1 $0xFFFFFFB0;
	s10 =	sadd.s32 @p1 s4, s13;
	s13 =	simm.s32 @p1 $0x0  }
0x9c: {  	[hbm4b:s10+s13] =	stream.linear.scatter @p1 [tilespmem:s11], [sflag:$0x2], $0x50, $0x38;
	[tilespmem:$0x4378] =	vst v63  }
0x9d: {  	s10 =	simm.s32 @p1 $0x2  }
0x9e: {  	s11 =	smul.u32 @p5 $0x50, s12;
	_ =	swait.ge @p1 [sflag:s10], $0x50  }
0x9f: {  	[sflag:s10] =	ssyncset.done @p1 $0x0  }
0xa0: {  	s13 =	simm.s32 @p5 $0x4080;
	[sflag:s10] =	ssyncadd.s32 @p1 $0xFFFFFFB0;
	s10 =	sadd.s32 @p5 s11, s1  }
0xa1: {  	[tilespmem:s13], [sflag:$0x3] =	stream.linear.gather @p5 [spmem:s10], $0x50, $0x38;
	[tilespmem:$0x4378] =	vst v63  }
0xa2: {  	s10 =	simm.s32 @p5 $0x3  }
0xa3: {  	s11 =	sadd.s32 @p5 s5, s11;
	_ =	swait.ge @p5 [sflag:s10], $0x50  }
0xa4: {  	s11 =	sshrl.u32 @p5 s11, $0x3;
	[sflag:s10] =	ssyncset.done @p5 $0x0  }
0xa5: {  	[sflag:s10] =	ssyncadd.s32 @p5 $0xFFFFFFB0;
	s10 =	sadd.s32 @p5 s4, s11;
	s11 =	simm.s32 @p5 $0x0  }
0xa6: {  	[hbm4b:s10+s11] =	stream.linear.scatter @p5 [tilespmem:s13], [sflag:$0x2], $0x50, $0x38;
	[tilespmem:$0x4378] =	vst v63  }
0xa7: {  	s10 =	simm.s32 @p5 $0x2  }
0xa8: {  	_ =	swait.ge @p5 [sflag:s10], $0x50  }
0xa9: {  	s9 =	sadd.s32 $0x1, s9;
	s13 =	rddreg [dreg:$0x4]  }
0xaa: {  	p6 =	sne.s32 s9, s13  }
.Ltmp2:
0xab: {  	_ = 	snop;
	(pc) =	sbr.rel @p6 .LBB2_1-.Ltmp2, $3  }
0xac: {  	_ =	sdelay $0x1  }
0xad: {  	[sflag:s10] =	ssyncset.done @p5 $0x0  }
0xae: {  	[sflag:s10] =	ssyncadd.s32 @p5 $0xFFFFFFB0  }
0xaf: {  	_ =	sfence.sel $0x180000  }
0xb0: {  	[bflag:$0x0] =	sbarrier.arrive $0xFFFF  }
0xb1: {  	_ =	strace $0x90000047  }
0xb2: {  	s0 =	stileid.u32;
	[bflag:$0x2] =	sbarrier.arrive $0xFFFF  }
0xb3: {  	p0 =	sne.s32 s0, $0x0;
	s0 =	rddreg [dreg:$0x2]  }
0xb4: {  	s0 =	sadd.s32 @!p0 $0x100000, s0  }
0xb5: {  	[sflag:s0] =	ssyncadd.tile.s32 @!p0 $0x1;
	_ =	shalt  }
.Lfunc_end2:
_tile_overlayer_lowered:
.L_overlay_start_2:
0xb6: {  	(tag) =	ssettag $0x2  }
0xb7: {  	s0 =	rddreg [dreg:$0x0];
	s2 =	stileid.u32  }
0xb8: {  	s1 =	rddreg [dreg:$0x1];
	p0 =	sne.s32 s2, $0x0  }
0xb9: {  	s3 =	rddreg [dreg:$0x2];
	[bflag:$0x3] =	sbarrier.arrive $0xFFFF;
	s2 =	simm.s32 @!p0 $0x1C02  }
0xba: {  	[timem:s3], [sflag:s2] =	dma.local @!p0 [hbm:s0], s1  }
0xbb: {  	s0 =	simm.s32 @!p0 $0x2  }
0xbc: {  	_ =	swait.ge @!p0 [sflag:s0], s1  }
0xbd: {  	s1 =	ssub.s32 @!p0 $0x0, s1;
	[sflag:s0] =	ssyncset.done @!p0 $0x0  }
0xbe: {  	[sflag:s0] =	ssyncadd.s32 @!p0 s1  }
0xbf: {  	[bflag:$0x3] =	sbarrier.arrive $0xFFFF  }
0xc0: {  	_ =	shalt  }

</sc_bundles>
